<compile_context>
chip_gen: v7x
topology: tpu7x:2x2x1
jax: 0.10.2.dev20260603
libtpu: 0.0.44.dev20260713+nightly
codegen_flags: <defaults>
</compile_context>

<pallas_src>
import functools

import jax
import jax.numpy as jnp
from jax import lax
from jax.experimental import pallas as pl
from jax.experimental.pallas import tpu as pltpu
from jax.experimental.pallas import tpu_sc as plsc

N = 10000
D = 128
E = 320000

NC, NS, L = 2, 16, 16
NW = NC * NS
N_PAD = 10112
EP = E // NW
CHUNK = 125
SEC = 4
SCH = 20
CHUNK_D = 80
SEC_D = 5
SCH_D = 25
NR = 10240
RPT = NR // NS
RB = 5056
GRID = N_PAD // RB

_mesh = plsc.VectorSubcoreMesh(core_axis_name="c", subcore_axis_name="s")
_sc_params = pltpu.CompilerParams(needs_layout_passes=False)



@functools.partial(
    pl.kernel,
    out_type=jax.ShapeDtypeStruct((NW, N_PAD), jnp.float32),
    mesh=_mesh,
    compiler_params=_sc_params,
    scratch_types=[
        pltpu.VMEM((SCH_D, CHUNK_D), jnp.int32),
        pltpu.VMEM((SCH_D, CHUNK_D), jnp.int32),
        pltpu.VMEM((N_PAD,), jnp.float32),
        pltpu.SemaphoreType.DMA,
        pltpu.SemaphoreType.DMA,
    ],
)
def _deg_kernel(ei_hbm, out_hbm, dst_v0, dst_v1, deg_v, dsem0, dsem1):
    w = lax.axis_index("c") * NS + lax.axis_index("s")
    bufs = ((dst_v0, dsem0), (dst_v1, dsem1))

    def ld(k, b):
        return pltpu.make_async_copy(ei_hbm.at[1, k, w], bufs[b][0], bufs[b][1])

    ld(0, 0).start()

    def zero_body(i, carry):
        deg_v[pl.ds(i * L, L)] = jnp.zeros((L,), jnp.float32)
        return carry

    lax.fori_loop(0, N_PAD // L, zero_body, 0)
    ones = jnp.ones((L,), jnp.float32)
    for k in range(SEC_D):
        b = k % 2
        if k + 1 < SEC_D:
            ld(k + 1, 1 - b).start()
        ld(k, b).wait()
        dvb = bufs[b][0]

        def row_body(r, carry, dvb=dvb):
            def vec_body(v, c2):
                plsc.addupdate_scatter(
                    deg_v, [dvb[r, pl.ds(v * L, L)]], ones)
                return c2

            return lax.fori_loop(0, CHUNK_D // L, vec_body, carry)

        lax.fori_loop(0, SCH_D, row_body, 0)
    pltpu.sync_copy(deg_v, out_hbm.at[w])



@functools.partial(
    pl.kernel,
    out_type=jax.ShapeDtypeStruct((NC, NR, D), jnp.float32),
    mesh=_mesh,
    compiler_params=_sc_params,
    scratch_types=[
        pltpu.VMEM((SCH, CHUNK), jnp.int32),
        pltpu.VMEM((SCH, CHUNK), jnp.int32),
        pltpu.VMEM((2, CHUNK, D), jnp.float32),
        pltpu.VMEM_SHARED((NR, D), jnp.float32),
        pltpu.SemaphoreType.DMA,
        pltpu.SemaphoreType.DMA,
    ],
)
def _scat_kernel(g_hbm, ei_hbm, out_hbm,
                 src_v, dst_v, rows_v, acc_sh, sem0, sem1):
    c = lax.axis_index("c")
    s = lax.axis_index("s")
    w = c * NS + s
    stripe = pl.ds(s * RPT, RPT)
    @pl.when(s < NS - 1)
    def _():
        pltpu.sync_copy(g_hbm.at[stripe], acc_sh.at[stripe])

    @pl.when(s == NS - 1)
    def _():
        last = pl.ds((NS - 1) * RPT, N - (NS - 1) * RPT)
        pltpu.sync_copy(g_hbm.at[last], acc_sh.at[last])

    plsc.subcore_barrier()

    def gat(i, buf, sem):
        return pltpu.make_async_copy(g_hbm.at[src_v.at[i]], rows_v.at[buf], sem)

    npairs = SCH // 2

    def sec_body(k, carry):
        pltpu.sync_copy(ei_hbm.at[0, k, w], src_v)
        pltpu.sync_copy(ei_hbm.at[1, k, w], dst_v)
        gat(0, 0, sem0).start()

        def body(j, carry2):
            i0 = j * 2
            gat(i0 + 1, 1, sem1).start()
            gat(i0, 0, sem0).wait()
            pltpu.sync_copy(rows_v.at[0], acc_sh.at[dst_v.at[i0]], add=True)

            @pl.when(j < npairs - 1)
            def _():
                gat(i0 + 2, 0, sem0).start()

            gat(i0 + 1, 1, sem1).wait()
            pltpu.sync_copy(rows_v.at[1], acc_sh.at[dst_v.at[i0 + 1]], add=True)
            return carry2

        lax.fori_loop(0, npairs, body, 0)
        return carry

    lax.fori_loop(0, SEC, sec_body, 0)
    plsc.subcore_barrier()
    pltpu.sync_copy(acc_sh.at[stripe], out_hbm.at[c, stripe])



def _dis_body(deg_ref, o_ref):
    d = lax.rsqrt(jnp.sum(deg_ref[...], axis=0) + 1.0)
    o_ref[...] = d.reshape(N_PAD, 1)


_dis_call = pl.pallas_call(
    _dis_body,
    out_shape=jax.ShapeDtypeStruct((N_PAD, 1), jnp.float32),
)


def _mm1_body(x_ref, w_ref, dis_ref, o_ref):
    o_ref[...] = jnp.dot(x_ref[...], w_ref[...],
                         preferred_element_type=jnp.float32) * dis_ref[...]


_mm1_call = pl.pallas_call(
    _mm1_body,
    grid=(GRID,),
    in_specs=[
        pl.BlockSpec((RB, D), lambda i: (i, 0)),
        pl.BlockSpec((D, D), lambda i: (0, 0)),
        pl.BlockSpec((RB, 1), lambda i: (i, 0)),
    ],
    out_specs=pl.BlockSpec((RB, D), lambda i: (i, 0)),
    out_shape=jax.ShapeDtypeStruct((N, D), jnp.float32),
)


def _mm2_body(a_ref, g_ref, dis_ref, b_ref, w_ref, o_ref):
    t = (a_ref[0] + a_ref[1] - g_ref[...]) * dis_ref[...] + b_ref[...]
    t = jnp.maximum(t, 0.0)
    o_ref[...] = jnp.dot(t, w_ref[...],
                         preferred_element_type=jnp.float32) * dis_ref[...]


_mm2_call = pl.pallas_call(
    _mm2_body,
    grid=(GRID,),
    in_specs=[
        pl.BlockSpec((NC, RB, D), lambda i: (0, i, 0)),
        pl.BlockSpec((RB, D), lambda i: (i, 0)),
        pl.BlockSpec((RB, 1), lambda i: (i, 0)),
        pl.BlockSpec((1, D), lambda i: (0, 0)),
        pl.BlockSpec((D, D), lambda i: (0, 0)),
    ],
    out_specs=pl.BlockSpec((RB, D), lambda i: (i, 0)),
    out_shape=jax.ShapeDtypeStruct((N, D), jnp.float32),
)


def _fin_body(a_ref, g_ref, dis_ref, b_ref, o_ref):
    o_ref[...] = (a_ref[0] + a_ref[1] - g_ref[...]) * dis_ref[...] + b_ref[...]


_fin_call = pl.pallas_call(
    _fin_body,
    grid=(GRID,),
    in_specs=[
        pl.BlockSpec((NC, RB, D), lambda i: (0, i, 0)),
        pl.BlockSpec((RB, D), lambda i: (i, 0)),
        pl.BlockSpec((RB, 1), lambda i: (i, 0)),
        pl.BlockSpec((1, D), lambda i: (0, 0)),
    ],
    out_specs=pl.BlockSpec((RB, D), lambda i: (i, 0)),
    out_shape=jax.ShapeDtypeStruct((N, D), jnp.float32),
)


def kernel(x, edge_index, W1, b1, W2, b2):
    ei32 = edge_index.astype(jnp.int32)
    ei = ei32.reshape(2, SEC, NW, SCH, CHUNK)
    ei_d = ei32.reshape(2, SEC_D, NW, SCH_D, CHUNK_D)

    deg_parts = _deg_kernel(ei_d)
    dis_col = _dis_call(deg_parts)

    g1 = _mm1_call(x, W1, dis_col)
    acc1 = _scat_kernel(g1, ei)
    g2 = _mm2_call(acc1, g1, dis_col, b1.reshape(1, D), W2)
    acc2 = _scat_kernel(g2, ei)
    return _fin_call(acc2, g2, dis_col, b2.reshape(1, D))

# --- scband reference (transcript-rebuilt; emitter-appended) ---
"""Pipeline reference for scband-gcn-18047452578507 (READ-ONLY COPY).

The authoritative reference and input builder live on the scoring server;
editing this copy changes nothing except your own understanding.
"""

import jax, jax.numpy as jnp
import numpy as np

N_NODES = 10000
N_EDGES = 320000
D_IN = 128
D_HID = 128
D_OUT = 128


def setup_inputs(seed: int = 0) -> dict:
    key = jax.random.key(seed)
    k1, k2, k3, k4, k5, k6 = jax.random.split(key, 6)
    x = jax.random.normal(k1, (N_NODES, D_IN), dtype=jnp.float32)
    edge_index = jax.random.randint(k2, (2, N_EDGES), 0, N_NODES, dtype=jnp.int64)
    # Glorot-style init for linear weights, zeros for bias (matches PyG GCNConv defaults)
    s1 = (6.0 / (D_IN + D_HID)) ** 0.5
    s2 = (6.0 / (D_HID + D_OUT)) ** 0.5
    W1 = jax.random.uniform(k3, (D_IN, D_HID), dtype=jnp.float32, minval=-s1, maxval=s1)
    b1 = jnp.zeros((D_HID,), dtype=jnp.float32)
    W2 = jax.random.uniform(k4, (D_HID, D_OUT), dtype=jnp.float32, minval=-s2, maxval=s2)
    b2 = jnp.zeros((D_OUT,), dtype=jnp.float32)
    return {"x": x, "edge_index": edge_index, "W1": W1, "b1": b1, "W2": W2, "b2": b2}


def _gcn_conv(x, src, dst, W, b, num_nodes):
    # linear transform first (PyG GCNConv order)
    h = x @ W
    # symmetric normalization with self-loops (self-loops already appended to src/dst)
    ones = jnp.ones((src.shape[0],), dtype=h.dtype)
    deg = jnp.zeros((num_nodes,), dtype=h.dtype).at[dst].add(ones)
    deg_inv_sqrt = jnp.where(deg > 0, deg ** -0.5, 0.0)
    norm = deg_inv_sqrt[src] * deg_inv_sqrt[dst]
    msg = h[src] * norm[:, None]
    out = jnp.zeros((num_nodes, h.shape[1]), dtype=h.dtype).at[dst].add(msg)
    return out + b


def reference(x, edge_index, W1, b1, W2, b2):
    num_nodes = x.shape[0]
    loop = jnp.arange(num_nodes, dtype=edge_index.dtype)
    src = jnp.concatenate([edge_index[0], loop])
    dst = jnp.concatenate([edge_index[1], loop])
    h = _gcn_conv(x, src, dst, W1, b1, num_nodes)
    h = jax.nn.relu(h)
    # dropout is identity in eval mode
    out = _gcn_conv(h, src, dst, W2, b2, num_nodes)
    return out

if __name__ == "__main__":
    import jax
    _d = setup_inputs()
    print(jax.jit(kernel)(*tuple(_d.values())))

</pallas_src>

<mosaic_0001>
#map = affine_map<(d0, d1) -> (0, 0)>
#map1 = affine_map<(d0, d1) -> (0, 0, 0, 0, 0)>
#map2 = affine_map<(d0, d1) -> (0, 0, 0)>
module attributes {stable_mosaic.version = 14 : i64} {
  func.func @_scat_kernel(%arg0: i32, %arg1: i32, %arg2: memref<10000x128xf32, #tpu.memory_space<hbm>>, %arg3: memref<2x4x32x20x125xi32, #tpu.memory_space<hbm>>, %arg4: memref<2x10240x128xf32, #tpu.memory_space<hbm>>, %arg5: memref<20x125xi32, #tpu.memory_space<vmem>>, %arg6: memref<20x125xi32, #tpu.memory_space<vmem>>, %arg7: memref<2x125x128xf32, #tpu.memory_space<vmem>>, %arg8: memref<10240x128xf32, #tpu.memory_space<vmem_shared>>, %arg9: memref<!tpu.dma_semaphore, #tpu.memory_space<semaphore_mem>>, %arg10: memref<!tpu.dma_semaphore, #tpu.memory_space<semaphore_mem>>) attributes {dimension_semantics = [#tpu.dimension_semantics<core_parallel>, #tpu.dimension_semantics<subcore_parallel>], iteration_bounds = array<i64: 2, 16>, scalar_prefetch = 0 : i64, scratch_operands = 6 : i64, tpu.core_type = #tpu.core_type<sc_vector_subcore>, window_params = [{transform_indices = #map}, {transform_indices = #map1}, {transform_indices = #map2}]} {
    %mul3A = arith.constant 16 : i32
    %mul3A_0 = arith.muli %arg0, %mul3A : i32
    %add3A = arith.addi %mul3A_0, %arg1 : i32
    %mul3A_1 = arith.constant 640 : i32
    %mul3A_2 = arith.muli %arg1, %mul3A_1 : i32
    %lt3A = arith.constant 15 : i32
    %lt3A_3 = arith.cmpi slt, %arg1, %lt3A : i32
    %convert_element_type3A = arith.extui %lt3A_3 : i1 to i32
    %cond3A = arith.constant 0 : i32
    %cond3A_4 = arith.cmpi ne, %convert_element_type3A, %cond3A : i32
    scf.if %cond3A_4 {
      "tpu.region"() ({
        %run_scoped3A = tpu.sem_alloc : memref<!tpu.dma_semaphore, #tpu.memory_space<semaphore_mem>>
        %dma_start3A = arith.constant 0 : i32
        %dma_start3A_15 = tpu.memref_slice %arg8[%mul3A_2, %dma_start3A] : memref<10240x128xf32, #tpu.memory_space<vmem_shared>> -> memref<640x128xf32, #tpu.memory_space<vmem_shared>>
        %dma_start3A_16 = arith.constant 0 : i32
        %dma_start3A_17 = tpu.memref_slice %arg2[%mul3A_2, %dma_start3A_16] : memref<10000x128xf32, #tpu.memory_space<hbm>> -> memref<640x128xf32, #tpu.memory_space<hbm>>
        tpu.enqueue_dma source(%dma_start3A_17 : memref<640x128xf32, #tpu.memory_space<hbm>>) target(%dma_start3A_15 : memref<640x128xf32, #tpu.memory_space<vmem_shared>>) target_semaphore(%run_scoped3A : memref<!tpu.dma_semaphore, #tpu.memory_space<semaphore_mem>>)
        %dma_wait3A = arith.constant 0 : i32
        %dma_wait3A_18 = tpu.memref_slice %arg8[%mul3A_2, %dma_wait3A] : memref<10240x128xf32, #tpu.memory_space<vmem_shared>> -> memref<640x128xf32, #tpu.memory_space<vmem_shared>>
        %dma_wait3A_19 = arith.constant 0 : i32
        %dma_wait3A_20 = tpu.memref_slice %arg2[%mul3A_2, %dma_wait3A_19] : memref<10000x128xf32, #tpu.memory_space<hbm>> -> memref<640x128xf32, #tpu.memory_space<hbm>>
        tpu.wait_dma2 semaphore(%run_scoped3A : memref<!tpu.dma_semaphore, #tpu.memory_space<semaphore_mem>>) src(%dma_wait3A_20 : memref<640x128xf32, #tpu.memory_space<hbm>>) dst(%dma_wait3A_18 : memref<640x128xf32, #tpu.memory_space<vmem_shared>>)
        tpu.yield
      }) : () -> ()
    } else {
    }
    %eq3A = arith.constant 15 : i32
    %eq3A_5 = arith.cmpi eq, %arg1, %eq3A : i32
    %convert_element_type3A_6 = arith.extui %eq3A_5 : i1 to i32
    %cond3A_7 = arith.constant 0 : i32
    %cond3A_8 = arith.cmpi ne, %convert_element_type3A_6, %cond3A_7 : i32
    scf.if %cond3A_8 {
      "tpu.region"() ({
        %run_scoped3A = tpu.sem_alloc : memref<!tpu.dma_semaphore, #tpu.memory_space<semaphore_mem>>
        %dma_start3A = arith.constant 9600 : i32
        %dma_start3A_15 = arith.constant 0 : i32
        %dma_start3A_16 = tpu.memref_slice %arg8[%dma_start3A, %dma_start3A_15] : memref<10240x128xf32, #tpu.memory_space<vmem_shared>> -> memref<400x128xf32, #tpu.memory_space<vmem_shared>>
        %dma_start3A_17 = arith.constant 9600 : i32
        %dma_start3A_18 = arith.constant 0 : i32
        %dma_start3A_19 = tpu.memref_slice %arg2[%dma_start3A_17, %dma_start3A_18] : memref<10000x128xf32, #tpu.memory_space<hbm>> -> memref<400x128xf32, #tpu.memory_space<hbm>>
        tpu.enqueue_dma source(%dma_start3A_19 : memref<400x128xf32, #tpu.memory_space<hbm>>) target(%dma_start3A_16 : memref<400x128xf32, #tpu.memory_space<vmem_shared>>) target_semaphore(%run_scoped3A : memref<!tpu.dma_semaphore, #tpu.memory_space<semaphore_mem>>)
        %dma_wait3A = arith.constant 9600 : i32
        %dma_wait3A_20 = arith.constant 0 : i32
        %dma_wait3A_21 = tpu.memref_slice %arg8[%dma_wait3A, %dma_wait3A_20] : memref<10240x128xf32, #tpu.memory_space<vmem_shared>> -> memref<400x128xf32, #tpu.memory_space<vmem_shared>>
        %dma_wait3A_22 = arith.constant 9600 : i32
        %dma_wait3A_23 = arith.constant 0 : i32
        %dma_wait3A_24 = tpu.memref_slice %arg2[%dma_wait3A_22, %dma_wait3A_23] : memref<10000x128xf32, #tpu.memory_space<hbm>> -> memref<400x128xf32, #tpu.memory_space<hbm>>
        tpu.wait_dma2 semaphore(%run_scoped3A : memref<!tpu.dma_semaphore, #tpu.memory_space<semaphore_mem>>) src(%dma_wait3A_24 : memref<400x128xf32, #tpu.memory_space<hbm>>) dst(%dma_wait3A_21 : memref<400x128xf32, #tpu.memory_space<vmem_shared>>)
        tpu.yield
      }) : () -> ()
    } else {
    }
    %barrier3A = arith.constant 0 : index
    tpu.barrier barrier_id(%barrier3A)
    %scan3A = arith.constant 0 : i32
    %scan3A_9 = arith.constant 0 : i32
    %scan3A_10 = arith.constant 4 : i32
    %scan3A_11 = arith.addi %scan3A_9, %scan3A_10 : i32
    %scan3A_12 = arith.constant 1 : i32
    scf.for %scan3A_15 = %scan3A_9 to %scan3A_11 step %scan3A_12  : i32 {
      %run_scoped3A = arith.constant 0 : i32
      "tpu.region"() ({
        %run_scoped3A_34 = tpu.sem_alloc : memref<!tpu.dma_semaphore, #tpu.memory_space<semaphore_mem>>
        %dma_start3A_35 = arith.constant 0 : i32
        %dma_start3A_36 = arith.constant 0 : i32
        %dma_start3A_37 = tpu.memref_slice %arg3[%run_scoped3A, %scan3A_15, %add3A, %dma_start3A_35, %dma_start3A_36] : memref<2x4x32x20x125xi32, #tpu.memory_space<hbm>> -> memref<1x1x1x20x125xi32, #tpu.memory_space<hbm>>
        %dma_start3A_38 = tpu.memref_squeeze %dma_start3A_37 : memref<1x1x1x20x125xi32, #tpu.memory_space<hbm>> -> memref<20x125xi32, #tpu.memory_space<hbm>>
        %dma_start3A_39 = arith.constant 0 : i32
        %dma_start3A_40 = arith.constant 0 : i32
        %dma_start3A_41 = tpu.memref_slice %arg3[%run_scoped3A, %scan3A_15, %add3A, %dma_start3A_39, %dma_start3A_40] : memref<2x4x32x20x125xi32, #tpu.memory_space<hbm>> -> memref<1x1x1x20x125xi32, #tpu.memory_space<hbm>>
        %dma_start3A_42 = tpu.memref_squeeze %dma_start3A_41 : memref<1x1x1x20x125xi32, #tpu.memory_space<hbm>> -> memref<20x125xi32, #tpu.memory_space<hbm>>
        tpu.enqueue_dma source(%dma_start3A_42 : memref<20x125xi32, #tpu.memory_space<hbm>>) target(%arg5 : memref<20x125xi32, #tpu.memory_space<vmem>>) target_semaphore(%run_scoped3A_34 : memref<!tpu.dma_semaphore, #tpu.memory_space<semaphore_mem>>)
        %dma_wait3A = arith.constant 0 : i32
        %dma_wait3A_43 = arith.constant 0 : i32
        %dma_wait3A_44 = tpu.memref_slice %arg3[%run_scoped3A, %scan3A_15, %add3A, %dma_wait3A, %dma_wait3A_43] : memref<2x4x32x20x125xi32, #tpu.memory_space<hbm>> -> memref<1x1x1x20x125xi32, #tpu.memory_space<hbm>>
        %dma_wait3A_45 = tpu.memref_squeeze %dma_wait3A_44 : memref<1x1x1x20x125xi32, #tpu.memory_space<hbm>> -> memref<20x125xi32, #tpu.memory_space<hbm>>
        %dma_wait3A_46 = arith.constant 0 : i32
        %dma_wait3A_47 = arith.constant 0 : i32
        %dma_wait3A_48 = tpu.memref_slice %arg3[%run_scoped3A, %scan3A_15, %add3A, %dma_wait3A_46, %dma_wait3A_47] : memref<2x4x32x20x125xi32, #tpu.memory_space<hbm>> -> memref<1x1x1x20x125xi32, #tpu.memory_space<hbm>>
        %dma_wait3A_49 = tpu.memref_squeeze %dma_wait3A_48 : memref<1x1x1x20x125xi32, #tpu.memory_space<hbm>> -> memref<20x125xi32, #tpu.memory_space<hbm>>
        tpu.wait_dma2 semaphore(%run_scoped3A_34 : memref<!tpu.dma_semaphore, #tpu.memory_space<semaphore_mem>>) src(%dma_wait3A_49 : memref<20x125xi32, #tpu.memory_space<hbm>>) dst(%arg5 : memref<20x125xi32, #tpu.memory_space<vmem>>)
        tpu.yield
      }) : () -> ()
      %run_scoped3A_16 = arith.constant 1 : i32
      "tpu.region"() ({
        %run_scoped3A_34 = tpu.sem_alloc : memref<!tpu.dma_semaphore, #tpu.memory_space<semaphore_mem>>
        %dma_start3A_35 = arith.constant 0 : i32
        %dma_start3A_36 = arith.constant 0 : i32
        %dma_start3A_37 = tpu.memref_slice %arg3[%run_scoped3A_16, %scan3A_15, %add3A, %dma_start3A_35, %dma_start3A_36] : memref<2x4x32x20x125xi32, #tpu.memory_space<hbm>> -> memref<1x1x1x20x125xi32, #tpu.memory_space<hbm>>
        %dma_start3A_38 = tpu.memref_squeeze %dma_start3A_37 : memref<1x1x1x20x125xi32, #tpu.memory_space<hbm>> -> memref<20x125xi32, #tpu.memory_space<hbm>>
        %dma_start3A_39 = arith.constant 0 : i32
        %dma_start3A_40 = arith.constant 0 : i32
        %dma_start3A_41 = tpu.memref_slice %arg3[%run_scoped3A_16, %scan3A_15, %add3A, %dma_start3A_39, %dma_start3A_40] : memref<2x4x32x20x125xi32, #tpu.memory_space<hbm>> -> memref<1x1x1x20x125xi32, #tpu.memory_space<hbm>>
        %dma_start3A_42 = tpu.memref_squeeze %dma_start3A_41 : memref<1x1x1x20x125xi32, #tpu.memory_space<hbm>> -> memref<20x125xi32, #tpu.memory_space<hbm>>
        tpu.enqueue_dma source(%dma_start3A_42 : memref<20x125xi32, #tpu.memory_space<hbm>>) target(%arg6 : memref<20x125xi32, #tpu.memory_space<vmem>>) target_semaphore(%run_scoped3A_34 : memref<!tpu.dma_semaphore, #tpu.memory_space<semaphore_mem>>)
        %dma_wait3A = arith.constant 0 : i32
        %dma_wait3A_43 = arith.constant 0 : i32
        %dma_wait3A_44 = tpu.memref_slice %arg3[%run_scoped3A_16, %scan3A_15, %add3A, %dma_wait3A, %dma_wait3A_43] : memref<2x4x32x20x125xi32, #tpu.memory_space<hbm>> -> memref<1x1x1x20x125xi32, #tpu.memory_space<hbm>>
        %dma_wait3A_45 = tpu.memref_squeeze %dma_wait3A_44 : memref<1x1x1x20x125xi32, #tpu.memory_space<hbm>> -> memref<20x125xi32, #tpu.memory_space<hbm>>
        %dma_wait3A_46 = arith.constant 0 : i32
        %dma_wait3A_47 = arith.constant 0 : i32
        %dma_wait3A_48 = tpu.memref_slice %arg3[%run_scoped3A_16, %scan3A_15, %add3A, %dma_wait3A_46, %dma_wait3A_47] : memref<2x4x32x20x125xi32, #tpu.memory_space<hbm>> -> memref<1x1x1x20x125xi32, #tpu.memory_space<hbm>>
        %dma_wait3A_49 = tpu.memref_squeeze %dma_wait3A_48 : memref<1x1x1x20x125xi32, #tpu.memory_space<hbm>> -> memref<20x125xi32, #tpu.memory_space<hbm>>
        tpu.wait_dma2 semaphore(%run_scoped3A_34 : memref<!tpu.dma_semaphore, #tpu.memory_space<semaphore_mem>>) src(%dma_wait3A_49 : memref<20x125xi32, #tpu.memory_space<hbm>>) dst(%arg6 : memref<20x125xi32, #tpu.memory_space<vmem>>)
        tpu.yield
      }) : () -> ()
      %dma_start3A = arith.constant 0 : i32
      %dma_start3A_17 = arith.constant 0 : i32
      %dma_start3A_18 = arith.constant 0 : i32
      %dma_start3A_19 = arith.constant 0 : i32
      %dma_start3A_20 = tpu.memref_slice %arg7[%dma_start3A_17, %dma_start3A_18, %dma_start3A_19] : memref<2x125x128xf32, #tpu.memory_space<vmem>> -> memref<1x125x128xf32, #tpu.memory_space<vmem>>
      %dma_start3A_21 = tpu.memref_squeeze %dma_start3A_20 : memref<1x125x128xf32, #tpu.memory_space<vmem>> -> memref<125x128xf32, #tpu.memory_space<vmem>>
      %dma_start3A_22 = arith.constant 0 : i32
      %dma_start3A_23 = tpu.memref_slice %arg5[%dma_start3A, %dma_start3A_22] : memref<20x125xi32, #tpu.memory_space<vmem>> -> memref<1x125xi32, #tpu.memory_space<vmem>>
      %dma_start3A_24 = tpu.memref_squeeze %dma_start3A_23 : memref<1x125xi32, #tpu.memory_space<vmem>> -> memref<125xi32, #tpu.memory_space<vmem>>
      %dma_start3A_25 = arith.constant 0 : i32
      %dma_start3A_26 = arith.constant 0 : i32
      %dma_start3A_27 = tpu.memref_slice %arg2[%dma_start3A_25, %dma_start3A_26] : memref<10000x128xf32, #tpu.memory_space<hbm>> -> memref<10000x128xf32, #tpu.memory_space<hbm>>
      tpu.enqueue_indirect_dma source(%dma_start3A_27 : memref<10000x128xf32, #tpu.memory_space<hbm>>) target(%dma_start3A_21 : memref<125x128xf32, #tpu.memory_space<vmem>>) offsets(%dma_start3A_24 : memref<125xi32, #tpu.memory_space<vmem>>) semaphore(%arg9 : memref<!tpu.dma_semaphore, #tpu.memory_space<semaphore_mem>>)
      %scan3A_28 = arith.constant 0 : i32
      %scan3A_29 = arith.constant 0 : i32
      %scan3A_30 = arith.constant 10 : i32
      %scan3A_31 = arith.addi %scan3A_29, %scan3A_30 : i32
      %scan3A_32 = arith.constant 1 : i32
      scf.for %scan3A_34 = %scan3A_29 to %scan3A_31 step %scan3A_32  : i32 {
        %mul3A_35 = arith.constant 2 : i32
        %mul3A_36 = arith.muli %scan3A_34, %mul3A_35 : i32
        %add3A_37 = arith.constant 1 : i32
        %add3A_38 = arith.addi %mul3A_36, %add3A_37 : i32
        %dma_start3A_39 = arith.constant 1 : i32
        %dma_start3A_40 = arith.constant 0 : i32
        %dma_start3A_41 = arith.constant 0 : i32
        %dma_start3A_42 = tpu.memref_slice %arg7[%dma_start3A_39, %dma_start3A_40, %dma_start3A_41] : memref<2x125x128xf32, #tpu.memory_space<vmem>> -> memref<1x125x128xf32, #tpu.memory_space<vmem>>
        %dma_start3A_43 = tpu.memref_squeeze %dma_start3A_42 : memref<1x125x128xf32, #tpu.memory_space<vmem>> -> memref<125x128xf32, #tpu.memory_space<vmem>>
        %dma_start3A_44 = arith.constant 0 : i32
        %dma_start3A_45 = tpu.memref_slice %arg5[%add3A_38, %dma_start3A_44] : memref<20x125xi32, #tpu.memory_space<vmem>> -> memref<1x125xi32, #tpu.memory_space<vmem>>
        %dma_start3A_46 = tpu.memref_squeeze %dma_start3A_45 : memref<1x125xi32, #tpu.memory_space<vmem>> -> memref<125xi32, #tpu.memory_space<vmem>>
        %dma_start3A_47 = arith.constant 0 : i32
        %dma_start3A_48 = arith.constant 0 : i32
        %dma_start3A_49 = tpu.memref_slice %arg2[%dma_start3A_47, %dma_start3A_48] : memref<10000x128xf32, #tpu.memory_space<hbm>> -> memref<10000x128xf32, #tpu.memory_space<hbm>>
        tpu.enqueue_indirect_dma source(%dma_start3A_49 : memref<10000x128xf32, #tpu.memory_space<hbm>>) target(%dma_start3A_43 : memref<125x128xf32, #tpu.memory_space<vmem>>) offsets(%dma_start3A_46 : memref<125xi32, #tpu.memory_space<vmem>>) semaphore(%arg10 : memref<!tpu.dma_semaphore, #tpu.memory_space<semaphore_mem>>)
        %dma_wait3A = arith.constant 0 : i32
        %dma_wait3A_50 = arith.constant 0 : i32
        %dma_wait3A_51 = arith.constant 0 : i32
        %dma_wait3A_52 = tpu.memref_slice %arg7[%dma_wait3A, %dma_wait3A_50, %dma_wait3A_51] : memref<2x125x128xf32, #tpu.memory_space<vmem>> -> memref<1x125x128xf32, #tpu.memory_space<vmem>>
        %dma_wait3A_53 = tpu.memref_squeeze %dma_wait3A_52 : memref<1x125x128xf32, #tpu.memory_space<vmem>> -> memref<125x128xf32, #tpu.memory_space<vmem>>
        %dma_wait3A_54 = arith.constant 0 : i32
        %dma_wait3A_55 = tpu.memref_slice %arg5[%mul3A_36, %dma_wait3A_54] : memref<20x125xi32, #tpu.memory_space<vmem>> -> memref<1x125xi32, #tpu.memory_space<vmem>>
        %dma_wait3A_56 = tpu.memref_squeeze %dma_wait3A_55 : memref<1x125xi32, #tpu.memory_space<vmem>> -> memref<125xi32, #tpu.memory_space<vmem>>
        %dma_wait3A_57 = arith.constant 0 : i32
        %dma_wait3A_58 = arith.constant 0 : i32
        %dma_wait3A_59 = tpu.memref_slice %arg2[%dma_wait3A_57, %dma_wait3A_58] : memref<10000x128xf32, #tpu.memory_space<hbm>> -> memref<10000x128xf32, #tpu.memory_space<hbm>>
        tpu.wait_indirect_dma semaphore(%arg9 : memref<!tpu.dma_semaphore, #tpu.memory_space<semaphore_mem>>) src(%dma_wait3A_59 : memref<10000x128xf32, #tpu.memory_space<hbm>>) dst(%dma_wait3A_53 : memref<125x128xf32, #tpu.memory_space<vmem>>)
        %run_scoped3A_60 = arith.constant 0 : i32
        "tpu.region"() ({
          %run_scoped3A_82 = tpu.sem_alloc : memref<!tpu.dma_semaphore, #tpu.memory_space<semaphore_mem>>
          %dma_start3A_83 = arith.constant 0 : i32
          %dma_start3A_84 = arith.constant 0 : i32
          %dma_start3A_85 = tpu.memref_slice %arg7[%run_scoped3A_60, %dma_start3A_83, %dma_start3A_84] : memref<2x125x128xf32, #tpu.memory_space<vmem>> -> memref<1x125x128xf32, #tpu.memory_space<vmem>>
          %dma_start3A_86 = tpu.memref_squeeze %dma_start3A_85 : memref<1x125x128xf32, #tpu.memory_space<vmem>> -> memref<125x128xf32, #tpu.memory_space<vmem>>
          %dma_start3A_87 = arith.constant 0 : i32
          %dma_start3A_88 = tpu.memref_slice %arg6[%mul3A_36, %dma_start3A_87] : memref<20x125xi32, #tpu.memory_space<vmem>> -> memref<1x125xi32, #tpu.memory_space<vmem>>
          %dma_start3A_89 = tpu.memref_squeeze %dma_start3A_88 : memref<1x125xi32, #tpu.memory_space<vmem>> -> memref<125xi32, #tpu.memory_space<vmem>>
          %dma_start3A_90 = arith.constant 0 : i32
          %dma_start3A_91 = arith.constant 0 : i32
          %dma_start3A_92 = tpu.memref_slice %arg8[%dma_start3A_90, %dma_start3A_91] : memref<10240x128xf32, #tpu.memory_space<vmem_shared>> -> memref<10240x128xf32, #tpu.memory_space<vmem_shared>>
          tpu.enqueue_indirect_dma source(%dma_start3A_86 : memref<125x128xf32, #tpu.memory_space<vmem>>) target(%dma_start3A_92 : memref<10240x128xf32, #tpu.memory_space<vmem_shared>>) offsets(%dma_start3A_89 : memref<125xi32, #tpu.memory_space<vmem>>) semaphore(%run_scoped3A_82 : memref<!tpu.dma_semaphore, #tpu.memory_space<semaphore_mem>>) {add = true}
          %dma_wait3A_93 = arith.constant 0 : i32
          %dma_wait3A_94 = arith.constant 0 : i32
          %dma_wait3A_95 = tpu.memref_slice %arg7[%run_scoped3A_60, %dma_wait3A_93, %dma_wait3A_94] : memref<2x125x128xf32, #tpu.memory_space<vmem>> -> memref<1x125x128xf32, #tpu.memory_space<vmem>>
          %dma_wait3A_96 = tpu.memref_squeeze %dma_wait3A_95 : memref<1x125x128xf32, #tpu.memory_space<vmem>> -> memref<125x128xf32, #tpu.memory_space<vmem>>
          %dma_wait3A_97 = arith.constant 0 : i32
          %dma_wait3A_98 = tpu.memref_slice %arg6[%mul3A_36, %dma_wait3A_97] : memref<20x125xi32, #tpu.memory_space<vmem>> -> memref<1x125xi32, #tpu.memory_space<vmem>>
          %dma_wait3A_99 = tpu.memref_squeeze %dma_wait3A_98 : memref<1x125xi32, #tpu.memory_space<vmem>> -> memref<125xi32, #tpu.memory_space<vmem>>
          %dma_wait3A_100 = arith.constant 0 : i32
          %dma_wait3A_101 = arith.constant 0 : i32
          %dma_wait3A_102 = tpu.memref_slice %arg8[%dma_wait3A_100, %dma_wait3A_101] : memref<10240x128xf32, #tpu.memory_space<vmem_shared>> -> memref<10240x128xf32, #tpu.memory_space<vmem_shared>>
          tpu.wait_indirect_dma semaphore(%run_scoped3A_82 : memref<!tpu.dma_semaphore, #tpu.memory_space<semaphore_mem>>) src(%dma_wait3A_96 : memref<125x128xf32, #tpu.memory_space<vmem>>) dst(%dma_wait3A_102 : memref<10240x128xf32, #tpu.memory_space<vmem_shared>>)
          tpu.yield
        }) : () -> ()
        %lt3A_61 = arith.constant 9 : i32
        %lt3A_62 = arith.cmpi slt, %scan3A_34, %lt3A_61 : i32
        %convert_element_type3A_63 = arith.extui %lt3A_62 : i1 to i32
        %cond3A_64 = arith.constant 0 : i32
        %cond3A_65 = arith.cmpi ne, %convert_element_type3A_63, %cond3A_64 : i32
        scf.if %cond3A_65 {
          %add3A_82 = arith.constant 2 : i32
          %add3A_83 = arith.addi %mul3A_36, %add3A_82 : i32
          %dma_start3A_84 = arith.constant 0 : i32
          %dma_start3A_85 = arith.constant 0 : i32
          %dma_start3A_86 = arith.constant 0 : i32
          %dma_start3A_87 = tpu.memref_slice %arg7[%dma_start3A_84, %dma_start3A_85, %dma_start3A_86] : memref<2x125x128xf32, #tpu.memory_space<vmem>> -> memref<1x125x128xf32, #tpu.memory_space<vmem>>
          %dma_start3A_88 = tpu.memref_squeeze %dma_start3A_87 : memref<1x125x128xf32, #tpu.memory_space<vmem>> -> memref<125x128xf32, #tpu.memory_space<vmem>>
          %dma_start3A_89 = arith.constant 0 : i32
          %dma_start3A_90 = tpu.memref_slice %arg5[%add3A_83, %dma_start3A_89] : memref<20x125xi32, #tpu.memory_space<vmem>> -> memref<1x125xi32, #tpu.memory_space<vmem>>
          %dma_start3A_91 = tpu.memref_squeeze %dma_start3A_90 : memref<1x125xi32, #tpu.memory_space<vmem>> -> memref<125xi32, #tpu.memory_space<vmem>>
          %dma_start3A_92 = arith.constant 0 : i32
          %dma_start3A_93 = arith.constant 0 : i32
          %dma_start3A_94 = tpu.memref_slice %arg2[%dma_start3A_92, %dma_start3A_93] : memref<10000x128xf32, #tpu.memory_space<hbm>> -> memref<10000x128xf32, #tpu.memory_space<hbm>>
          tpu.enqueue_indirect_dma source(%dma_start3A_94 : memref<10000x128xf32, #tpu.memory_space<hbm>>) target(%dma_start3A_88 : memref<125x128xf32, #tpu.memory_space<vmem>>) offsets(%dma_start3A_91 : memref<125xi32, #tpu.memory_space<vmem>>) semaphore(%arg9 : memref<!tpu.dma_semaphore, #tpu.memory_space<semaphore_mem>>)
        } else {
        }
        %add3A_66 = arith.constant 1 : i32
        %add3A_67 = arith.addi %mul3A_36, %add3A_66 : i32
        %dma_wait3A_68 = arith.constant 1 : i32
        %dma_wait3A_69 = arith.constant 0 : i32
        %dma_wait3A_70 = arith.constant 0 : i32
        %dma_wait3A_71 = tpu.memref_slice %arg7[%dma_wait3A_68, %dma_wait3A_69, %dma_wait3A_70] : memref<2x125x128xf32, #tpu.memory_space<vmem>> -> memref<1x125x128xf32, #tpu.memory_space<vmem>>
        %dma_wait3A_72 = tpu.memref_squeeze %dma_wait3A_71 : memref<1x125x128xf32, #tpu.memory_space<vmem>> -> memref<125x128xf32, #tpu.memory_space<vmem>>
        %dma_wait3A_73 = arith.constant 0 : i32
        %dma_wait3A_74 = tpu.memref_slice %arg5[%add3A_67, %dma_wait3A_73] : memref<20x125xi32, #tpu.memory_space<vmem>> -> memref<1x125xi32, #tpu.memory_space<vmem>>
        %dma_wait3A_75 = tpu.memref_squeeze %dma_wait3A_74 : memref<1x125xi32, #tpu.memory_space<vmem>> -> memref<125xi32, #tpu.memory_space<vmem>>
        %dma_wait3A_76 = arith.constant 0 : i32
        %dma_wait3A_77 = arith.constant 0 : i32
        %dma_wait3A_78 = tpu.memref_slice %arg2[%dma_wait3A_76, %dma_wait3A_77] : memref<10000x128xf32, #tpu.memory_space<hbm>> -> memref<10000x128xf32, #tpu.memory_space<hbm>>
        tpu.wait_indirect_dma semaphore(%arg10 : memref<!tpu.dma_semaphore, #tpu.memory_space<semaphore_mem>>) src(%dma_wait3A_78 : memref<10000x128xf32, #tpu.memory_space<hbm>>) dst(%dma_wait3A_72 : memref<125x128xf32, #tpu.memory_space<vmem>>)
        %add3A_79 = arith.constant 1 : i32
        %add3A_80 = arith.addi %mul3A_36, %add3A_79 : i32
        %run_scoped3A_81 = arith.constant 1 : i32
        "tpu.region"() ({
          %run_scoped3A_82 = tpu.sem_alloc : memref<!tpu.dma_semaphore, #tpu.memory_space<semaphore_mem>>
          %dma_start3A_83 = arith.constant 0 : i32
          %dma_start3A_84 = arith.constant 0 : i32
          %dma_start3A_85 = tpu.memref_slice %arg7[%run_scoped3A_81, %dma_start3A_83, %dma_start3A_84] : memref<2x125x128xf32, #tpu.memory_space<vmem>> -> memref<1x125x128xf32, #tpu.memory_space<vmem>>
          %dma_start3A_86 = tpu.memref_squeeze %dma_start3A_85 : memref<1x125x128xf32, #tpu.memory_space<vmem>> -> memref<125x128xf32, #tpu.memory_space<vmem>>
          %dma_start3A_87 = arith.constant 0 : i32
          %dma_start3A_88 = tpu.memref_slice %arg6[%add3A_80, %dma_start3A_87] : memref<20x125xi32, #tpu.memory_space<vmem>> -> memref<1x125xi32, #tpu.memory_space<vmem>>
          %dma_start3A_89 = tpu.memref_squeeze %dma_start3A_88 : memref<1x125xi32, #tpu.memory_space<vmem>> -> memref<125xi32, #tpu.memory_space<vmem>>
          %dma_start3A_90 = arith.constant 0 : i32
          %dma_start3A_91 = arith.constant 0 : i32
          %dma_start3A_92 = tpu.memref_slice %arg8[%dma_start3A_90, %dma_start3A_91] : memref<10240x128xf32, #tpu.memory_space<vmem_shared>> -> memref<10240x128xf32, #tpu.memory_space<vmem_shared>>
          tpu.enqueue_indirect_dma source(%dma_start3A_86 : memref<125x128xf32, #tpu.memory_space<vmem>>) target(%dma_start3A_92 : memref<10240x128xf32, #tpu.memory_space<vmem_shared>>) offsets(%dma_start3A_89 : memref<125xi32, #tpu.memory_space<vmem>>) semaphore(%run_scoped3A_82 : memref<!tpu.dma_semaphore, #tpu.memory_space<semaphore_mem>>) {add = true}
          %dma_wait3A_93 = arith.constant 0 : i32
          %dma_wait3A_94 = arith.constant 0 : i32
          %dma_wait3A_95 = tpu.memref_slice %arg7[%run_scoped3A_81, %dma_wait3A_93, %dma_wait3A_94] : memref<2x125x128xf32, #tpu.memory_space<vmem>> -> memref<1x125x128xf32, #tpu.memory_space<vmem>>
          %dma_wait3A_96 = tpu.memref_squeeze %dma_wait3A_95 : memref<1x125x128xf32, #tpu.memory_space<vmem>> -> memref<125x128xf32, #tpu.memory_space<vmem>>
          %dma_wait3A_97 = arith.constant 0 : i32
          %dma_wait3A_98 = tpu.memref_slice %arg6[%add3A_80, %dma_wait3A_97] : memref<20x125xi32, #tpu.memory_space<vmem>> -> memref<1x125xi32, #tpu.memory_space<vmem>>
          %dma_wait3A_99 = tpu.memref_squeeze %dma_wait3A_98 : memref<1x125xi32, #tpu.memory_space<vmem>> -> memref<125xi32, #tpu.memory_space<vmem>>
          %dma_wait3A_100 = arith.constant 0 : i32
          %dma_wait3A_101 = arith.constant 0 : i32
          %dma_wait3A_102 = tpu.memref_slice %arg8[%dma_wait3A_100, %dma_wait3A_101] : memref<10240x128xf32, #tpu.memory_space<vmem_shared>> -> memref<10240x128xf32, #tpu.memory_space<vmem_shared>>
          tpu.wait_indirect_dma semaphore(%run_scoped3A_82 : memref<!tpu.dma_semaphore, #tpu.memory_space<semaphore_mem>>) src(%dma_wait3A_96 : memref<125x128xf32, #tpu.memory_space<vmem>>) dst(%dma_wait3A_102 : memref<10240x128xf32, #tpu.memory_space<vmem_shared>>)
          tpu.yield
        }) : () -> ()
      }
      %scan3A_33 = arith.constant 10 : i32
    }
    %scan3A_13 = arith.constant 4 : i32
    %barrier3A_14 = arith.constant 0 : index
    tpu.barrier barrier_id(%barrier3A_14)
    "tpu.region"() ({
      %run_scoped3A = tpu.sem_alloc : memref<!tpu.dma_semaphore, #tpu.memory_space<semaphore_mem>>
      %dma_start3A = arith.constant 0 : i32
      %dma_start3A_15 = tpu.memref_slice %arg4[%arg0, %mul3A_2, %dma_start3A] : memref<2x10240x128xf32, #tpu.memory_space<hbm>> -> memref<1x640x128xf32, #tpu.memory_space<hbm>>
      %dma_start3A_16 = tpu.memref_squeeze %dma_start3A_15 : memref<1x640x128xf32, #tpu.memory_space<hbm>> -> memref<640x128xf32, #tpu.memory_space<hbm>>
      %dma_start3A_17 = arith.constant 0 : i32
      %dma_start3A_18 = tpu.memref_slice %arg8[%mul3A_2, %dma_start3A_17] : memref<10240x128xf32, #tpu.memory_space<vmem_shared>> -> memref<640x128xf32, #tpu.memory_space<vmem_shared>>
      tpu.enqueue_dma source(%dma_start3A_18 : memref<640x128xf32, #tpu.memory_space<vmem_shared>>) target(%dma_start3A_16 : memref<640x128xf32, #tpu.memory_space<hbm>>) target_semaphore(%run_scoped3A : memref<!tpu.dma_semaphore, #tpu.memory_space<semaphore_mem>>)
      %dma_wait3A = arith.constant 0 : i32
      %dma_wait3A_19 = tpu.memref_slice %arg4[%arg0, %mul3A_2, %dma_wait3A] : memref<2x10240x128xf32, #tpu.memory_space<hbm>> -> memref<1x640x128xf32, #tpu.memory_space<hbm>>
      %dma_wait3A_20 = tpu.memref_squeeze %dma_wait3A_19 : memref<1x640x128xf32, #tpu.memory_space<hbm>> -> memref<640x128xf32, #tpu.memory_space<hbm>>
      %dma_wait3A_21 = arith.constant 0 : i32
      %dma_wait3A_22 = tpu.memref_slice %arg8[%mul3A_2, %dma_wait3A_21] : memref<10240x128xf32, #tpu.memory_space<vmem_shared>> -> memref<640x128xf32, #tpu.memory_space<vmem_shared>>
      tpu.wait_dma2 semaphore(%run_scoped3A : memref<!tpu.dma_semaphore, #tpu.memory_space<semaphore_mem>>) src(%dma_wait3A_22 : memref<640x128xf32, #tpu.memory_space<vmem_shared>>) dst(%dma_wait3A_20 : memref<640x128xf32, #tpu.memory_space<hbm>>)
      tpu.yield
    }) : () -> ()
    return
  }
}

#map = affine_map<(d0, d1) -> (0, 0)>
#map1 = affine_map<(d0, d1) -> (0, 0, 0, 0, 0)>
#map2 = affine_map<(d0, d1) -> (0, 0, 0)>
module attributes {stable_mosaic.version = 14 : i64} {
  func.func @_scat_kernel(%arg0: i32, %arg1: i32, %arg2: memref<10000x128xf32, #tpu.memory_space<hbm>>, %arg3: memref<2x4x32x20x125xi32, #tpu.memory_space<hbm>>, %arg4: memref<2x10240x128xf32, #tpu.memory_space<hbm>>, %arg5: memref<20x125xi32, #tpu.memory_space<vmem>>, %arg6: memref<20x125xi32, #tpu.memory_space<vmem>>, %arg7: memref<2x125x128xf32, #tpu.memory_space<vmem>>, %arg8: memref<10240x128xf32, #tpu.memory_space<vmem_shared>>, %arg9: memref<!tpu.dma_semaphore, #tpu.memory_space<semaphore_mem>>, %arg10: memref<!tpu.dma_semaphore, #tpu.memory_space<semaphore_mem>>) attributes {dimension_semantics = [#tpu.dimension_semantics<core_parallel>, #tpu.dimension_semantics<subcore_parallel>], iteration_bounds = array<i64: 2, 16>, scalar_prefetch = 0 : i64, scratch_operands = 6 : i64, tpu.core_type = #tpu.core_type<sc_vector_subcore>, window_params = [{transform_indices = #map}, {transform_indices = #map1}, {transform_indices = #map2}]} {
    %mul3A = arith.constant 16 : i32
    %mul3A_0 = arith.muli %arg0, %mul3A : i32
    %add3A = arith.addi %mul3A_0, %arg1 : i32
    %mul3A_1 = arith.constant 640 : i32
    %mul3A_2 = arith.muli %arg1, %mul3A_1 : i32
    %lt3A = arith.constant 15 : i32
    %lt3A_3 = arith.cmpi slt, %arg1, %lt3A : i32
    %convert_element_type3A = arith.extui %lt3A_3 : i1 to i32
    %cond3A = arith.constant 0 : i32
    %cond3A_4 = arith.cmpi ne, %convert_element_type3A, %cond3A : i32
    scf.if %cond3A_4 {
      "tpu.region"() ({
        %run_scoped3A = tpu.sem_alloc : memref<!tpu.dma_semaphore, #tpu.memory_space<semaphore_mem>>
        %dma_start3A = arith.constant 0 : i32
        %dma_start3A_15 = tpu.memref_slice %arg8[%mul3A_2, %dma_start3A] : memref<10240x128xf32, #tpu.memory_space<vmem_shared>> -> memref<640x128xf32, #tpu.memory_space<vmem_shared>>
        %dma_start3A_16 = arith.constant 0 : i32
        %dma_start3A_17 = tpu.memref_slice %arg2[%mul3A_2, %dma_start3A_16] : memref<10000x128xf32, #tpu.memory_space<hbm>> -> memref<640x128xf32, #tpu.memory_space<hbm>>
        tpu.enqueue_dma source(%dma_start3A_17 : memref<640x128xf32, #tpu.memory_space<hbm>>) target(%dma_start3A_15 : memref<640x128xf32, #tpu.memory_space<vmem_shared>>) target_semaphore(%run_scoped3A : memref<!tpu.dma_semaphore, #tpu.memory_space<semaphore_mem>>)
        %dma_wait3A = arith.constant 0 : i32
        %dma_wait3A_18 = tpu.memref_slice %arg8[%mul3A_2, %dma_wait3A] : memref<10240x128xf32, #tpu.memory_space<vmem_shared>> -> memref<640x128xf32, #tpu.memory_space<vmem_shared>>
        %dma_wait3A_19 = arith.constant 0 : i32
        %dma_wait3A_20 = tpu.memref_slice %arg2[%mul3A_2, %dma_wait3A_19] : memref<10000x128xf32, #tpu.memory_space<hbm>> -> memref<640x128xf32, #tpu.memory_space<hbm>>
        tpu.wait_dma2 semaphore(%run_scoped3A : memref<!tpu.dma_semaphore, #tpu.memory_space<semaphore_mem>>) src(%dma_wait3A_20 : memref<640x128xf32, #tpu.memory_space<hbm>>) dst(%dma_wait3A_18 : memref<640x128xf32, #tpu.memory_space<vmem_shared>>)
        tpu.yield
      }) : () -> ()
    } else {
    }
    %eq3A = arith.constant 15 : i32
    %eq3A_5 = arith.cmpi eq, %arg1, %eq3A : i32
    %convert_element_type3A_6 = arith.extui %eq3A_5 : i1 to i32
    %cond3A_7 = arith.constant 0 : i32
    %cond3A_8 = arith.cmpi ne, %convert_element_type3A_6, %cond3A_7 : i32
    scf.if %cond3A_8 {
      "tpu.region"() ({
        %run_scoped3A = tpu.sem_alloc : memref<!tpu.dma_semaphore, #tpu.memory_space<semaphore_mem>>
        %dma_start3A = arith.constant 9600 : i32
        %dma_start3A_15 = arith.constant 0 : i32
        %dma_start3A_16 = tpu.memref_slice %arg8[%dma_start3A, %dma_start3A_15] : memref<10240x128xf32, #tpu.memory_space<vmem_shared>> -> memref<400x128xf32, #tpu.memory_space<vmem_shared>>
        %dma_start3A_17 = arith.constant 9600 : i32
        %dma_start3A_18 = arith.constant 0 : i32
        %dma_start3A_19 = tpu.memref_slice %arg2[%dma_start3A_17, %dma_start3A_18] : memref<10000x128xf32, #tpu.memory_space<hbm>> -> memref<400x128xf32, #tpu.memory_space<hbm>>
        tpu.enqueue_dma source(%dma_start3A_19 : memref<400x128xf32, #tpu.memory_space<hbm>>) target(%dma_start3A_16 : memref<400x128xf32, #tpu.memory_space<vmem_shared>>) target_semaphore(%run_scoped3A : memref<!tpu.dma_semaphore, #tpu.memory_space<semaphore_mem>>)
        %dma_wait3A = arith.constant 9600 : i32
        %dma_wait3A_20 = arith.constant 0 : i32
        %dma_wait3A_21 = tpu.memref_slice %arg8[%dma_wait3A, %dma_wait3A_20] : memref<10240x128xf32, #tpu.memory_space<vmem_shared>> -> memref<400x128xf32, #tpu.memory_space<vmem_shared>>
        %dma_wait3A_22 = arith.constant 9600 : i32
        %dma_wait3A_23 = arith.constant 0 : i32
        %dma_wait3A_24 = tpu.memref_slice %arg2[%dma_wait3A_22, %dma_wait3A_23] : memref<10000x128xf32, #tpu.memory_space<hbm>> -> memref<400x128xf32, #tpu.memory_space<hbm>>
        tpu.wait_dma2 semaphore(%run_scoped3A : memref<!tpu.dma_semaphore, #tpu.memory_space<semaphore_mem>>) src(%dma_wait3A_24 : memref<400x128xf32, #tpu.memory_space<hbm>>) dst(%dma_wait3A_21 : memref<400x128xf32, #tpu.memory_space<vmem_shared>>)
        tpu.yield
      }) : () -> ()
    } else {
    }
    %barrier3A = arith.constant 0 : index
    tpu.barrier barrier_id(%barrier3A)
    %scan3A = arith.constant 0 : i32
    %scan3A_9 = arith.constant 0 : i32
    %scan3A_10 = arith.constant 4 : i32
    %scan3A_11 = arith.addi %scan3A_9, %scan3A_10 : i32
    %scan3A_12 = arith.constant 1 : i32
    scf.for %scan3A_15 = %scan3A_9 to %scan3A_11 step %scan3A_12  : i32 {
      %run_scoped3A = arith.constant 0 : i32
      "tpu.region"() ({
        %run_scoped3A_34 = tpu.sem_alloc : memref<!tpu.dma_semaphore, #tpu.memory_space<semaphore_mem>>
        %dma_start3A_35 = arith.constant 0 : i32
        %dma_start3A_36 = arith.constant 0 : i32
        %dma_start3A_37 = tpu.memref_slice %arg3[%run_scoped3A, %scan3A_15, %add3A, %dma_start3A_35, %dma_start3A_36] : memref<2x4x32x20x125xi32, #tpu.memory_space<hbm>> -> memref<1x1x1x20x125xi32, #tpu.memory_space<hbm>>
        %dma_start3A_38 = tpu.memref_squeeze %dma_start3A_37 : memref<1x1x1x20x125xi32, #tpu.memory_space<hbm>> -> memref<20x125xi32, #tpu.memory_space<hbm>>
        %dma_start3A_39 = arith.constant 0 : i32
        %dma_start3A_40 = arith.constant 0 : i32
        %dma_start3A_41 = tpu.memref_slice %arg3[%run_scoped3A, %scan3A_15, %add3A, %dma_start3A_39, %dma_start3A_40] : memref<2x4x32x20x125xi32, #tpu.memory_space<hbm>> -> memref<1x1x1x20x125xi32, #tpu.memory_space<hbm>>
        %dma_start3A_42 = tpu.memref_squeeze %dma_start3A_41 : memref<1x1x1x20x125xi32, #tpu.memory_space<hbm>> -> memref<20x125xi32, #tpu.memory_space<hbm>>
        tpu.enqueue_dma source(%dma_start3A_42 : memref<20x125xi32, #tpu.memory_space<hbm>>) target(%arg5 : memref<20x125xi32, #tpu.memory_space<vmem>>) target_semaphore(%run_scoped3A_34 : memref<!tpu.dma_semaphore, #tpu.memory_space<semaphore_mem>>)
        %dma_wait3A = arith.constant 0 : i32
        %dma_wait3A_43 = arith.constant 0 : i32
        %dma_wait3A_44 = tpu.memref_slice %arg3[%run_scoped3A, %scan3A_15, %add3A, %dma_wait3A, %dma_wait3A_43] : memref<2x4x32x20x125xi32, #tpu.memory_space<hbm>> -> memref<1x1x1x20x125xi32, #tpu.memory_space<hbm>>
        %dma_wait3A_45 = tpu.memref_squeeze %dma_wait3A_44 : memref<1x1x1x20x125xi32, #tpu.memory_space<hbm>> -> memref<20x125xi32, #tpu.memory_space<hbm>>
        %dma_wait3A_46 = arith.constant 0 : i32
        %dma_wait3A_47 = arith.constant 0 : i32
        %dma_wait3A_48 = tpu.memref_slice %arg3[%run_scoped3A, %scan3A_15, %add3A, %dma_wait3A_46, %dma_wait3A_47] : memref<2x4x32x20x125xi32, #tpu.memory_space<hbm>> -> memref<1x1x1x20x125xi32, #tpu.memory_space<hbm>>
        %dma_wait3A_49 = tpu.memref_squeeze %dma_wait3A_48 : memref<1x1x1x20x125xi32, #tpu.memory_space<hbm>> -> memref<20x125xi32, #tpu.memory_space<hbm>>
        tpu.wait_dma2 semaphore(%run_scoped3A_34 : memref<!tpu.dma_semaphore, #tpu.memory_space<semaphore_mem>>) src(%dma_wait3A_49 : memref<20x125xi32, #tpu.memory_space<hbm>>) dst(%arg5 : memref<20x125xi32, #tpu.memory_space<vmem>>)
        tpu.yield
      }) : () -> ()
      %run_scoped3A_16 = arith.constant 1 : i32
      "tpu.region"() ({
        %run_scoped3A_34 = tpu.sem_alloc : memref<!tpu.dma_semaphore, #tpu.memory_space<semaphore_mem>>
        %dma_start3A_35 = arith.constant 0 : i32
        %dma_start3A_36 = arith.constant 0 : i32
        %dma_start3A_37 = tpu.memref_slice %arg3[%run_scoped3A_16, %scan3A_15, %add3A, %dma_start3A_35, %dma_start3A_36] : memref<2x4x32x20x125xi32, #tpu.memory_space<hbm>> -> memref<1x1x1x20x125xi32, #tpu.memory_space<hbm>>
        %dma_start3A_38 = tpu.memref_squeeze %dma_start3A_37 : memref<1x1x1x20x125xi32, #tpu.memory_space<hbm>> -> memref<20x125xi32, #tpu.memory_space<hbm>>
        %dma_start3A_39 = arith.constant 0 : i32
        %dma_start3A_40 = arith.constant 0 : i32
        %dma_start3A_41 = tpu.memref_slice %arg3[%run_scoped3A_16, %scan3A_15, %add3A, %dma_start3A_39, %dma_start3A_40] : memref<2x4x32x20x125xi32, #tpu.memory_space<hbm>> -> memref<1x1x1x20x125xi32, #tpu.memory_space<hbm>>
        %dma_start3A_42 = tpu.memref_squeeze %dma_start3A_41 : memref<1x1x1x20x125xi32, #tpu.memory_space<hbm>> -> memref<20x125xi32, #tpu.memory_space<hbm>>
        tpu.enqueue_dma source(%dma_start3A_42 : memref<20x125xi32, #tpu.memory_space<hbm>>) target(%arg6 : memref<20x125xi32, #tpu.memory_space<vmem>>) target_semaphore(%run_scoped3A_34 : memref<!tpu.dma_semaphore, #tpu.memory_space<semaphore_mem>>)
        %dma_wait3A = arith.constant 0 : i32
        %dma_wait3A_43 = arith.constant 0 : i32
        %dma_wait3A_44 = tpu.memref_slice %arg3[%run_scoped3A_16, %scan3A_15, %add3A, %dma_wait3A, %dma_wait3A_43] : memref<2x4x32x20x125xi32, #tpu.memory_space<hbm>> -> memref<1x1x1x20x125xi32, #tpu.memory_space<hbm>>
        %dma_wait3A_45 = tpu.memref_squeeze %dma_wait3A_44 : memref<1x1x1x20x125xi32, #tpu.memory_space<hbm>> -> memref<20x125xi32, #tpu.memory_space<hbm>>
        %dma_wait3A_46 = arith.constant 0 : i32
        %dma_wait3A_47 = arith.constant 0 : i32
        %dma_wait3A_48 = tpu.memref_slice %arg3[%run_scoped3A_16, %scan3A_15, %add3A, %dma_wait3A_46, %dma_wait3A_47] : memref<2x4x32x20x125xi32, #tpu.memory_space<hbm>> -> memref<1x1x1x20x125xi32, #tpu.memory_space<hbm>>
        %dma_wait3A_49 = tpu.memref_squeeze %dma_wait3A_48 : memref<1x1x1x20x125xi32, #tpu.memory_space<hbm>> -> memref<20x125xi32, #tpu.memory_space<hbm>>
        tpu.wait_dma2 semaphore(%run_scoped3A_34 : memref<!tpu.dma_semaphore, #tpu.memory_space<semaphore_mem>>) src(%dma_wait3A_49 : memref<20x125xi32, #tpu.memory_space<hbm>>) dst(%arg6 : memref<20x125xi32, #tpu.memory_space<vmem>>)
        tpu.yield
      }) : () -> ()
      %dma_start3A = arith.constant 0 : i32
      %dma_start3A_17 = arith.constant 0 : i32
      %dma_start3A_18 = arith.constant 0 : i32
      %dma_start3A_19 = arith.constant 0 : i32
      %dma_start3A_20 = tpu.memref_slice %arg7[%dma_start3A_17, %dma_start3A_18, %dma_start3A_19] : memref<2x125x128xf32, #tpu.memory_space<vmem>> -> memref<1x125x128xf32, #tpu.memory_space<vmem>>
      %dma_start3A_21 = tpu.memref_squeeze %dma_start3A_20 : memref<1x125x128xf32, #tpu.memory_space<vmem>> -> memref<125x128xf32, #tpu.memory_space<vmem>>
      %dma_start3A_22 = arith.constant 0 : i32
      %dma_start3A_23 = tpu.memref_slice %arg5[%dma_start3A, %dma_start3A_22] : memref<20x125xi32, #tpu.memory_space<vmem>> -> memref<1x125xi32, #tpu.memory_space<vmem>>
      %dma_start3A_24 = tpu.memref_squeeze %dma_start3A_23 : memref<1x125xi32, #tpu.memory_space<vmem>> -> memref<125xi32, #tpu.memory_space<vmem>>
      %dma_start3A_25 = arith.constant 0 : i32
      %dma_start3A_26 = arith.constant 0 : i32
      %dma_start3A_27 = tpu.memref_slice %arg2[%dma_start3A_25, %dma_start3A_26] : memref<10000x128xf32, #tpu.memory_space<hbm>> -> memref<10000x128xf32, #tpu.memory_space<hbm>>
      tpu.enqueue_indirect_dma source(%dma_start3A_27 : memref<10000x128xf32, #tpu.memory_space<hbm>>) target(%dma_start3A_21 : memref<125x128xf32, #tpu.memory_space<vmem>>) offsets(%dma_start3A_24 : memref<125xi32, #tpu.memory_space<vmem>>) semaphore(%arg9 : memref<!tpu.dma_semaphore, #tpu.memory_space<semaphore_mem>>)
      %scan3A_28 = arith.constant 0 : i32
      %scan3A_29 = arith.constant 0 : i32
      %scan3A_30 = arith.constant 10 : i32
      %scan3A_31 = arith.addi %scan3A_29, %scan3A_30 : i32
      %scan3A_32 = arith.constant 1 : i32
      scf.for %scan3A_34 = %scan3A_29 to %scan3A_31 step %scan3A_32  : i32 {
        %mul3A_35 = arith.constant 2 : i32
        %mul3A_36 = arith.muli %scan3A_34, %mul3A_35 : i32
        %add3A_37 = arith.constant 1 : i32
        %add3A_38 = arith.addi %mul3A_36, %add3A_37 : i32
        %dma_start3A_39 = arith.constant 1 : i32
        %dma_start3A_40 = arith.constant 0 : i32
        %dma_start3A_41 = arith.constant 0 : i32
        %dma_start3A_42 = tpu.memref_slice %arg7[%dma_start3A_39, %dma_start3A_40, %dma_start3A_41] : memref<2x125x128xf32, #tpu.memory_space<vmem>> -> memref<1x125x128xf32, #tpu.memory_space<vmem>>
        %dma_start3A_43 = tpu.memref_squeeze %dma_start3A_42 : memref<1x125x128xf32, #tpu.memory_space<vmem>> -> memref<125x128xf32, #tpu.memory_space<vmem>>
        %dma_start3A_44 = arith.constant 0 : i32
        %dma_start3A_45 = tpu.memref_slice %arg5[%add3A_38, %dma_start3A_44] : memref<20x125xi32, #tpu.memory_space<vmem>> -> memref<1x125xi32, #tpu.memory_space<vmem>>
        %dma_start3A_46 = tpu.memref_squeeze %dma_start3A_45 : memref<1x125xi32, #tpu.memory_space<vmem>> -> memref<125xi32, #tpu.memory_space<vmem>>
        %dma_start3A_47 = arith.constant 0 : i32
        %dma_start3A_48 = arith.constant 0 : i32
        %dma_start3A_49 = tpu.memref_slice %arg2[%dma_start3A_47, %dma_start3A_48] : memref<10000x128xf32, #tpu.memory_space<hbm>> -> memref<10000x128xf32, #tpu.memory_space<hbm>>
        tpu.enqueue_indirect_dma source(%dma_start3A_49 : memref<10000x128xf32, #tpu.memory_space<hbm>>) target(%dma_start3A_43 : memref<125x128xf32, #tpu.memory_space<vmem>>) offsets(%dma_start3A_46 : memref<125xi32, #tpu.memory_space<vmem>>) semaphore(%arg10 : memref<!tpu.dma_semaphore, #tpu.memory_space<semaphore_mem>>)
        %dma_wait3A = arith.constant 0 : i32
        %dma_wait3A_50 = arith.constant 0 : i32
        %dma_wait3A_51 = arith.constant 0 : i32
        %dma_wait3A_52 = tpu.memref_slice %arg7[%dma_wait3A, %dma_wait3A_50, %dma_wait3A_51] : memref<2x125x128xf32, #tpu.memory_space<vmem>> -> memref<1x125x128xf32, #tpu.memory_space<vmem>>
        %dma_wait3A_53 = tpu.memref_squeeze %dma_wait3A_52 : memref<1x125x128xf32, #tpu.memory_space<vmem>> -> memref<125x128xf32, #tpu.memory_space<vmem>>
        %dma_wait3A_54 = arith.constant 0 : i32
        %dma_wait3A_55 = tpu.memref_slice %arg5[%mul3A_36, %dma_wait3A_54] : memref<20x125xi32, #tpu.memory_space<vmem>> -> memref<1x125xi32, #tpu.memory_space<vmem>>
        %dma_wait3A_56 = tpu.memref_squeeze %dma_wait3A_55 : memref<1x125xi32, #tpu.memory_space<vmem>> -> memref<125xi32, #tpu.memory_space<vmem>>
        %dma_wait3A_57 = arith.constant 0 : i32
        %dma_wait3A_58 = arith.constant 0 : i32
        %dma_wait3A_59 = tpu.memref_slice %arg2[%dma_wait3A_57, %dma_wait3A_58] : memref<10000x128xf32, #tpu.memory_space<hbm>> -> memref<10000x128xf32, #tpu.memory_space<hbm>>
        tpu.wait_indirect_dma semaphore(%arg9 : memref<!tpu.dma_semaphore, #tpu.memory_space<semaphore_mem>>) src(%dma_wait3A_59 : memref<10000x128xf32, #tpu.memory_space<hbm>>) dst(%dma_wait3A_53 : memref<125x128xf32, #tpu.memory_space<vmem>>)
        %run_scoped3A_60 = arith.constant 0 : i32
        "tpu.region"() ({
          %run_scoped3A_82 = tpu.sem_alloc : memref<!tpu.dma_semaphore, #tpu.memory_space<semaphore_mem>>
          %dma_start3A_83 = arith.constant 0 : i32
          %dma_start3A_84 = arith.constant 0 : i32
          %dma_start3A_85 = tpu.memref_slice %arg7[%run_scoped3A_60, %dma_start3A_83, %dma_start3A_84] : memref<2x125x128xf32, #tpu.memory_space<vmem>> -> memref<1x125x128xf32, #tpu.memory_space<vmem>>
          %dma_start3A_86 = tpu.memref_squeeze %dma_start3A_85 : memref<1x125x128xf32, #tpu.memory_space<vmem>> -> memref<125x128xf32, #tpu.memory_space<vmem>>
          %dma_start3A_87 = arith.constant 0 : i32
          %dma_start3A_88 = tpu.memref_slice %arg6[%mul3A_36, %dma_start3A_87] : memref<20x125xi32, #tpu.memory_space<vmem>> -> memref<1x125xi32, #tpu.memory_space<vmem>>
          %dma_start3A_89 = tpu.memref_squeeze %dma_start3A_88 : memref<1x125xi32, #tpu.memory_space<vmem>> -> memref<125xi32, #tpu.memory_space<vmem>>
          %dma_start3A_90 = arith.constant 0 : i32
          %dma_start3A_91 = arith.constant 0 : i32
          %dma_start3A_92 = tpu.memref_slice %arg8[%dma_start3A_90, %dma_start3A_91] : memref<10240x128xf32, #tpu.memory_space<vmem_shared>> -> memref<10240x128xf32, #tpu.memory_space<vmem_shared>>
          tpu.enqueue_indirect_dma source(%dma_start3A_86 : memref<125x128xf32, #tpu.memory_space<vmem>>) target(%dma_start3A_92 : memref<10240x128xf32, #tpu.memory_space<vmem_shared>>) offsets(%dma_start3A_89 : memref<125xi32, #tpu.memory_space<vmem>>) semaphore(%run_scoped3A_82 : memref<!tpu.dma_semaphore, #tpu.memory_space<semaphore_mem>>) {add = true}
          %dma_wait3A_93 = arith.constant 0 : i32
          %dma_wait3A_94 = arith.constant 0 : i32
          %dma_wait3A_95 = tpu.memref_slice %arg7[%run_scoped3A_60, %dma_wait3A_93, %dma_wait3A_94] : memref<2x125x128xf32, #tpu.memory_space<vmem>> -> memref<1x125x128xf32, #tpu.memory_space<vmem>>
          %dma_wait3A_96 = tpu.memref_squeeze %dma_wait3A_95 : memref<1x125x128xf32, #tpu.memory_space<vmem>> -> memref<125x128xf32, #tpu.memory_space<vmem>>
          %dma_wait3A_97 = arith.constant 0 : i32
          %dma_wait3A_98 = tpu.memref_slice %arg6[%mul3A_36, %dma_wait3A_97] : memref<20x125xi32, #tpu.memory_space<vmem>> -> memref<1x125xi32, #tpu.memory_space<vmem>>
          %dma_wait3A_99 = tpu.memref_squeeze %dma_wait3A_98 : memref<1x125xi32, #tpu.memory_space<vmem>> -> memref<125xi32, #tpu.memory_space<vmem>>
          %dma_wait3A_100 = arith.constant 0 : i32
          %dma_wait3A_101 = arith.constant 0 : i32
          %dma_wait3A_102 = tpu.memref_slice %arg8[%dma_wait3A_100, %dma_wait3A_101] : memref<10240x128xf32, #tpu.memory_space<vmem_shared>> -> memref<10240x128xf32, #tpu.memory_space<vmem_shared>>
          tpu.wait_indirect_dma semaphore(%run_scoped3A_82 : memref<!tpu.dma_semaphore, #tpu.memory_space<semaphore_mem>>) src(%dma_wait3A_96 : memref<125x128xf32, #tpu.memory_space<vmem>>) dst(%dma_wait3A_102 : memref<10240x128xf32, #tpu.memory_space<vmem_shared>>)
          tpu.yield
        }) : () -> ()
        %lt3A_61 = arith.constant 9 : i32
        %lt3A_62 = arith.cmpi slt, %scan3A_34, %lt3A_61 : i32
        %convert_element_type3A_63 = arith.extui %lt3A_62 : i1 to i32
        %cond3A_64 = arith.constant 0 : i32
        %cond3A_65 = arith.cmpi ne, %convert_element_type3A_63, %cond3A_64 : i32
        scf.if %cond3A_65 {
          %add3A_82 = arith.constant 2 : i32
          %add3A_83 = arith.addi %mul3A_36, %add3A_82 : i32
          %dma_start3A_84 = arith.constant 0 : i32
          %dma_start3A_85 = arith.constant 0 : i32
          %dma_start3A_86 = arith.constant 0 : i32
          %dma_start3A_87 = tpu.memref_slice %arg7[%dma_start3A_84, %dma_start3A_85, %dma_start3A_86] : memref<2x125x128xf32, #tpu.memory_space<vmem>> -> memref<1x125x128xf32, #tpu.memory_space<vmem>>
          %dma_start3A_88 = tpu.memref_squeeze %dma_start3A_87 : memref<1x125x128xf32, #tpu.memory_space<vmem>> -> memref<125x128xf32, #tpu.memory_space<vmem>>
          %dma_start3A_89 = arith.constant 0 : i32
          %dma_start3A_90 = tpu.memref_slice %arg5[%add3A_83, %dma_start3A_89] : memref<20x125xi32, #tpu.memory_space<vmem>> -> memref<1x125xi32, #tpu.memory_space<vmem>>
          %dma_start3A_91 = tpu.memref_squeeze %dma_start3A_90 : memref<1x125xi32, #tpu.memory_space<vmem>> -> memref<125xi32, #tpu.memory_space<vmem>>
          %dma_start3A_92 = arith.constant 0 : i32
          %dma_start3A_93 = arith.constant 0 : i32
          %dma_start3A_94 = tpu.memref_slice %arg2[%dma_start3A_92, %dma_start3A_93] : memref<10000x128xf32, #tpu.memory_space<hbm>> -> memref<10000x128xf32, #tpu.memory_space<hbm>>
          tpu.enqueue_indirect_dma source(%dma_start3A_94 : memref<10000x128xf32, #tpu.memory_space<hbm>>) target(%dma_start3A_88 : memref<125x128xf32, #tpu.memory_space<vmem>>) offsets(%dma_start3A_91 : memref<125xi32, #tpu.memory_space<vmem>>) semaphore(%arg9 : memref<!tpu.dma_semaphore, #tpu.memory_space<semaphore_mem>>)
        } else {
        }
        %add3A_66 = arith.constant 1 : i32
        %add3A_67 = arith.addi %mul3A_36, %add3A_66 : i32
        %dma_wait3A_68 = arith.constant 1 : i32
        %dma_wait3A_69 = arith.constant 0 : i32
        %dma_wait3A_70 = arith.constant 0 : i32
        %dma_wait3A_71 = tpu.memref_slice %arg7[%dma_wait3A_68, %dma_wait3A_69, %dma_wait3A_70] : memref<2x125x128xf32, #tpu.memory_space<vmem>> -> memref<1x125x128xf32, #tpu.memory_space<vmem>>
        %dma_wait3A_72 = tpu.memref_squeeze %dma_wait3A_71 : memref<1x125x128xf32, #tpu.memory_space<vmem>> -> memref<125x128xf32, #tpu.memory_space<vmem>>
        %dma_wait3A_73 = arith.constant 0 : i32
        %dma_wait3A_74 = tpu.memref_slice %arg5[%add3A_67, %dma_wait3A_73] : memref<20x125xi32, #tpu.memory_space<vmem>> -> memref<1x125xi32, #tpu.memory_space<vmem>>
        %dma_wait3A_75 = tpu.memref_squeeze %dma_wait3A_74 : memref<1x125xi32, #tpu.memory_space<vmem>> -> memref<125xi32, #tpu.memory_space<vmem>>
        %dma_wait3A_76 = arith.constant 0 : i32
        %dma_wait3A_77 = arith.constant 0 : i32
        %dma_wait3A_78 = tpu.memref_slice %arg2[%dma_wait3A_76, %dma_wait3A_77] : memref<10000x128xf32, #tpu.memory_space<hbm>> -> memref<10000x128xf32, #tpu.memory_space<hbm>>
        tpu.wait_indirect_dma semaphore(%arg10 : memref<!tpu.dma_semaphore, #tpu.memory_space<semaphore_mem>>) src(%dma_wait3A_78 : memref<10000x128xf32, #tpu.memory_space<hbm>>) dst(%dma_wait3A_72 : memref<125x128xf32, #tpu.memory_space<vmem>>)
        %add3A_79 = arith.constant 1 : i32
        %add3A_80 = arith.addi %mul3A_36, %add3A_79 : i32
        %run_scoped3A_81 = arith.constant 1 : i32
        "tpu.region"() ({
          %run_scoped3A_82 = tpu.sem_alloc : memref<!tpu.dma_semaphore, #tpu.memory_space<semaphore_mem>>
          %dma_start3A_83 = arith.constant 0 : i32
          %dma_start3A_84 = arith.constant 0 : i32
          %dma_start3A_85 = tpu.memref_slice %arg7[%run_scoped3A_81, %dma_start3A_83, %dma_start3A_84] : memref<2x125x128xf32, #tpu.memory_space<vmem>> -> memref<1x125x128xf32, #tpu.memory_space<vmem>>
          %dma_start3A_86 = tpu.memref_squeeze %dma_start3A_85 : memref<1x125x128xf32, #tpu.memory_space<vmem>> -> memref<125x128xf32, #tpu.memory_space<vmem>>
          %dma_start3A_87 = arith.constant 0 : i32
          %dma_start3A_88 = tpu.memref_slice %arg6[%add3A_80, %dma_start3A_87] : memref<20x125xi32, #tpu.memory_space<vmem>> -> memref<1x125xi32, #tpu.memory_space<vmem>>
          %dma_start3A_89 = tpu.memref_squeeze %dma_start3A_88 : memref<1x125xi32, #tpu.memory_space<vmem>> -> memref<125xi32, #tpu.memory_space<vmem>>
          %dma_start3A_90 = arith.constant 0 : i32
          %dma_start3A_91 = arith.constant 0 : i32
          %dma_start3A_92 = tpu.memref_slice %arg8[%dma_start3A_90, %dma_start3A_91] : memref<10240x128xf32, #tpu.memory_space<vmem_shared>> -> memref<10240x128xf32, #tpu.memory_space<vmem_shared>>
          tpu.enqueue_indirect_dma source(%dma_start3A_86 : memref<125x128xf32, #tpu.memory_space<vmem>>) target(%dma_start3A_92 : memref<10240x128xf32, #tpu.memory_space<vmem_shared>>) offsets(%dma_start3A_89 : memref<125xi32, #tpu.memory_space<vmem>>) semaphore(%run_scoped3A_82 : memref<!tpu.dma_semaphore, #tpu.memory_space<semaphore_mem>>) {add = true}
          %dma_wait3A_93 = arith.constant 0 : i32
          %dma_wait3A_94 = arith.constant 0 : i32
          %dma_wait3A_95 = tpu.memref_slice %arg7[%run_scoped3A_81, %dma_wait3A_93, %dma_wait3A_94] : memref<2x125x128xf32, #tpu.memory_space<vmem>> -> memref<1x125x128xf32, #tpu.memory_space<vmem>>
          %dma_wait3A_96 = tpu.memref_squeeze %dma_wait3A_95 : memref<1x125x128xf32, #tpu.memory_space<vmem>> -> memref<125x128xf32, #tpu.memory_space<vmem>>
          %dma_wait3A_97 = arith.constant 0 : i32
          %dma_wait3A_98 = tpu.memref_slice %arg6[%add3A_80, %dma_wait3A_97] : memref<20x125xi32, #tpu.memory_space<vmem>> -> memref<1x125xi32, #tpu.memory_space<vmem>>
          %dma_wait3A_99 = tpu.memref_squeeze %dma_wait3A_98 : memref<1x125xi32, #tpu.memory_space<vmem>> -> memref<125xi32, #tpu.memory_space<vmem>>
          %dma_wait3A_100 = arith.constant 0 : i32
          %dma_wait3A_101 = arith.constant 0 : i32
          %dma_wait3A_102 = tpu.memref_slice %arg8[%dma_wait3A_100, %dma_wait3A_101] : memref<10240x128xf32, #tpu.memory_space<vmem_shared>> -> memref<10240x128xf32, #tpu.memory_space<vmem_shared>>
          tpu.wait_indirect_dma semaphore(%run_scoped3A_82 : memref<!tpu.dma_semaphore, #tpu.memory_space<semaphore_mem>>) src(%dma_wait3A_96 : memref<125x128xf32, #tpu.memory_space<vmem>>) dst(%dma_wait3A_102 : memref<10240x128xf32, #tpu.memory_space<vmem_shared>>)
          tpu.yield
        }) : () -> ()
      }
      %scan3A_33 = arith.constant 10 : i32
    }
    %scan3A_13 = arith.constant 4 : i32
    %barrier3A_14 = arith.constant 0 : index
    tpu.barrier barrier_id(%barrier3A_14)
    "tpu.region"() ({
      %run_scoped3A = tpu.sem_alloc : memref<!tpu.dma_semaphore, #tpu.memory_space<semaphore_mem>>
      %dma_start3A = arith.constant 0 : i32
      %dma_start3A_15 = tpu.memref_slice %arg4[%arg0, %mul3A_2, %dma_start3A] : memref<2x10240x128xf32, #tpu.memory_space<hbm>> -> memref<1x640x128xf32, #tpu.memory_space<hbm>>
      %dma_start3A_16 = tpu.memref_squeeze %dma_start3A_15 : memref<1x640x128xf32, #tpu.memory_space<hbm>> -> memref<640x128xf32, #tpu.memory_space<hbm>>
      %dma_start3A_17 = arith.constant 0 : i32
      %dma_start3A_18 = tpu.memref_slice %arg8[%mul3A_2, %dma_start3A_17] : memref<10240x128xf32, #tpu.memory_space<vmem_shared>> -> memref<640x128xf32, #tpu.memory_space<vmem_shared>>
      tpu.enqueue_dma source(%dma_start3A_18 : memref<640x128xf32, #tpu.memory_space<vmem_shared>>) target(%dma_start3A_16 : memref<640x128xf32, #tpu.memory_space<hbm>>) target_semaphore(%run_scoped3A : memref<!tpu.dma_semaphore, #tpu.memory_space<semaphore_mem>>)
      %dma_wait3A = arith.constant 0 : i32
      %dma_wait3A_19 = tpu.memref_slice %arg4[%arg0, %mul3A_2, %dma_wait3A] : memref<2x10240x128xf32, #tpu.memory_space<hbm>> -> memref<1x640x128xf32, #tpu.memory_space<hbm>>
      %dma_wait3A_20 = tpu.memref_squeeze %dma_wait3A_19 : memref<1x640x128xf32, #tpu.memory_space<hbm>> -> memref<640x128xf32, #tpu.memory_space<hbm>>
      %dma_wait3A_21 = arith.constant 0 : i32
      %dma_wait3A_22 = tpu.memref_slice %arg8[%mul3A_2, %dma_wait3A_21] : memref<10240x128xf32, #tpu.memory_space<vmem_shared>> -> memref<640x128xf32, #tpu.memory_space<vmem_shared>>
      tpu.wait_dma2 semaphore(%run_scoped3A : memref<!tpu.dma_semaphore, #tpu.memory_space<semaphore_mem>>) src(%dma_wait3A_22 : memref<640x128xf32, #tpu.memory_space<vmem_shared>>) dst(%dma_wait3A_20 : memref<640x128xf32, #tpu.memory_space<hbm>>)
      tpu.yield
    }) : () -> ()
    return
  }
}

#map = affine_map<(d0, d1) -> (0, 0, 0, 0, 0)>
#map1 = affine_map<(d0, d1) -> (0, 0)>
module attributes {stable_mosaic.version = 14 : i64} {
  func.func @_deg_kernel(%arg0: i32, %arg1: i32, %arg2: memref<2x5x32x25x80xi32, #tpu.memory_space<hbm>>, %arg3: memref<32x10112xf32, #tpu.memory_space<hbm>>, %arg4: memref<25x80xi32, #tpu.memory_space<vmem>>, %arg5: memref<25x80xi32, #tpu.memory_space<vmem>>, %arg6: memref<10112xf32, #tpu.memory_space<vmem>>, %arg7: memref<!tpu.dma_semaphore, #tpu.memory_space<semaphore_mem>>, %arg8: memref<!tpu.dma_semaphore, #tpu.memory_space<semaphore_mem>>) attributes {dimension_semantics = [#tpu.dimension_semantics<core_parallel>, #tpu.dimension_semantics<subcore_parallel>], iteration_bounds = array<i64: 2, 16>, scalar_prefetch = 0 : i64, scratch_operands = 5 : i64, tpu.core_type = #tpu.core_type<sc_vector_subcore>, window_params = [{transform_indices = #map}, {transform_indices = #map1}]} {
    %mul3A = arith.constant 16 : i32
    %mul3A_0 = arith.muli %arg0, %mul3A : i32
    %add3A = arith.addi %mul3A_0, %arg1 : i32
    %dma_start3A = arith.constant 1 : i32
    %dma_start3A_1 = arith.constant 0 : i32
    %dma_start3A_2 = arith.constant 0 : i32
    %dma_start3A_3 = arith.constant 0 : i32
    %dma_start3A_4 = tpu.memref_slice %arg2[%dma_start3A, %dma_start3A_1, %add3A, %dma_start3A_2, %dma_start3A_3] : memref<2x5x32x25x80xi32, #tpu.memory_space<hbm>> -> memref<1x1x1x25x80xi32, #tpu.memory_space<hbm>>
    %dma_start3A_5 = tpu.memref_squeeze %dma_start3A_4 : memref<1x1x1x25x80xi32, #tpu.memory_space<hbm>> -> memref<25x80xi32, #tpu.memory_space<hbm>>
    %dma_start3A_6 = arith.constant 0 : i32
    %dma_start3A_7 = arith.constant 0 : i32
    %dma_start3A_8 = tpu.memref_slice %arg2[%dma_start3A, %dma_start3A_1, %add3A, %dma_start3A_6, %dma_start3A_7] : memref<2x5x32x25x80xi32, #tpu.memory_space<hbm>> -> memref<1x1x1x25x80xi32, #tpu.memory_space<hbm>>
    %dma_start3A_9 = tpu.memref_squeeze %dma_start3A_8 : memref<1x1x1x25x80xi32, #tpu.memory_space<hbm>> -> memref<25x80xi32, #tpu.memory_space<hbm>>
    tpu.enqueue_dma source(%dma_start3A_9 : memref<25x80xi32, #tpu.memory_space<hbm>>) target(%arg4 : memref<25x80xi32, #tpu.memory_space<vmem>>) target_semaphore(%arg7 : memref<!tpu.dma_semaphore, #tpu.memory_space<semaphore_mem>>)
    %scan3A = arith.constant 0 : i32
    %scan3A_10 = arith.constant 0 : i32
    %scan3A_11 = arith.constant 632 : i32
    %scan3A_12 = arith.addi %scan3A_10, %scan3A_11 : i32
    %scan3A_13 = arith.constant 1 : i32
    scf.for %scan3A_135 = %scan3A_10 to %scan3A_12 step %scan3A_13  : i32 {
      %broadcast_in_dim3A_136 = arith.constant 0.000000e+00 : f32
      %broadcast_in_dim3A_137 = vector.broadcast %broadcast_in_dim3A_136 : f32 to vector<16xf32>
      %mul3A_138 = arith.constant 16 : i32
      %mul3A_139 = arith.muli %scan3A_135, %mul3A_138 : i32
      %swap3A = arith.index_cast %mul3A_139 : i32 to index
      %swap3A_140 = tpu.vector_load %arg6[%swap3A] {strides = array<i32>} : memref<10112xf32, #tpu.memory_space<vmem>>, vector<16xf32>,
      tpu.vector_store %arg6[%swap3A], %broadcast_in_dim3A_137 {strides = array<i32>} : memref<10112xf32, #tpu.memory_space<vmem>>, vector<16xf32>,
    }
    %scan3A_14 = arith.constant 632 : i32
    %broadcast_in_dim3A = arith.constant 1.000000e+00 : f32
    %broadcast_in_dim3A_15 = vector.broadcast %broadcast_in_dim3A : f32 to vector<16xf32>
    %dma_start3A_16 = arith.constant 1 : i32
    %dma_start3A_17 = arith.constant 1 : i32
    %dma_start3A_18 = arith.constant 0 : i32
    %dma_start3A_19 = arith.constant 0 : i32
    %dma_start3A_20 = tpu.memref_slice %arg2[%dma_start3A_16, %dma_start3A_17, %add3A, %dma_start3A_18, %dma_start3A_19] : memref<2x5x32x25x80xi32, #tpu.memory_space<hbm>> -> memref<1x1x1x25x80xi32, #tpu.memory_space<hbm>>
    %dma_start3A_21 = tpu.memref_squeeze %dma_start3A_20 : memref<1x1x1x25x80xi32, #tpu.memory_space<hbm>> -> memref<25x80xi32, #tpu.memory_space<hbm>>
    %dma_start3A_22 = arith.constant 0 : i32
    %dma_start3A_23 = arith.constant 0 : i32
    %dma_start3A_24 = tpu.memref_slice %arg2[%dma_start3A_16, %dma_start3A_17, %add3A, %dma_start3A_22, %dma_start3A_23] : memref<2x5x32x25x80xi32, #tpu.memory_space<hbm>> -> memref<1x1x1x25x80xi32, #tpu.memory_space<hbm>>
    %dma_start3A_25 = tpu.memref_squeeze %dma_start3A_24 : memref<1x1x1x25x80xi32, #tpu.memory_space<hbm>> -> memref<25x80xi32, #tpu.memory_space<hbm>>
    tpu.enqueue_dma source(%dma_start3A_25 : memref<25x80xi32, #tpu.memory_space<hbm>>) target(%arg5 : memref<25x80xi32, #tpu.memory_space<vmem>>) target_semaphore(%arg8 : memref<!tpu.dma_semaphore, #tpu.memory_space<semaphore_mem>>)
    %dma_wait3A = arith.constant 1 : i32
    %dma_wait3A_26 = arith.constant 0 : i32
    %dma_wait3A_27 = arith.constant 0 : i32
    %dma_wait3A_28 = arith.constant 0 : i32
    %dma_wait3A_29 = tpu.memref_slice %arg2[%dma_wait3A, %dma_wait3A_26, %add3A, %dma_wait3A_27, %dma_wait3A_28] : memref<2x5x32x25x80xi32, #tpu.memory_space<hbm>> -> memref<1x1x1x25x80xi32, #tpu.memory_space<hbm>>
    %dma_wait3A_30 = tpu.memref_squeeze %dma_wait3A_29 : memref<1x1x1x25x80xi32, #tpu.memory_space<hbm>> -> memref<25x80xi32, #tpu.memory_space<hbm>>
    %dma_wait3A_31 = arith.constant 0 : i32
    %dma_wait3A_32 = arith.constant 0 : i32
    %dma_wait3A_33 = tpu.memref_slice %arg2[%dma_wait3A, %dma_wait3A_26, %add3A, %dma_wait3A_31, %dma_wait3A_32] : memref<2x5x32x25x80xi32, #tpu.memory_space<hbm>> -> memref<1x1x1x25x80xi32, #tpu.memory_space<hbm>>
    %dma_wait3A_34 = tpu.memref_squeeze %dma_wait3A_33 : memref<1x1x1x25x80xi32, #tpu.memory_space<hbm>> -> memref<25x80xi32, #tpu.memory_space<hbm>>
    tpu.wait_dma2 semaphore(%arg7 : memref<!tpu.dma_semaphore, #tpu.memory_space<semaphore_mem>>) src(%dma_wait3A_34 : memref<25x80xi32, #tpu.memory_space<hbm>>) dst(%arg4 : memref<25x80xi32, #tpu.memory_space<vmem>>)
    %scan3A_35 = arith.constant 0 : i32
    %scan3A_36 = arith.constant 0 : i32
    %scan3A_37 = arith.constant 25 : i32
    %scan3A_38 = arith.addi %scan3A_36, %scan3A_37 : i32
    %scan3A_39 = arith.constant 1 : i32
    scf.for %scan3A_135 = %scan3A_36 to %scan3A_38 step %scan3A_39  : i32 {
      %scan3A_136 = arith.constant 0 : i32
      %scan3A_137 = arith.constant 5 : i32
      %scan3A_138 = arith.addi %scan3A_136, %scan3A_137 : i32
      %scan3A_139 = arith.constant 1 : i32
      scf.for %scan3A_141 = %scan3A_136 to %scan3A_138 step %scan3A_139  : i32 {
        %mul3A_142 = arith.constant 16 : i32
        %mul3A_143 = arith.muli %scan3A_141, %mul3A_142 : i32
        %get3A = arith.index_cast %scan3A_135 : i32 to index
        %get3A_144 = arith.index_cast %mul3A_143 : i32 to index
        %get3A_145 = tpu.vector_load %arg4[%get3A, %get3A_144] {strides = array<i32>} : memref<25x80xi32, #tpu.memory_space<vmem>>, vector<16xi32>,
        tpu.vector_store_idx %arg6[%get3A_145], %broadcast_in_dim3A_15 {add = true} : memref<10112xf32, #tpu.memory_space<vmem>>[vector<16xi32>], vector<16xf32>,
      }
      %scan3A_140 = arith.constant 5 : i32
    }
    %scan3A_40 = arith.constant 25 : i32
    %dma_start3A_41 = arith.constant 1 : i32
    %dma_start3A_42 = arith.constant 2 : i32
    %dma_start3A_43 = arith.constant 0 : i32
    %dma_start3A_44 = arith.constant 0 : i32
    %dma_start3A_45 = tpu.memref_slice %arg2[%dma_start3A_41, %dma_start3A_42, %add3A, %dma_start3A_43, %dma_start3A_44] : memref<2x5x32x25x80xi32, #tpu.memory_space<hbm>> -> memref<1x1x1x25x80xi32, #tpu.memory_space<hbm>>
    %dma_start3A_46 = tpu.memref_squeeze %dma_start3A_45 : memref<1x1x1x25x80xi32, #tpu.memory_space<hbm>> -> memref<25x80xi32, #tpu.memory_space<hbm>>
    %dma_start3A_47 = arith.constant 0 : i32
    %dma_start3A_48 = arith.constant 0 : i32
    %dma_start3A_49 = tpu.memref_slice %arg2[%dma_start3A_41, %dma_start3A_42, %add3A, %dma_start3A_47, %dma_start3A_48] : memref<2x5x32x25x80xi32, #tpu.memory_space<hbm>> -> memref<1x1x1x25x80xi32, #tpu.memory_space<hbm>>
    %dma_start3A_50 = tpu.memref_squeeze %dma_start3A_49 : memref<1x1x1x25x80xi32, #tpu.memory_space<hbm>> -> memref<25x80xi32, #tpu.memory_space<hbm>>
    tpu.enqueue_dma source(%dma_start3A_50 : memref<25x80xi32, #tpu.memory_space<hbm>>) target(%arg4 : memref<25x80xi32, #tpu.memory_space<vmem>>) target_semaphore(%arg7 : memref<!tpu.dma_semaphore, #tpu.memory_space<semaphore_mem>>)
    %dma_wait3A_51 = arith.constant 1 : i32
    %dma_wait3A_52 = arith.constant 1 : i32
    %dma_wait3A_53 = arith.constant 0 : i32
    %dma_wait3A_54 = arith.constant 0 : i32
    %dma_wait3A_55 = tpu.memref_slice %arg2[%dma_wait3A_51, %dma_wait3A_52, %add3A, %dma_wait3A_53, %dma_wait3A_54] : memref<2x5x32x25x80xi32, #tpu.memory_space<hbm>> -> memref<1x1x1x25x80xi32, #tpu.memory_space<hbm>>
    %dma_wait3A_56 = tpu.memref_squeeze %dma_wait3A_55 : memref<1x1x1x25x80xi32, #tpu.memory_space<hbm>> -> memref<25x80xi32, #tpu.memory_space<hbm>>
    %dma_wait3A_57 = arith.constant 0 : i32
    %dma_wait3A_58 = arith.constant 0 : i32
    %dma_wait3A_59 = tpu.memref_slice %arg2[%dma_wait3A_51, %dma_wait3A_52, %add3A, %dma_wait3A_57, %dma_wait3A_58] : memref<2x5x32x25x80xi32, #tpu.memory_space<hbm>> -> memref<1x1x1x25x80xi32, #tpu.memory_space<hbm>>
    %dma_wait3A_60 = tpu.memref_squeeze %dma_wait3A_59 : memref<1x1x1x25x80xi32, #tpu.memory_space<hbm>> -> memref<25x80xi32, #tpu.memory_space<hbm>>
    tpu.wait_dma2 semaphore(%arg8 : memref<!tpu.dma_semaphore, #tpu.memory_space<semaphore_mem>>) src(%dma_wait3A_60 : memref<25x80xi32, #tpu.memory_space<hbm>>) dst(%arg5 : memref<25x80xi32, #tpu.memory_space<vmem>>)
    %scan3A_61 = arith.constant 0 : i32
    %scan3A_62 = arith.constant 0 : i32
    %scan3A_63 = arith.constant 25 : i32
    %scan3A_64 = arith.addi %scan3A_62, %scan3A_63 : i32
    %scan3A_65 = arith.constant 1 : i32
    scf.for %scan3A_135 = %scan3A_62 to %scan3A_64 step %scan3A_65  : i32 {
      %scan3A_136 = arith.constant 0 : i32
      %scan3A_137 = arith.constant 5 : i32
      %scan3A_138 = arith.addi %scan3A_136, %scan3A_137 : i32
      %scan3A_139 = arith.constant 1 : i32
      scf.for %scan3A_141 = %scan3A_136 to %scan3A_138 step %scan3A_139  : i32 {
        %mul3A_142 = arith.constant 16 : i32
        %mul3A_143 = arith.muli %scan3A_141, %mul3A_142 : i32
        %get3A = arith.index_cast %scan3A_135 : i32 to index
        %get3A_144 = arith.index_cast %mul3A_143 : i32 to index
        %get3A_145 = tpu.vector_load %arg5[%get3A, %get3A_144] {strides = array<i32>} : memref<25x80xi32, #tpu.memory_space<vmem>>, vector<16xi32>,
        tpu.vector_store_idx %arg6[%get3A_145], %broadcast_in_dim3A_15 {add = true} : memref<10112xf32, #tpu.memory_space<vmem>>[vector<16xi32>], vector<16xf32>,
      }
      %scan3A_140 = arith.constant 5 : i32
    }
    %scan3A_66 = arith.constant 25 : i32
    %dma_start3A_67 = arith.constant 1 : i32
    %dma_start3A_68 = arith.constant 3 : i32
    %dma_start3A_69 = arith.constant 0 : i32
    %dma_start3A_70 = arith.constant 0 : i32
    %dma_start3A_71 = tpu.memref_slice %arg2[%dma_start3A_67, %dma_start3A_68, %add3A, %dma_start3A_69, %dma_start3A_70] : memref<2x5x32x25x80xi32, #tpu.memory_space<hbm>> -> memref<1x1x1x25x80xi32, #tpu.memory_space<hbm>>
    %dma_start3A_72 = tpu.memref_squeeze %dma_start3A_71 : memref<1x1x1x25x80xi32, #tpu.memory_space<hbm>> -> memref<25x80xi32, #tpu.memory_space<hbm>>
    %dma_start3A_73 = arith.constant 0 : i32
    %dma_start3A_74 = arith.constant 0 : i32
    %dma_start3A_75 = tpu.memref_slice %arg2[%dma_start3A_67, %dma_start3A_68, %add3A, %dma_start3A_73, %dma_start3A_74] : memref<2x5x32x25x80xi32, #tpu.memory_space<hbm>> -> memref<1x1x1x25x80xi32, #tpu.memory_space<hbm>>
    %dma_start3A_76 = tpu.memref_squeeze %dma_start3A_75 : memref<1x1x1x25x80xi32, #tpu.memory_space<hbm>> -> memref<25x80xi32, #tpu.memory_space<hbm>>
    tpu.enqueue_dma source(%dma_start3A_76 : memref<25x80xi32, #tpu.memory_space<hbm>>) target(%arg5 : memref<25x80xi32, #tpu.memory_space<vmem>>) target_semaphore(%arg8 : memref<!tpu.dma_semaphore, #tpu.memory_space<semaphore_mem>>)
    %dma_wait3A_77 = arith.constant 1 : i32
    %dma_wait3A_78 = arith.constant 2 : i32
    %dma_wait3A_79 = arith.constant 0 : i32
    %dma_wait3A_80 = arith.constant 0 : i32
    %dma_wait3A_81 = tpu.memref_slice %arg2[%dma_wait3A_77, %dma_wait3A_78, %add3A, %dma_wait3A_79, %dma_wait3A_80] : memref<2x5x32x25x80xi32, #tpu.memory_space<hbm>> -> memref<1x1x1x25x80xi32, #tpu.memory_space<hbm>>
    %dma_wait3A_82 = tpu.memref_squeeze %dma_wait3A_81 : memref<1x1x1x25x80xi32, #tpu.memory_space<hbm>> -> memref<25x80xi32, #tpu.memory_space<hbm>>
    %dma_wait3A_83 = arith.constant 0 : i32
    %dma_wait3A_84 = arith.constant 0 : i32
    %dma_wait3A_85 = tpu.memref_slice %arg2[%dma_wait3A_77, %dma_wait3A_78, %add3A, %dma_wait3A_83, %dma_wait3A_84] : memref<2x5x32x25x80xi32, #tpu.memory_space<hbm>> -> memref<1x1x1x25x80xi32, #tpu.memory_space<hbm>>
    %dma_wait3A_86 = tpu.memref_squeeze %dma_wait3A_85 : memref<1x1x1x25x80xi32, #tpu.memory_space<hbm>> -> memref<25x80xi32, #tpu.memory_space<hbm>>
    tpu.wait_dma2 semaphore(%arg7 : memref<!tpu.dma_semaphore, #tpu.memory_space<semaphore_mem>>) src(%dma_wait3A_86 : memref<25x80xi32, #tpu.memory_space<hbm>>) dst(%arg4 : memref<25x80xi32, #tpu.memory_space<vmem>>)
    %scan3A_87 = arith.constant 0 : i32
    %scan3A_88 = arith.constant 0 : i32
    %scan3A_89 = arith.constant 25 : i32
    %scan3A_90 = arith.addi %scan3A_88, %scan3A_89 : i32
    %scan3A_91 = arith.constant 1 : i32
    scf.for %scan3A_135 = %scan3A_88 to %scan3A_90 step %scan3A_91  : i32 {
      %scan3A_136 = arith.constant 0 : i32
      %scan3A_137 = arith.constant 5 : i32
      %scan3A_138 = arith.addi %scan3A_136, %scan3A_137 : i32
      %scan3A_139 = arith.constant 1 : i32
      scf.for %scan3A_141 = %scan3A_136 to %scan3A_138 step %scan3A_139  : i32 {
        %mul3A_142 = arith.constant 16 : i32
        %mul3A_143 = arith.muli %scan3A_141, %mul3A_142 : i32
        %get3A = arith.index_cast %scan3A_135 : i32 to index
        %get3A_144 = arith.index_cast %mul3A_143 : i32 to index
        %get3A_145 = tpu.vector_load %arg4[%get3A, %get3A_144] {strides = array<i32>} : memref<25x80xi32, #tpu.memory_space<vmem>>, vector<16xi32>,
        tpu.vector_store_idx %arg6[%get3A_145], %broadcast_in_dim3A_15 {add = true} : memref<10112xf32, #tpu.memory_space<vmem>>[vector<16xi32>], vector<16xf32>,
      }
      %scan3A_140 = arith.constant 5 : i32
    }
    %scan3A_92 = arith.constant 25 : i32
    %dma_start3A_93 = arith.constant 1 : i32
    %dma_start3A_94 = arith.constant 4 : i32
    %dma_start3A_95 = arith.constant 0 : i32
    %dma_start3A_96 = arith.constant 0 : i32
    %dma_start3A_97 = tpu.memref_slice %arg2[%dma_start3A_93, %dma_start3A_94, %add3A, %dma_start3A_95, %dma_start3A_96] : memref<2x5x32x25x80xi32, #tpu.memory_space<hbm>> -> memref<1x1x1x25x80xi32, #tpu.memory_space<hbm>>
    %dma_start3A_98 = tpu.memref_squeeze %dma_start3A_97 : memref<1x1x1x25x80xi32, #tpu.memory_space<hbm>> -> memref<25x80xi32, #tpu.memory_space<hbm>>
    %dma_start3A_99 = arith.constant 0 : i32
    %dma_start3A_100 = arith.constant 0 : i32
    %dma_start3A_101 = tpu.memref_slice %arg2[%dma_start3A_93, %dma_start3A_94, %add3A, %dma_start3A_99, %dma_start3A_100] : memref<2x5x32x25x80xi32, #tpu.memory_space<hbm>> -> memref<1x1x1x25x80xi32, #tpu.memory_space<hbm>>
    %dma_start3A_102 = tpu.memref_squeeze %dma_start3A_101 : memref<1x1x1x25x80xi32, #tpu.memory_space<hbm>> -> memref<25x80xi32, #tpu.memory_space<hbm>>
    tpu.enqueue_dma source(%dma_start3A_102 : memref<25x80xi32, #tpu.memory_space<hbm>>) target(%arg4 : memref<25x80xi32, #tpu.memory_space<vmem>>) target_semaphore(%arg7 : memref<!tpu.dma_semaphore, #tpu.memory_space<semaphore_mem>>)
    %dma_wait3A_103 = arith.constant 1 : i32
    %dma_wait3A_104 = arith.constant 3 : i32
    %dma_wait3A_105 = arith.constant 0 : i32
    %dma_wait3A_106 = arith.constant 0 : i32
    %dma_wait3A_107 = tpu.memref_slice %arg2[%dma_wait3A_103, %dma_wait3A_104, %add3A, %dma_wait3A_105, %dma_wait3A_106] : memref<2x5x32x25x80xi32, #tpu.memory_space<hbm>> -> memref<1x1x1x25x80xi32, #tpu.memory_space<hbm>>
    %dma_wait3A_108 = tpu.memref_squeeze %dma_wait3A_107 : memref<1x1x1x25x80xi32, #tpu.memory_space<hbm>> -> memref<25x80xi32, #tpu.memory_space<hbm>>
    %dma_wait3A_109 = arith.constant 0 : i32
    %dma_wait3A_110 = arith.constant 0 : i32
    %dma_wait3A_111 = tpu.memref_slice %arg2[%dma_wait3A_103, %dma_wait3A_104, %add3A, %dma_wait3A_109, %dma_wait3A_110] : memref<2x5x32x25x80xi32, #tpu.memory_space<hbm>> -> memref<1x1x1x25x80xi32, #tpu.memory_space<hbm>>
    %dma_wait3A_112 = tpu.memref_squeeze %dma_wait3A_111 : memref<1x1x1x25x80xi32, #tpu.memory_space<hbm>> -> memref<25x80xi32, #tpu.memory_space<hbm>>
    tpu.wait_dma2 semaphore(%arg8 : memref<!tpu.dma_semaphore, #tpu.memory_space<semaphore_mem>>) src(%dma_wait3A_112 : memref<25x80xi32, #tpu.memory_space<hbm>>) dst(%arg5 : memref<25x80xi32, #tpu.memory_space<vmem>>)
    %scan3A_113 = arith.constant 0 : i32
    %scan3A_114 = arith.constant 0 : i32
    %scan3A_115 = arith.constant 25 : i32
    %scan3A_116 = arith.addi %scan3A_114, %scan3A_115 : i32
    %scan3A_117 = arith.constant 1 : i32
    scf.for %scan3A_135 = %scan3A_114 to %scan3A_116 step %scan3A_117  : i32 {
      %scan3A_136 = arith.constant 0 : i32
      %scan3A_137 = arith.constant 5 : i32
      %scan3A_138 = arith.addi %scan3A_136, %scan3A_137 : i32
      %scan3A_139 = arith.constant 1 : i32
      scf.for %scan3A_141 = %scan3A_136 to %scan3A_138 step %scan3A_139  : i32 {
        %mul3A_142 = arith.constant 16 : i32
        %mul3A_143 = arith.muli %scan3A_141, %mul3A_142 : i32
        %get3A = arith.index_cast %scan3A_135 : i32 to index
        %get3A_144 = arith.index_cast %mul3A_143 : i32 to index
        %get3A_145 = tpu.vector_load %arg5[%get3A, %get3A_144] {strides = array<i32>} : memref<25x80xi32, #tpu.memory_space<vmem>>, vector<16xi32>,
        tpu.vector_store_idx %arg6[%get3A_145], %broadcast_in_dim3A_15 {add = true} : memref<10112xf32, #tpu.memory_space<vmem>>[vector<16xi32>], vector<16xf32>,
      }
      %scan3A_140 = arith.constant 5 : i32
    }
    %scan3A_118 = arith.constant 25 : i32
    %dma_wait3A_119 = arith.constant 1 : i32
    %dma_wait3A_120 = arith.constant 4 : i32
    %dma_wait3A_121 = arith.constant 0 : i32
    %dma_wait3A_122 = arith.constant 0 : i32
    %dma_wait3A_123 = tpu.memref_slice %arg2[%dma_wait3A_119, %dma_wait3A_120, %add3A, %dma_wait3A_121, %dma_wait3A_122] : memref<2x5x32x25x80xi32, #tpu.memory_space<hbm>> -> memref<1x1x1x25x80xi32, #tpu.memory_space<hbm>>
    %dma_wait3A_124 = tpu.memref_squeeze %dma_wait3A_123 : memref<1x1x1x25x80xi32, #tpu.memory_space<hbm>> -> memref<25x80xi32, #tpu.memory_space<hbm>>
    %dma_wait3A_125 = arith.constant 0 : i32
    %dma_wait3A_126 = arith.constant 0 : i32
    %dma_wait3A_127 = tpu.memref_slice %arg2[%dma_wait3A_119, %dma_wait3A_120, %add3A, %dma_wait3A_125, %dma_wait3A_126] : memref<2x5x32x25x80xi32, #tpu.memory_space<hbm>> -> memref<1x1x1x25x80xi32, #tpu.memory_space<hbm>>
    %dma_wait3A_128 = tpu.memref_squeeze %dma_wait3A_127 : memref<1x1x1x25x80xi32, #tpu.memory_space<hbm>> -> memref<25x80xi32, #tpu.memory_space<hbm>>
    tpu.wait_dma2 semaphore(%arg7 : memref<!tpu.dma_semaphore, #tpu.memory_space<semaphore_mem>>) src(%dma_wait3A_128 : memref<25x80xi32, #tpu.memory_space<hbm>>) dst(%arg4 : memref<25x80xi32, #tpu.memory_space<vmem>>)
    %scan3A_129 = arith.constant 0 : i32
    %scan3A_130 = arith.constant 0 : i32
    %scan3A_131 = arith.constant 25 : i32
    %scan3A_132 = arith.addi %scan3A_130, %scan3A_131 : i32
    %scan3A_133 = arith.constant 1 : i32
    scf.for %scan3A_135 = %scan3A_130 to %scan3A_132 step %scan3A_133  : i32 {
      %scan3A_136 = arith.constant 0 : i32
      %scan3A_137 = arith.constant 5 : i32
      %scan3A_138 = arith.addi %scan3A_136, %scan3A_137 : i32
      %scan3A_139 = arith.constant 1 : i32
      scf.for %scan3A_141 = %scan3A_136 to %scan3A_138 step %scan3A_139  : i32 {
        %mul3A_142 = arith.constant 16 : i32
        %mul3A_143 = arith.muli %scan3A_141, %mul3A_142 : i32
        %get3A = arith.index_cast %scan3A_135 : i32 to index
        %get3A_144 = arith.index_cast %mul3A_143 : i32 to index
        %get3A_145 = tpu.vector_load %arg4[%get3A, %get3A_144] {strides = array<i32>} : memref<25x80xi32, #tpu.memory_space<vmem>>, vector<16xi32>,
        tpu.vector_store_idx %arg6[%get3A_145], %broadcast_in_dim3A_15 {add = true} : memref<10112xf32, #tpu.memory_space<vmem>>[vector<16xi32>], vector<16xf32>,
      }
      %scan3A_140 = arith.constant 5 : i32
    }
    %scan3A_134 = arith.constant 25 : i32
    "tpu.region"() ({
      %run_scoped3A = tpu.sem_alloc : memref<!tpu.dma_semaphore, #tpu.memory_space<semaphore_mem>>
      %dma_start3A_135 = arith.constant 0 : i32
      %dma_start3A_136 = tpu.memref_slice %arg3[%add3A, %dma_start3A_135] : memref<32x10112xf32, #tpu.memory_space<hbm>> -> memref<1x10112xf32, #tpu.memory_space<hbm>>
      %dma_start3A_137 = tpu.memref_squeeze %dma_start3A_136 : memref<1x10112xf32, #tpu.memory_space<hbm>> -> memref<10112xf32, #tpu.memory_space<hbm>>
      %dma_start3A_138 = arith.constant 0 : i32
      %dma_start3A_139 = tpu.memref_slice %arg3[%add3A, %dma_start3A_138] : memref<32x10112xf32, #tpu.memory_space<hbm>> -> memref<1x10112xf32, #tpu.memory_space<hbm>>
      %dma_start3A_140 = tpu.memref_squeeze %dma_start3A_139 : memref<1x10112xf32, #tpu.memory_space<hbm>> -> memref<10112xf32, #tpu.memory_space<hbm>>
      tpu.enqueue_dma source(%arg6 : memref<10112xf32, #tpu.memory_space<vmem>>) target(%dma_start3A_140 : memref<10112xf32, #tpu.memory_space<hbm>>) target_semaphore(%run_scoped3A : memref<!tpu.dma_semaphore, #tpu.memory_space<semaphore_mem>>)
      %dma_wait3A_141 = arith.constant 0 : i32
      %dma_wait3A_142 = tpu.memref_slice %arg3[%add3A, %dma_wait3A_141] : memref<32x10112xf32, #tpu.memory_space<hbm>> -> memref<1x10112xf32, #tpu.memory_space<hbm>>
      %dma_wait3A_143 = tpu.memref_squeeze %dma_wait3A_142 : memref<1x10112xf32, #tpu.memory_space<hbm>> -> memref<10112xf32, #tpu.memory_space<hbm>>
      %dma_wait3A_144 = arith.constant 0 : i32
      %dma_wait3A_145 = tpu.memref_slice %arg3[%add3A, %dma_wait3A_144] : memref<32x10112xf32, #tpu.memory_space<hbm>> -> memref<1x10112xf32, #tpu.memory_space<hbm>>
      %dma_wait3A_146 = tpu.memref_squeeze %dma_wait3A_145 : memref<1x10112xf32, #tpu.memory_space<hbm>> -> memref<10112xf32, #tpu.memory_space<hbm>>
      tpu.wait_dma2 semaphore(%run_scoped3A : memref<!tpu.dma_semaphore, #tpu.memory_space<semaphore_mem>>) src(%arg6 : memref<10112xf32, #tpu.memory_space<vmem>>) dst(%dma_wait3A_146 : memref<10112xf32, #tpu.memory_space<hbm>>)
      tpu.yield
    }) : () -> ()
    return
  }
}

module attributes {stable_mosaic.version = 14 : i64} {
  func.func @_dis_body(%arg0: memref<32x10112xf32, #tpu.memory_space<vmem>>, %arg1: memref<10112x1xf32, #tpu.memory_space<vmem>>) attributes {dimension_semantics = [], scalar_prefetch = 0 : i64, scratch_operands = 0 : i64, tpu.core_type = #tpu.core_type<tc>} {
    %get3A = arith.constant 0 : index
    %get3A_0 = arith.constant 0 : index
    %get3A_1 = vector.load %arg0[%get3A, %get3A_0] : memref<32x10112xf32, #tpu.memory_space<vmem>>, vector<32x10112xf32>
    %reduce_sum3A = arith.constant dense<0.000000e+00> : vector<10112xf32>
    %reduce_sum3A_2 = vector.multi_reduction <add>, %get3A_1, %reduce_sum3A [0] : vector<32x10112xf32> to vector<10112xf32>
    %add3A = arith.constant 1.000000e+00 : f32
    %add3A_3 = vector.broadcast %add3A : f32 to vector<10112xf32>
    %add3A_4 = arith.addf %reduce_sum3A_2, %add3A_3 : vector<10112xf32>
    %rsqrt3A = math.rsqrt %add3A_4 : vector<10112xf32>
    %reshape3A = vector.shape_cast %rsqrt3A : vector<10112xf32> to vector<10112x1xf32>
    %swap3A = arith.constant 0 : index
    %swap3A_5 = arith.constant 0 : index
    %swap3A_6 = vector.load %arg1[%swap3A, %swap3A_5] : memref<10112x1xf32, #tpu.memory_space<vmem>>, vector<10112x1xf32>
    tpu.vector_store %arg1[%swap3A, %swap3A_5], %reshape3A {strides = array<i32>} : memref<10112x1xf32, #tpu.memory_space<vmem>>, vector<10112x1xf32>,
    return
  }
}

module attributes {stable_mosaic.version = 14 : i64} {
  func.func @_mm1_body(%arg0: i32, %arg1: memref<5056x128xf32, #tpu.memory_space<vmem>>, %arg2: memref<128x128xf32, #tpu.memory_space<vmem>>, %arg3: memref<5056x1xf32, #tpu.memory_space<vmem>>, %arg4: memref<5056x128xf32, #tpu.memory_space<vmem>>) attributes {dimension_semantics = [#tpu.dimension_semantics<arbitrary>], iteration_bounds = array<i64: 2>, scalar_prefetch = 0 : i64, scratch_operands = 0 : i64, tpu.core_type = #tpu.core_type<tc>, window_params = [{transform_indices = @transform_0, window_bounds = array<i64: 5056, 128>}, {pipeline_mode = #tpu.pipeline_mode<synchronous>, transform_indices = @transform_1, window_bounds = array<i64: 128, 128>}, {transform_indices = @transform_2, window_bounds = array<i64: 5056, 1>}, {transform_indices = @transform_3, window_bounds = array<i64: 5056, 128>}]} {
    %get3A = arith.constant 0 : index
    %get3A_0 = arith.constant 0 : index
    %get3A_1 = vector.load %arg1[%get3A, %get3A_0] : memref<5056x128xf32, #tpu.memory_space<vmem>>, vector<5056x128xf32>
    %get3A_2 = arith.constant 0 : index
    %get3A_3 = arith.constant 0 : index
    %get3A_4 = vector.load %arg2[%get3A_2, %get3A_3] : memref<128x128xf32, #tpu.memory_space<vmem>>, vector<128x128xf32>
    %dot_general3A = arith.constant dense<0.000000e+00> : vector<5056x128xf32>
    %dot_general3A_5 = tpu.matmul %get3A_1, %get3A_4, %dot_general3A {dimension_numbers = #tpu.dot_dimension_numbers<[1], [0], [0], [1], [0, 0, 1, 1], [], []>, transpose_lhs_hint = false} : vector<5056x128xf32>, vector<128x128xf32>, vector<5056x128xf32> -> vector<5056x128xf32>
    %get3A_6 = arith.constant 0 : index
    %get3A_7 = arith.constant 0 : index
    %get3A_8 = vector.load %arg3[%get3A_6, %get3A_7] : memref<5056x1xf32, #tpu.memory_space<vmem>>, vector<5056x1xf32>
    %mul3A = vector.broadcast %get3A_8 : vector<5056x1xf32> to vector<5056x128xf32>
    %mul3A_9 = arith.mulf %dot_general3A_5, %mul3A : vector<5056x128xf32>
    %swap3A = arith.constant 0 : index
    %swap3A_10 = arith.constant 0 : index
    %swap3A_11 = vector.load %arg4[%swap3A, %swap3A_10] : memref<5056x128xf32, #tpu.memory_space<vmem>>, vector<5056x128xf32>
    tpu.vector_store %arg4[%swap3A, %swap3A_10], %mul3A_9 {strides = array<i32>} : memref<5056x128xf32, #tpu.memory_space<vmem>>, vector<5056x128xf32>,
    return
  }
  func.func @transform_0(%arg0: i32) -> (i32, i32) {
    %c0_i32 = arith.constant 0 : i32
    %c0_i32_0 = arith.constant 0 : i32
    return %arg0, %c0_i32 : i32, i32
  }
  func.func @transform_1(%arg0: i32) -> (i32, i32) {
    %c0_i32 = arith.constant 0 : i32
    %c0_i32_0 = arith.constant 0 : i32
    %c0_i32_1 = arith.constant 0 : i32
    return %c0_i32, %c0_i32_0 : i32, i32
  }
  func.func @transform_2(%arg0: i32) -> (i32, i32) {
    %c0_i32 = arith.constant 0 : i32
    %c0_i32_0 = arith.constant 0 : i32
    return %arg0, %c0_i32 : i32, i32
  }
  func.func @transform_3(%arg0: i32) -> (i32, i32) {
    %c0_i32 = arith.constant 0 : i32
    %c0_i32_0 = arith.constant 0 : i32
    return %arg0, %c0_i32 : i32, i32
  }
}

module attributes {stable_mosaic.version = 14 : i64} {
  func.func @_mm2_body(%arg0: i32, %arg1: memref<2x5056x128xf32, #tpu.memory_space<vmem>>, %arg2: memref<5056x128xf32, #tpu.memory_space<vmem>>, %arg3: memref<5056x1xf32, #tpu.memory_space<vmem>>, %arg4: memref<1x128xf32, #tpu.memory_space<vmem>>, %arg5: memref<128x128xf32, #tpu.memory_space<vmem>>, %arg6: memref<5056x128xf32, #tpu.memory_space<vmem>>) attributes {dimension_semantics = [#tpu.dimension_semantics<arbitrary>], iteration_bounds = array<i64: 2>, scalar_prefetch = 0 : i64, scratch_operands = 0 : i64, tpu.core_type = #tpu.core_type<tc>, window_params = [{transform_indices = @transform_0, window_bounds = array<i64: 2, 5056, 128>}, {transform_indices = @transform_1, window_bounds = array<i64: 5056, 128>}, {transform_indices = @transform_2, window_bounds = array<i64: 5056, 1>}, {pipeline_mode = #tpu.pipeline_mode<synchronous>, transform_indices = @transform_3, window_bounds = array<i64: 1, 128>}, {pipeline_mode = #tpu.pipeline_mode<synchronous>, transform_indices = @transform_4, window_bounds = array<i64: 128, 128>}, {transform_indices = @transform_5, window_bounds = array<i64: 5056, 128>}]} {
    %get3A = arith.constant 0 : index
    %get3A_0 = arith.constant 0 : index
    %get3A_1 = arith.constant 0 : index
    %get3A_2 = vector.load %arg1[%get3A, %get3A_0, %get3A_1] : memref<2x5056x128xf32, #tpu.memory_space<vmem>>, vector<1x5056x128xf32>
    %get3A_3 = vector.shape_cast %get3A_2 : vector<1x5056x128xf32> to vector<5056x128xf32>
    %get3A_4 = arith.constant 1 : index
    %get3A_5 = arith.constant 0 : index
    %get3A_6 = arith.constant 0 : index
    %get3A_7 = vector.load %arg1[%get3A_4, %get3A_5, %get3A_6] : memref<2x5056x128xf32, #tpu.memory_space<vmem>>, vector<1x5056x128xf32>
    %get3A_8 = vector.shape_cast %get3A_7 : vector<1x5056x128xf32> to vector<5056x128xf32>
    %add3A = arith.addf %get3A_3, %get3A_8 : vector<5056x128xf32>
    %get3A_9 = arith.constant 0 : index
    %get3A_10 = arith.constant 0 : index
    %get3A_11 = vector.load %arg2[%get3A_9, %get3A_10] : memref<5056x128xf32, #tpu.memory_space<vmem>>, vector<5056x128xf32>
    %sub3A = arith.subf %add3A, %get3A_11 : vector<5056x128xf32>
    %get3A_12 = arith.constant 0 : index
    %get3A_13 = arith.constant 0 : index
    %get3A_14 = vector.load %arg3[%get3A_12, %get3A_13] : memref<5056x1xf32, #tpu.memory_space<vmem>>, vector<5056x1xf32>
    %mul3A = vector.broadcast %get3A_14 : vector<5056x1xf32> to vector<5056x128xf32>
    %mul3A_15 = arith.mulf %sub3A, %mul3A : vector<5056x128xf32>
    %get3A_16 = arith.constant 0 : index
    %get3A_17 = arith.constant 0 : index
    %get3A_18 = vector.load %arg4[%get3A_16, %get3A_17] : memref<1x128xf32, #tpu.memory_space<vmem>>, vector<1x128xf32>
    %add3A_19 = vector.broadcast %get3A_18 : vector<1x128xf32> to vector<5056x128xf32>
    %add3A_20 = arith.addf %mul3A_15, %add3A_19 : vector<5056x128xf32>
    %max3A = arith.constant 0.000000e+00 : f32
    %max3A_21 = vector.broadcast %max3A : f32 to vector<5056x128xf32>
    %max3A_22 = arith.maximumf %add3A_20, %max3A_21 : vector<5056x128xf32>
    %get3A_23 = arith.constant 0 : index
    %get3A_24 = arith.constant 0 : index
    %get3A_25 = vector.load %arg5[%get3A_23, %get3A_24] : memref<128x128xf32, #tpu.memory_space<vmem>>, vector<128x128xf32>
    %dot_general3A = arith.constant dense<0.000000e+00> : vector<5056x128xf32>
    %dot_general3A_26 = tpu.matmul %max3A_22, %get3A_25, %dot_general3A {dimension_numbers = #tpu.dot_dimension_numbers<[1], [0], [0], [1], [0, 0, 1, 1], [], []>, transpose_lhs_hint = false} : vector<5056x128xf32>, vector<128x128xf32>, vector<5056x128xf32> -> vector<5056x128xf32>
    %get3A_27 = arith.constant 0 : index
    %get3A_28 = arith.constant 0 : index
    %get3A_29 = vector.load %arg3[%get3A_27, %get3A_28] : memref<5056x1xf32, #tpu.memory_space<vmem>>, vector<5056x1xf32>
    %mul3A_30 = vector.broadcast %get3A_29 : vector<5056x1xf32> to vector<5056x128xf32>
    %mul3A_31 = arith.mulf %dot_general3A_26, %mul3A_30 : vector<5056x128xf32>
    %swap3A = arith.constant 0 : index
    %swap3A_32 = arith.constant 0 : index
    %swap3A_33 = vector.load %arg6[%swap3A, %swap3A_32] : memref<5056x128xf32, #tpu.memory_space<vmem>>, vector<5056x128xf32>
    tpu.vector_store %arg6[%swap3A, %swap3A_32], %mul3A_31 {strides = array<i32>} : memref<5056x128xf32, #tpu.memory_space<vmem>>, vector<5056x128xf32>,
    return
  }
  func.func @transform_0(%arg0: i32) -> (i32, i32, i32) {
    %c0_i32 = arith.constant 0 : i32
    %c0_i32_0 = arith.constant 0 : i32
    %c0_i32_1 = arith.constant 0 : i32
    return %c0_i32, %arg0, %c0_i32_0 : i32, i32, i32
  }
  func.func @transform_1(%arg0: i32) -> (i32, i32) {
    %c0_i32 = arith.constant 0 : i32
    %c0_i32_0 = arith.constant 0 : i32
    return %arg0, %c0_i32 : i32, i32
  }
  func.func @transform_2(%arg0: i32) -> (i32, i32) {
    %c0_i32 = arith.constant 0 : i32
    %c0_i32_0 = arith.constant 0 : i32
    return %arg0, %c0_i32 : i32, i32
  }
  func.func @transform_3(%arg0: i32) -> (i32, i32) {
    %c0_i32 = arith.constant 0 : i32
    %c0_i32_0 = arith.constant 0 : i32
    %c0_i32_1 = arith.constant 0 : i32
    return %c0_i32, %c0_i32_0 : i32, i32
  }
  func.func @transform_4(%arg0: i32) -> (i32, i32) {
    %c0_i32 = arith.constant 0 : i32
    %c0_i32_0 = arith.constant 0 : i32
    %c0_i32_1 = arith.constant 0 : i32
    return %c0_i32, %c0_i32_0 : i32, i32
  }
  func.func @transform_5(%arg0: i32) -> (i32, i32) {
    %c0_i32 = arith.constant 0 : i32
    %c0_i32_0 = arith.constant 0 : i32
    return %arg0, %c0_i32 : i32, i32
  }
}

module attributes {stable_mosaic.version = 14 : i64} {
  func.func @_fin_body(%arg0: i32, %arg1: memref<2x5056x128xf32, #tpu.memory_space<vmem>>, %arg2: memref<5056x128xf32, #tpu.memory_space<vmem>>, %arg3: memref<5056x1xf32, #tpu.memory_space<vmem>>, %arg4: memref<1x128xf32, #tpu.memory_space<vmem>>, %arg5: memref<5056x128xf32, #tpu.memory_space<vmem>>) attributes {dimension_semantics = [#tpu.dimension_semantics<arbitrary>], iteration_bounds = array<i64: 2>, scalar_prefetch = 0 : i64, scratch_operands = 0 : i64, tpu.core_type = #tpu.core_type<tc>, window_params = [{transform_indices = @transform_0, window_bounds = array<i64: 2, 5056, 128>}, {transform_indices = @transform_1, window_bounds = array<i64: 5056, 128>}, {transform_indices = @transform_2, window_bounds = array<i64: 5056, 1>}, {pipeline_mode = #tpu.pipeline_mode<synchronous>, transform_indices = @transform_3, window_bounds = array<i64: 1, 128>}, {transform_indices = @transform_4, window_bounds = array<i64: 5056, 128>}]} {
    %get3A = arith.constant 0 : index
    %get3A_0 = arith.constant 0 : index
    %get3A_1 = arith.constant 0 : index
    %get3A_2 = vector.load %arg1[%get3A, %get3A_0, %get3A_1] : memref<2x5056x128xf32, #tpu.memory_space<vmem>>, vector<1x5056x128xf32>
    %get3A_3 = vector.shape_cast %get3A_2 : vector<1x5056x128xf32> to vector<5056x128xf32>
    %get3A_4 = arith.constant 1 : index
    %get3A_5 = arith.constant 0 : index
    %get3A_6 = arith.constant 0 : index
    %get3A_7 = vector.load %arg1[%get3A_4, %get3A_5, %get3A_6] : memref<2x5056x128xf32, #tpu.memory_space<vmem>>, vector<1x5056x128xf32>
    %get3A_8 = vector.shape_cast %get3A_7 : vector<1x5056x128xf32> to vector<5056x128xf32>
    %add3A = arith.addf %get3A_3, %get3A_8 : vector<5056x128xf32>
    %get3A_9 = arith.constant 0 : index
    %get3A_10 = arith.constant 0 : index
    %get3A_11 = vector.load %arg2[%get3A_9, %get3A_10] : memref<5056x128xf32, #tpu.memory_space<vmem>>, vector<5056x128xf32>
    %sub3A = arith.subf %add3A, %get3A_11 : vector<5056x128xf32>
    %get3A_12 = arith.constant 0 : index
    %get3A_13 = arith.constant 0 : index
    %get3A_14 = vector.load %arg3[%get3A_12, %get3A_13] : memref<5056x1xf32, #tpu.memory_space<vmem>>, vector<5056x1xf32>
    %mul3A = vector.broadcast %get3A_14 : vector<5056x1xf32> to vector<5056x128xf32>
    %mul3A_15 = arith.mulf %sub3A, %mul3A : vector<5056x128xf32>
    %get3A_16 = arith.constant 0 : index
    %get3A_17 = arith.constant 0 : index
    %get3A_18 = vector.load %arg4[%get3A_16, %get3A_17] : memref<1x128xf32, #tpu.memory_space<vmem>>, vector<1x128xf32>
    %add3A_19 = vector.broadcast %get3A_18 : vector<1x128xf32> to vector<5056x128xf32>
    %add3A_20 = arith.addf %mul3A_15, %add3A_19 : vector<5056x128xf32>
    %swap3A = arith.constant 0 : index
    %swap3A_21 = arith.constant 0 : index
    %swap3A_22 = vector.load %arg5[%swap3A, %swap3A_21] : memref<5056x128xf32, #tpu.memory_space<vmem>>, vector<5056x128xf32>
    tpu.vector_store %arg5[%swap3A, %swap3A_21], %add3A_20 {strides = array<i32>} : memref<5056x128xf32, #tpu.memory_space<vmem>>, vector<5056x128xf32>,
    return
  }
  func.func @transform_0(%arg0: i32) -> (i32, i32, i32) {
    %c0_i32 = arith.constant 0 : i32
    %c0_i32_0 = arith.constant 0 : i32
    %c0_i32_1 = arith.constant 0 : i32
    return %c0_i32, %arg0, %c0_i32_0 : i32, i32, i32
  }
  func.func @transform_1(%arg0: i32) -> (i32, i32) {
    %c0_i32 = arith.constant 0 : i32
    %c0_i32_0 = arith.constant 0 : i32
    return %arg0, %c0_i32 : i32, i32
  }
  func.func @transform_2(%arg0: i32) -> (i32, i32) {
    %c0_i32 = arith.constant 0 : i32
    %c0_i32_0 = arith.constant 0 : i32
    return %arg0, %c0_i32 : i32, i32
  }
  func.func @transform_3(%arg0: i32) -> (i32, i32) {
    %c0_i32 = arith.constant 0 : i32
    %c0_i32_0 = arith.constant 0 : i32
    %c0_i32_1 = arith.constant 0 : i32
    return %c0_i32, %c0_i32_0 : i32, i32
  }
  func.func @transform_4(%arg0: i32) -> (i32, i32) {
    %c0_i32 = arith.constant 0 : i32
    %c0_i32_0 = arith.constant 0 : i32
    return %arg0, %c0_i32 : i32, i32
  }
}

</mosaic_0001>

<sc_bundles>
// kernel: kernel.12.cloned.1.call-start
scs
__scs_entry_jumppad:
0x0: {  	(pc) =	sbr.rel $0x88, $3  }
0x1: {  	(tag) =	ssettag $0x0;
	lr =	simm.s32 $0x1  }
0x2: {  	[smem:$0x3F9B] =	sst lr;
	_ =	strace $0xD0000000  }
0x3: {  	_ = 	snop  }
0x4: {  	_ = 	snop  }
0x5: {  	_ = 	snop  }
0x6: {  	_ = 	snop  }
0x7: {  	_ = 	snop  }
__scs_overlays_trampoline_lowered:
0x8: {  	[smem:$0x3FAA] =	sst s0  }
0x9: {  	[smem:$0x3FAB] =	sst s1  }
0xa: {  	[smem:$0x3FAC] =	sst s2  }
0xb: {  	[smem:$0x3FAD] =	sst s3  }
0xc: {  	[smem:$0x3FAE] =	sst s4  }
0xd: {  	[smem:$0x3FAF] =	sst s5  }
0xe: {  	[smem:$0x3FB0] =	sst s6  }
0xf: {  	[smem:$0x3FB1] =	sst s7  }
0x10: {  	[smem:$0x3FB2] =	sst s8  }
0x11: {  	[smem:$0x3FB3] =	sst s9;
	s0 =	simm.s32 @!p0 $0x0  }
0x12: {  	s1 =	sld [smem:$0x3F99];
	s0 =	simm.s32 @p0 $0x1  }
0x13: {  	[smem:$0x3FB4] =	sst s0;
	s0 =	simm.s32 @!p1 $0x0  }
0x14: {  	s2 =	sld [smem:$0x3F98];
	s0 =	simm.s32 @p1 $0x1  }
0x15: {  	[smem:$0x3FB5] =	sst s0;
	s0 =	simm.s32 @!p2 $0x0  }
0x16: {  	s3 =	sld [smem:$0x3FDB];
	s0 =	simm.s32 @p2 $0x1  }
0x17: {  	s4 =	simm.s32 $0x1BF5;
	[smem:$0x3FB7] =	sst s0  }
0x18: {  	s0 =	sld [smem:$0x3F9A];
	_ =	swait.ge [sflag:s4], $0x0  }
0x19: {  	s7 =	sld [smem:$0x3F9B]  }
0x1a: {  	s8 =	sadd.s32 $0xFFFFE003, lr  }
0x1b: {  	s9 =	sadd.s32 $0xFFFFFEF7, lr;
	s5 =	simm.s32 $0xFFFFFFFF;
	p2 =	slt.u32 s8, $0xFFFFF086  }
0x1c: {  	p1 =	slt.u32 s9, $0xF7A;
	s5 =	simm.s32 @!p2 $0x0  }
0x1d: {  	s5 =	simm.s32 @p1 $0x1;
	p0 =	seq.s32 s7, s2  }
0x1e: {  	s7 =	smul.u32 @!p0 $0xF7A, s2;
	p2 =	seq.s32 @!p0 s5, $0x0  }
0x1f: {  	s9 =	smul.u32 $0xF7A, s1;
	s8 =	simm.s32 @!p0 $0x1BF5;
	p2 =	por !p2, p0  }
0x20: {  	[sflag:s8] =	ssyncset.s32 @!p0 $0xFFFFF086;
	s6 =	sadd.s32 @!p0 s3, s7;
	s7 =	simm.s32 @!p0 $0x108  }
0x21: {  	s3 =	sadd.s32 s3, s9;
	s6 =	sadd.s32 @!p0 $0x88, s6;
	s7 =	simm.s32 @p2 $0x1082  }
0x22: {  	[simem:s7], [sflag:s8] =	dma.local @!p0 [hbm:s6], $0xF7A  }
0x23: {  	s9 =	sor.u32 $0xD0000000, s2;
	s6 =	simm.s32 $0x108;
	_ =	swait.ge @!p0 [sflag:s8], $0x0  }
0x24: {  	s3 =	sadd.s32 $0x88, s3;
	s6 =	simm.s32 @!p1 $0x1082;
	[sflag:s4] =	ssyncset.s32 $0xFFFFF086  }
0x25: {  	[simem:s6], [sflag:s4] =	dma.local [hbm:s3], $0xF7A  }
0x26: {  	[smem:$0x3F9B] =	sst s1;
	(tag) =	ssettag s2;
	_ =	strace s9  }
0x27: {  	s1 =	sld [smem:$0x3FAB]  }
0x28: {  	s2 =	sld [smem:$0x3FAC]  }
0x29: {  	s4 =	sld [smem:$0x3FAE]  }
0x2a: {  	p0 =	seq.s32 s5, $0x0;
	s5 =	sld [smem:$0x3FAF]  }
0x2b: {  	s6 =	sld [smem:$0x3FB0]  }
0x2c: {  	s7 =	sld [smem:$0x3FB1]  }
0x2d: {  	s3 =	simm.s32 $0x108;
	s8 =	sld [smem:$0x3FB2]  }
0x2e: {  	s3 =	simm.s32 @!p0 $0x1082;
	s9 =	sld [smem:$0x3FB3]  }
0x2f: {  	lr =	sadd.s32 s0, s3;
	s0 =	sld [smem:$0x3FAA]  }
0x30: {  	s3 =	sld [smem:$0x3FAD]  }
0x31: {  	[smem:$0x3FB6] =	sst s10  }
0x32: {  	s10 =	sld [smem:$0x3FB4];
	_ =	sdelay $0x3  }
0x33: {  	p0 =	seq.s32 s10, $0x1;
	s10 =	sld [smem:$0x3FB6];
	_ =	sdelay $0x3  }
0x34: {  	[smem:$0x3FB6] =	sst s10  }
0x35: {  	s10 =	sld [smem:$0x3FB5];
	_ =	sdelay $0x3  }
0x36: {  	p1 =	seq.s32 s10, $0x1;
	s10 =	sld [smem:$0x3FB6];
	_ =	sdelay $0x3  }
0x37: {  	[smem:$0x3FB6] =	sst s10  }
0x38: {  	s10 =	sld [smem:$0x3FB7]  }
0x39: {  	_ = 	snop;
	(pc) =	sbr.ind lr, $3  }
0x3a: {  	_ = 	snop  }
0x3b: {  	_ = 	snop  }
0x3c: {  	p2 =	seq.s32 s10, $0x1;
	s10 =	sld [smem:$0x3FB6]  }
0x3d: {  	_ =	shalt  }
0x3e: {  	_ =	shalt  }
0x3f: {  	_ =	shalt  }
0x40: {  	_ =	shalt  }
0x41: {  	_ =	shalt  }
0x42: {  	_ =	shalt  }
0x43: {  	_ =	shalt  }
0x44: {  	_ =	shalt  }
0x45: {  	_ =	shalt  }
0x46: {  	_ =	shalt  }
0x47: {  	_ =	shalt  }
0x48: {  	_ =	shalt  }
0x49: {  	_ =	shalt  }
0x4a: {  	_ =	shalt  }
0x4b: {  	_ =	shalt  }
0x4c: {  	_ =	shalt  }
0x4d: {  	_ =	shalt  }
0x4e: {  	_ =	shalt  }
0x4f: {  	_ =	shalt  }
0x50: {  	_ =	shalt  }
0x51: {  	_ =	shalt  }
0x52: {  	_ =	shalt  }
0x53: {  	_ =	shalt  }
0x54: {  	_ =	shalt  }
0x55: {  	_ =	shalt  }
0x56: {  	_ =	shalt  }
0x57: {  	_ =	shalt  }
0x58: {  	_ =	shalt  }
0x59: {  	_ =	shalt  }
0x5a: {  	_ =	shalt  }
0x5b: {  	_ =	shalt  }
0x5c: {  	_ =	shalt  }
0x5d: {  	_ =	shalt  }
0x5e: {  	_ =	shalt  }
0x5f: {  	_ =	shalt  }
0x60: {  	_ =	shalt  }
0x61: {  	_ =	shalt  }
0x62: {  	_ =	shalt  }
0x63: {  	_ =	shalt  }
0x64: {  	_ =	shalt  }
0x65: {  	_ =	shalt  }
0x66: {  	_ =	shalt  }
0x67: {  	_ =	shalt  }
0x68: {  	_ =	shalt  }
0x69: {  	_ =	shalt  }
0x6a: {  	_ =	shalt  }
0x6b: {  	_ =	shalt  }
0x6c: {  	_ =	shalt  }
0x6d: {  	_ =	shalt  }
0x6e: {  	_ =	shalt  }
0x6f: {  	_ =	shalt  }
0x70: {  	_ =	shalt  }
0x71: {  	_ =	shalt  }
0x72: {  	_ =	shalt  }
0x73: {  	_ =	shalt  }
0x74: {  	_ =	shalt  }
0x75: {  	_ =	shalt  }
0x76: {  	_ =	shalt  }
0x77: {  	_ =	shalt  }
0x78: {  	_ =	shalt  }
0x79: {  	_ =	shalt  }
0x7a: {  	_ =	shalt  }
0x7b: {  	_ =	shalt  }
0x7c: {  	_ =	shalt  }
0x7d: {  	_ =	shalt  }
0x7e: {  	_ =	shalt  }
0x7f: {  	_ =	shalt  }
0x80: {  	_ =	shalt  }
0x81: {  	_ =	shalt  }
0x82: {  	_ =	shalt  }
0x83: {  	_ =	shalt  }
0x84: {  	_ =	shalt  }
0x85: {  	_ =	shalt  }
0x86: {  	_ =	shalt  }
0x87: {  	_ =	shalt  }
.Lfunc_end0:
.L_simem_size_0:
called_computation.1_lowered:
.L_overlay_start_0:
0x88: {  	s2 =	sld [smem:$0x3FD9]  }
0x89: {  	s3 =	sld [smem:$0x3FFE];
	_ =	sdelay $0x1  }
0x8a: {  	s1 =	srdreg.scid  }
0x8b: {  	s0 =	sand.u32 $0x1, s1  }
0x8c: {  	s17 =	sshll.u32 s0, $0xA;
	s2 =	sadd.s32 s3, s2  }
0x8d: {  	s2 =	sadd.s32 s2, s17  }
0x8e: {  	[smem:$0x3FC2] =	sst s2  }
0x8f: {  	_ = 	snop  }
0x90: {  	s2 =	sld [smem:$0x3FD0];
	(tm) =	ssettm $0x1  }
0x91: {  	s18 =	sld [smem:$0x3FFB];
	_ =	sdelay $0x3  }
0x92: {  	_ =	strace s18  }
0x93: {  	s3 =	sld [smem:$0x3FFC];
	_ =	sdelay $0x3  }
0x94: {  	_ =	strace s3  }
0x95: {  	s3 =	sld [smem:$0x3FFD];
	_ =	sdelay $0x3  }
0x96: {  	_ =	strace s3  }
0x97: {  	_ =	strace $0x8FFFFFFF  }
0x98: {  	s19 =	sld [smem:$0x3FDB];
	_ =	sdelay $0x1  }
0x99: {  	s4 =	simm.s32 $_scs_section_size  }
0x9a: {  	s5 =	simm.s32 $_size__tile_overlayer_lowered;
	s6 =	simm.s32 $_tile_overlayer_lowered  }
0x9b: {  	s22 =	simm.s32 $0x1BFF;
	s21 =	sshll.u32 s6, $0x1;
	s3 =	sadd.s32 s4, s19  }
0x9c: {  	s7 =	simm.s32 $0x0;
	s20 =	sshll.u32 s5, $0x1;
	s5 =	sadd.s32 s21, s3  }
0x9d: {  	[timem:s7], [sflag:s22] =	dma.local [hbm:s5], s20  }
0x9e: {  	_ =	swait.ge [sflag:s22], s20  }
0x9f: {  	s4 =	ssub.s32 $0x0, s20;
	[sflag:s22] =	ssyncset.done $0x0  }
0xa0: {  	[sflag:s22] =	ssyncadd.s32 s4;
	_ =	sdelay $0x1  }
0xa1: {  	s23 =	simm.s32 $0x1B8B  }
0xa2: {  	_ =	swait.ge [sflag:s23], $0x1  }
0xa3: {  	[sflag:s23] =	ssyncset.done $0x0  }
0xa4: {  	s25 =	simm.s32 $0x1B8E;
	s24 =	sld [smem:$0x3FFE];
	[sflag:s23] =	ssyncadd.s32 $0xFFFFFFFF  }
0xa5: {  	s26 =	simm.s32 $execute0_lowered;
	[smem:$0x3FD2] =	sst s25  }
0xa6: {  	s5 =	sshll.u32 s26, $0x1;
	_ =	strace $0x80000049;
	[dreg:$0x1] =	wrdreg $0xFFFFFFFF  }
0xa7: {  	s28 =	simm.s32 $_size_execute0_lowered;
	s3 =	sadd.s32 s3, s5;
	[dreg:$0x0] =	wrdreg $0x0  }
0xa8: {  	s5 =	sshll.u32 s28, $0x1;
	[dreg:$0x2] =	wrdreg s3  }
0xa9: {  	[dreg:$0x3] =	wrdreg s5  }
0xaa: {  	[dreg:$0x4] =	wrdreg $0xC0  }
0xab: {  	_ =	task [dreg:s7], $0x5FFFF  }
0xac: {  	[dreg:$0x1] =	wrdreg $0xFFFFFFFF  }
0xad: {  	[dreg:$0x0] =	wrdreg $0x60  }
0xae: {  	[dreg:$0x2] =	wrdreg s2  }
0xaf: {  	[dreg:$0x3] =	wrdreg s24  }
0xb0: {  	[dreg:$0x4] =	wrdreg $0x98000  }
0xb1: {  	[dreg:$0x5] =	wrdreg $0x9  }
0xb2: {  	_ =	task.clear_ibuf [dreg:s7], $0x6FFFF;
	_ =	strace $0x90000049  }
0xb3: {  	s29 =	simm.s32 $0x9;
	_ =	strace $0x8000004B  }
0xb4: {  	_ =	swait.ge [sflag:s29], $0x1  }
0xb5: {  	[sflag:s29] =	ssyncadd.s32 $0xFFFFFFFF  }
0xb6: {  	_ =	strace $0x9000004B  }
0xb7: {  	_ =	sfence  }
0xb8: {  	s30 =	sld [smem:$0x0];
	_ =	sdelay $0x2  }
0xb9: {  	s31 =	sshll.u32 s1, $0xD;
	s1 =	sshrl.u32 s1, $0x2  }
0xba: {  	s3 =	sand.u32 $0x4000, s31;
	s1 =	sadd.s32 s1, s30  }
0xbb: {  	s0 =	sor.u32 s3, s0;
	s1 =	sshll.u32 s1, $0x11  }
0xbc: {  	s0 =	sor.u32 s1, s0  }
0xbd: {  	s0 =	sadd.s32 $0x8F2B, s0  }
0xbe: {  	[sflag:s0] =	ssyncadd.remote.s32 $0x1  }
0xbf: {  	_ =	sfence.sel $0xFFFF  }
0xc0: {  	[dreg:$0x0] =	wrdreg $0xFFFFFFFF;
	(pc) =	sbr.abs _section_cstart, $3  }
0xc1: {  	[dreg:$0x1] =	wrdreg $0xFFFFFFFF  }
0xc2: {  	_ =	task.clear_ibuf [dreg:s7], $0x2FFFF;
	_ =	strace $0x9FFFFFFF  }
0xc3: {  	(tm) =	ssettm $0x7FFFFFFF  }
tec
execute0_lowered:
.L_overlay_start_1:
0x0: {  	(tag) =	ssettag $0x1  }
0x1: {  	s1 =	rddreg [dreg:$0x0]  }
0x2: {  	s0 =	srdreg.scid;
	s2 =	rddreg [dreg:$0x1]  }
0x3: {  	s9 =	stileid.u32;
	s3 =	rddreg [dreg:$0x2];
	s4 =	simm.s32 $0x0  }
0x4: {  	s18 =	simm.s32 $0x80;
	s20 =	simm.s32 $0x100;
	s21 =	simm.s32 $0xC80  }
0x5: {  	s23 =	simm.s32 $0x180;
	s25 =	simm.s32 $0xD00;
	s26 =	simm.s32 $0x200  }
0x6: {  	s11 =	simm.s32 $0xD80;
	s12 =	simm.s32 $0x280;
	[smem:$0x7FF] =	sst s4  }
0x7: {  	s28 =	simm.s32 $0x1300;
	_ =	strace $0x8000004A;
	[dreg:$0x6] =	wrdreg s18  }
0x8: {  	s29 =	simm.s32 $0x800;
	s30 =	simm.s32 $0x1380;
	[dreg:$0x7] =	wrdreg s20  }
0x9: {  	s31 =	simm.s32 $0x880;
	s7 =	smul.u32 $0xC00, s9;
	[dreg:$0x8] =	wrdreg s21  }
0xa: {  	s0 =	sand.u32 $0x1, s0;
	s8 =	smul.u32 $0x14000, s9;
	[dreg:$0x9] =	wrdreg s23  }
0xb: {  	s14 =	sadd.s32 $0x2AA00, s2;
	s19 =	smul.u32 $0x50000, s9;
	[dreg:$0xa] =	wrdreg s25  }
0xc: {  	s24 =	smul.u32 $0x2800, s9;
	s13 =	sadd.s32 $0x25800, s1;
	[dreg:$0xb] =	wrdreg s26  }
0xd: {  	p0 =	seq.s32 s9, $0xF;
	s5 =	smul.u32 $0x140000, s0;
	[dreg:$0xc] =	wrdreg s11  }
0xe: {  	s6 =	smul.u32 $0xC000, s0;
	s0 =	ssub.s32 $0x2, s0;
	[dreg:$0x1d] =	wrdreg s13  }
0xf: {  	[dreg:$0xd] =	wrdreg s12;
	s18 =	simm.s32 $0xF00;
	s20 =	simm.s32 $0xF80  }
0x10: {  	s21 =	simm.s32 $0x480;
	s13 =	simm.s32 $0x3;
	[dreg:$0x12] =	wrdreg s18  }
0x11: {  	s23 =	simm.s32 $0x500;
	s25 =	simm.s32 $0x580;
	[dreg:$0x14] =	wrdreg s20  }
0x12: {  	s26 =	simm.s32 $0x1100;
	s17 =	sshrl.u32 s0, $0x1;
	[dreg:$0x15] =	wrdreg s21  }
0x13: {  	s22 =	sshrl.u32 s19, $0x2;
	s10 =	sadd.s32 s1, s24;
	[dreg:$0x17] =	wrdreg s23  }
0x14: {  	s19 =	simm.s32 $0x400;
	s24 =	simm.s32 $0x1080;
	[dreg:$0x19] =	wrdreg s25  }
0x15: {  	s18 =	simm.s32 $0x1;
	[dreg:$0x1a] =	wrdreg s26;
	s20 =	simm.s32 $0x600  }
0x16: {  	s21 =	simm.s32 $0x1180;
	s23 =	simm.s32 $0x1200;
	s25 =	simm.s32 $0x1280  }
0x17: {  	s26 =	simm.s32 $0x780;
	s6 =	sadd.s32 s7, s6;
	s5 =	sadd.s32 s8, s5  }
0x18: {  	s0 =	ssub.s32 s0, s17;
	s8 =	sadd.s32 s22, s3;
	[dreg:$0x1c] =	wrdreg s10  }
0x19: {  	s17 =	simm.s32 $0x380;
	[dreg:$0x13] =	wrdreg s19;
	s22 =	simm.s32 $0x1000  }
0x1a: {  	[dreg:$0x18] =	wrdreg s24;
	s19 =	simm.s32 $0x2;
	s24 =	simm.s32 $0x700  }
0x1b: {  	s10 =	simm.s32 $0x0;
	s7 =	sor.u32 $0x60000, s6;
	[dreg:$0x11] =	wrdreg s17  }
0x1c: {  	s5 =	sshrl.u32 s5, $0x3;
	s6 =	sshrl.u32 s6, $0x3;
	[dreg:$0x1b] =	wrdreg s8  }
0x1d: {  	s0 =	smax.u32 s0, $0x1;
	[dreg:$0x16] =	wrdreg s22;
	s17 =	simm.s32 $0x5800  }
0x1e: {  	s7 =	sshrl.u32 s7, $0x3;
	s16 =	sadd.s32 s6, s14;
	[dreg:$0x1f] =	wrdreg s0  }
0x1f: {  	s2 =	sadd.s32 s5, s2;
	s15 =	sadd.s32 s7, s14;
	[dreg:$0x5] =	wrdreg s16  }
0x20: {  	s22 =	simm.s32 $0x680;
	s2 =	sadd.s32 $0x42A00, s2;
	[dreg:$0x4] =	wrdreg s15  }
0x21: {  	s6 =	sadd.s32 $0x12C000, s3;
	s14 =	simm.s32 $0xE00;
	[dreg:$0x1e] =	wrdreg s2  }
0x22: {  	s0 =	simm.s32 $0x900;
	s16 =	simm.s32 $0xE80;
	[dreg:$0xe] =	wrdreg s14  }
0x23: {  	s7 =	simm.s32 $0x980;
	s15 =	simm.s32 $0x300;
	[dreg:$0x10] =	wrdreg s16  }
0x24: {  	s2 =	sshrl.u32 @p0 s6, $0x3;
	s14 =	simm.s32 $0xC00;
	s16 =	simm.s32 $0x1800  }
0x25: {  	s6 =	simm.s32 $0x1480;
	[smem:$0x7FB] =	sst s2;
	s2 =	sshll.u32 @!p0 s9, $0x6  }
0x26: {  	[dreg:$0xf] =	wrdreg s15;
	s15 =	simm.s32 $0x7D;
	s2 =	sor.u32 @!p0 $0x1C03, s2  }
0x27: {  	s9 =	simm.s32 $0x1580;
	[smem:$0x7FC] =	sst s2;
	s2 =	sshrl.u32 @!p0 s8, $0x3  }
0x28: {  	s8 =	simm.s32 $0x1500;
	[smem:$0x7FD] =	sst s2;
	s2 =	simm.s32 $0x1400  }
.LBB2_1:
0x29: {  	s11 =	sld [smem:$0x7FB]  }
0x2a: {  	[smem:$0x7FA] =	sst s10  }
0x2b: {  	s5 =	simm.s32 @p0 $0x1FC3;
	s10 =	rddreg [dreg:$0x1d]  }
0x2c: {  	[spmem:s11], [sflag:s5] =	dma.local @p0 [hbm:s10], $0x1900  }
0x2d: {  	s5 =	simm.s32 @p0 $0x3  }
0x2e: {  	_ =	swait.ge @p0 [sflag:s5], $0x1900  }
0x2f: {  	s10 =	sld [smem:$0x7FC]  }
0x30: {  	s11 =	sld [smem:$0x7FD]  }
0x31: {  	[sflag:s5] =	ssyncset.done @p0 $0x0  }
0x32: {  	[sflag:s5] =	ssyncadd.s32 @p0 $0xFFFFE700;
	s5 =	rddreg [dreg:$0x1c]  }
0x33: {  	[spmem:s11], [sflag:s10] =	dma.local @!p0 [hbm:s5], $0x2800  }
0x34: {  	s5 =	simm.s32 @!p0 $0x3  }
0x35: {  	_ =	swait.ge @!p0 [sflag:s5], $0x2800  }
0x36: {  	[sflag:s5] =	ssyncset.done @!p0 $0x0  }
0x37: {  	[sflag:s5] =	ssyncadd.s32 @!p0 $0xFFFFD800  }
0x38: {  	[bflag:$0x0] =	sbarrier.arrive $0xFFFF  }
0x39: {  	s11 =	rddreg [dreg:$0x5]  }
0x3a: {  	s5 =	sadd.s32 $0x0, s11  }
0x3b: {  	[tilespmem:s4], [sflag:$0x3] =	stream.linear.gather [hbm4b:s5+s4], $0xA00, $0x38;
	[tilespmem:$0x1D800] =	vst v63  }
0x3c: {  	_ =	swait.ge [sflag:s13], $0xA00  }
0x3d: {  	s12 =	rddreg [dreg:$0x4];
	[sflag:s13] =	ssyncset.done $0x0  }
0x3e: {  	[sflag:s13] =	ssyncadd.s32 $0xFFFFF600;
	s5 =	sadd.s32 $0x0, s12  }
0x3f: {  	[tilespmem:s14], [sflag:$0x3] =	stream.linear.gather [hbm4b:s5+s4], $0xA00, $0x38;
	[tilespmem:$0x1D800] =	vst v63  }
0x40: {  	_ =	swait.ge [sflag:s13], $0xA00  }
0x41: {  	[sflag:s13] =	ssyncset.done $0x0  }
0x42: {  	[sflag:s13] =	ssyncadd.s32 $0xFFFFF600  }
0x43: {  	[tilespmem:s16], [sflag:$0x1] =	stream.indirect.gather [hbm4b:s1+s15], $0x80, s4, s15, $0xb8;
	[tilespmem:$0x1D800] =	vst v63  }
0x44: {  	s10 =	rddreg [dreg:$0x6]  }
0x45: {  	[tilespmem:s17], [sflag:$0x2] =	stream.indirect.gather [hbm4b:s1+s15], $0x80, s10, s15, $0xb8;
	[tilespmem:$0x1D800] =	vst v63  }
0x46: {  	_ =	swait.ge [sflag:s18], $0x3E80  }
0x47: {  	[sflag:s18] =	ssyncset.done $0x0  }
0x48: {  	[sflag:s18] =	ssyncadd.s32 $0xFFFFC180  }
0x49: {  	[spmem:s3] =	stream.indirect.scatter.add.f32 [tilespmem:s16], [sflag:$0x3], $0x80, s14, s15, $0xb8;
	[tilespmem:$0x1D800] =	vst v63  }
0x4a: {  	_ =	swait.ge [sflag:s13], $0x3E80  }
0x4b: {  	[sflag:s13] =	ssyncset.done $0x0  }
0x4c: {  	s11 =	rddreg [dreg:$0x7];
	[sflag:s13] =	ssyncadd.s32 $0xFFFFC180  }
0x4d: {  	[tilespmem:s16], [sflag:$0x1] =	stream.indirect.gather [hbm4b:s1+s15], $0x80, s11, s15, $0xb8;
	[tilespmem:$0x1D800] =	vst v63  }
0x4e: {  	_ =	swait.ge [sflag:s19], $0x3E80  }
0x4f: {  	[sflag:s19] =	ssyncset.done $0x0  }
0x50: {  	s12 =	rddreg [dreg:$0x8];
	[sflag:s19] =	ssyncadd.s32 $0xFFFFC180  }
0x51: {  	[spmem:s3] =	stream.indirect.scatter.add.f32 [tilespmem:s17], [sflag:$0x3], $0x80, s12, s15, $0xb8;
	[tilespmem:$0x1D800] =	vst v63  }
0x52: {  	_ =	swait.ge [sflag:s13], $0x3E80  }
0x53: {  	[sflag:s13] =	ssyncset.done $0x0  }
0x54: {  	s10 =	rddreg [dreg:$0x9];
	[sflag:s13] =	ssyncadd.s32 $0xFFFFC180  }
0x55: {  	[tilespmem:s17], [sflag:$0x2] =	stream.indirect.gather [hbm4b:s1+s15], $0x80, s10, s15, $0xb8;
	[tilespmem:$0x1D800] =	vst v63  }
0x56: {  	_ =	swait.ge [sflag:s18], $0x3E80  }
0x57: {  	[sflag:s18] =	ssyncset.done $0x0  }
0x58: {  	s11 =	rddreg [dreg:$0xa];
	[sflag:s18] =	ssyncadd.s32 $0xFFFFC180  }
0x59: {  	[spmem:s3] =	stream.indirect.scatter.add.f32 [tilespmem:s16], [sflag:$0x3], $0x80, s11, s15, $0xb8;
	[tilespmem:$0x1D800] =	vst v63  }
0x5a: {  	_ =	swait.ge [sflag:s13], $0x3E80  }
0x5b: {  	[sflag:s13] =	ssyncset.done $0x0  }
0x5c: {  	s12 =	rddreg [dreg:$0xb];
	[sflag:s13] =	ssyncadd.s32 $0xFFFFC180  }
0x5d: {  	[tilespmem:s16], [sflag:$0x1] =	stream.indirect.gather [hbm4b:s1+s15], $0x80, s12, s15, $0xb8;
	[tilespmem:$0x1D800] =	vst v63  }
0x5e: {  	_ =	swait.ge [sflag:s19], $0x3E80  }
0x5f: {  	[sflag:s19] =	ssyncset.done $0x0  }
0x60: {  	s10 =	rddreg [dreg:$0xc];
	[sflag:s19] =	ssyncadd.s32 $0xFFFFC180  }
0x61: {  	[spmem:s3] =	stream.indirect.scatter.add.f32 [tilespmem:s17], [sflag:$0x3], $0x80, s10, s15, $0xb8;
	[tilespmem:$0x1D800] =	vst v63  }
0x62: {  	_ =	swait.ge [sflag:s13], $0x3E80  }
0x63: {  	[sflag:s13] =	ssyncset.done $0x0  }
0x64: {  	s11 =	rddreg [dreg:$0xd];
	[sflag:s13] =	ssyncadd.s32 $0xFFFFC180  }
0x65: {  	[tilespmem:s17], [sflag:$0x2] =	stream.indirect.gather [hbm4b:s1+s15], $0x80, s11, s15, $0xb8;
	[tilespmem:$0x1D800] =	vst v63  }
0x66: {  	_ =	swait.ge [sflag:s18], $0x3E80  }
0x67: {  	[sflag:s18] =	ssyncset.done $0x0  }
0x68: {  	s12 =	rddreg [dreg:$0xe];
	[sflag:s18] =	ssyncadd.s32 $0xFFFFC180  }
0x69: {  	[spmem:s3] =	stream.indirect.scatter.add.f32 [tilespmem:s16], [sflag:$0x3], $0x80, s12, s15, $0xb8;
	[tilespmem:$0x1D800] =	vst v63  }
0x6a: {  	_ =	swait.ge [sflag:s13], $0x3E80  }
0x6b: {  	[sflag:s13] =	ssyncset.done $0x0  }
0x6c: {  	s10 =	rddreg [dreg:$0xf];
	[sflag:s13] =	ssyncadd.s32 $0xFFFFC180  }
0x6d: {  	[tilespmem:s16], [sflag:$0x1] =	stream.indirect.gather [hbm4b:s1+s15], $0x80, s10, s15, $0xb8;
	[tilespmem:$0x1D800] =	vst v63  }
0x6e: {  	_ =	swait.ge [sflag:s19], $0x3E80  }
0x6f: {  	[sflag:s19] =	ssyncset.done $0x0  }
0x70: {  	s11 =	rddreg [dreg:$0x10];
	[sflag:s19] =	ssyncadd.s32 $0xFFFFC180  }
0x71: {  	[spmem:s3] =	stream.indirect.scatter.add.f32 [tilespmem:s17], [sflag:$0x3], $0x80, s11, s15, $0xb8;
	[tilespmem:$0x1D800] =	vst v63  }
0x72: {  	_ =	swait.ge [sflag:s13], $0x3E80  }
0x73: {  	[sflag:s13] =	ssyncset.done $0x0  }
0x74: {  	s12 =	rddreg [dreg:$0x11];
	[sflag:s13] =	ssyncadd.s32 $0xFFFFC180  }
0x75: {  	[tilespmem:s17], [sflag:$0x2] =	stream.indirect.gather [hbm4b:s1+s15], $0x80, s12, s15, $0xb8;
	[tilespmem:$0x1D800] =	vst v63  }
0x76: {  	_ =	swait.ge [sflag:s18], $0x3E80  }
0x77: {  	[sflag:s18] =	ssyncset.done $0x0  }
0x78: {  	s10 =	rddreg [dreg:$0x12];
	[sflag:s18] =	ssyncadd.s32 $0xFFFFC180  }
0x79: {  	[spmem:s3] =	stream.indirect.scatter.add.f32 [tilespmem:s16], [sflag:$0x3], $0x80, s10, s15, $0xb8;
	[tilespmem:$0x1D800] =	vst v63  }
0x7a: {  	_ =	swait.ge [sflag:s13], $0x3E80  }
0x7b: {  	[sflag:s13] =	ssyncset.done $0x0  }
0x7c: {  	s11 =	rddreg [dreg:$0x13];
	[sflag:s13] =	ssyncadd.s32 $0xFFFFC180  }
0x7d: {  	[tilespmem:s16], [sflag:$0x1] =	stream.indirect.gather [hbm4b:s1+s15], $0x80, s11, s15, $0xb8;
	[tilespmem:$0x1D800] =	vst v63  }
0x7e: {  	_ =	swait.ge [sflag:s19], $0x3E80  }
0x7f: {  	[sflag:s19] =	ssyncset.done $0x0  }
0x80: {  	s12 =	rddreg [dreg:$0x14];
	[sflag:s19] =	ssyncadd.s32 $0xFFFFC180  }
0x81: {  	[spmem:s3] =	stream.indirect.scatter.add.f32 [tilespmem:s17], [sflag:$0x3], $0x80, s12, s15, $0xb8;
	[tilespmem:$0x1D800] =	vst v63  }
0x82: {  	_ =	swait.ge [sflag:s13], $0x3E80  }
0x83: {  	[sflag:s13] =	ssyncset.done $0x0  }
0x84: {  	s10 =	rddreg [dreg:$0x15];
	[sflag:s13] =	ssyncadd.s32 $0xFFFFC180  }
0x85: {  	[tilespmem:s17], [sflag:$0x2] =	stream.indirect.gather [hbm4b:s1+s15], $0x80, s10, s15, $0xb8;
	[tilespmem:$0x1D800] =	vst v63  }
0x86: {  	_ =	swait.ge [sflag:s18], $0x3E80  }
0x87: {  	[sflag:s18] =	ssyncset.done $0x0  }
0x88: {  	s11 =	rddreg [dreg:$0x16];
	[sflag:s18] =	ssyncadd.s32 $0xFFFFC180  }
0x89: {  	[spmem:s3] =	stream.indirect.scatter.add.f32 [tilespmem:s16], [sflag:$0x3], $0x80, s11, s15, $0xb8;
	[tilespmem:$0x1D800] =	vst v63  }
0x8a: {  	_ =	swait.ge [sflag:s13], $0x3E80  }
0x8b: {  	[sflag:s13] =	ssyncset.done $0x0  }
0x8c: {  	s12 =	rddreg [dreg:$0x17];
	[sflag:s13] =	ssyncadd.s32 $0xFFFFC180  }
0x8d: {  	[tilespmem:s16], [sflag:$0x1] =	stream.indirect.gather [hbm4b:s1+s15], $0x80, s12, s15, $0xb8;
	[tilespmem:$0x1D800] =	vst v63  }
0x8e: {  	_ =	swait.ge [sflag:s19], $0x3E80  }
0x8f: {  	[sflag:s19] =	ssyncset.done $0x0  }
0x90: {  	s10 =	rddreg [dreg:$0x18];
	[sflag:s19] =	ssyncadd.s32 $0xFFFFC180  }
0x91: {  	[spmem:s3] =	stream.indirect.scatter.add.f32 [tilespmem:s17], [sflag:$0x3], $0x80, s10, s15, $0xb8;
	[tilespmem:$0x1D800] =	vst v63  }
0x92: {  	_ =	swait.ge [sflag:s13], $0x3E80  }
0x93: {  	[sflag:s13] =	ssyncset.done $0x0  }
0x94: {  	s11 =	rddreg [dreg:$0x19];
	[sflag:s13] =	ssyncadd.s32 $0xFFFFC180  }
0x95: {  	[tilespmem:s17], [sflag:$0x2] =	stream.indirect.gather [hbm4b:s1+s15], $0x80, s11, s15, $0xb8;
	[tilespmem:$0x1D800] =	vst v63  }
0x96: {  	_ =	swait.ge [sflag:s18], $0x3E80  }
0x97: {  	[sflag:s18] =	ssyncset.done $0x0  }
0x98: {  	s12 =	rddreg [dreg:$0x1a];
	[sflag:s18] =	ssyncadd.s32 $0xFFFFC180  }
0x99: {  	[spmem:s3] =	stream.indirect.scatter.add.f32 [tilespmem:s16], [sflag:$0x3], $0x80, s12, s15, $0xb8;
	[tilespmem:$0x1D800] =	vst v63  }
0x9a: {  	_ =	swait.ge [sflag:s13], $0x3E80  }
0x9b: {  	[sflag:s13] =	ssyncset.done $0x0  }
0x9c: {  	[sflag:s13] =	ssyncadd.s32 $0xFFFFC180  }
0x9d: {  	[tilespmem:s16], [sflag:$0x1] =	stream.indirect.gather [hbm4b:s1+s15], $0x80, s20, s15, $0xb8;
	[tilespmem:$0x1D800] =	vst v63  }
0x9e: {  	_ =	swait.ge [sflag:s19], $0x3E80  }
0x9f: {  	[sflag:s19] =	ssyncset.done $0x0  }
0xa0: {  	[sflag:s19] =	ssyncadd.s32 $0xFFFFC180  }
0xa1: {  	[spmem:s3] =	stream.indirect.scatter.add.f32 [tilespmem:s17], [sflag:$0x3], $0x80, s21, s15, $0xb8;
	[tilespmem:$0x1D800] =	vst v63  }
0xa2: {  	_ =	swait.ge [sflag:s13], $0x3E80  }
0xa3: {  	[sflag:s13] =	ssyncset.done $0x0  }
0xa4: {  	[sflag:s13] =	ssyncadd.s32 $0xFFFFC180  }
0xa5: {  	[tilespmem:s17], [sflag:$0x2] =	stream.indirect.gather [hbm4b:s1+s15], $0x80, s22, s15, $0xb8;
	[tilespmem:$0x1D800] =	vst v63  }
0xa6: {  	_ =	swait.ge [sflag:s18], $0x3E80  }
0xa7: {  	[sflag:s18] =	ssyncset.done $0x0  }
0xa8: {  	[sflag:s18] =	ssyncadd.s32 $0xFFFFC180  }
0xa9: {  	[spmem:s3] =	stream.indirect.scatter.add.f32 [tilespmem:s16], [sflag:$0x3], $0x80, s23, s15, $0xb8;
	[tilespmem:$0x1D800] =	vst v63  }
0xaa: {  	_ =	swait.ge [sflag:s13], $0x3E80  }
0xab: {  	[sflag:s13] =	ssyncset.done $0x0  }
0xac: {  	[sflag:s13] =	ssyncadd.s32 $0xFFFFC180  }
0xad: {  	[tilespmem:s16], [sflag:$0x1] =	stream.indirect.gather [hbm4b:s1+s15], $0x80, s24, s15, $0xb8;
	[tilespmem:$0x1D800] =	vst v63  }
0xae: {  	_ =	swait.ge [sflag:s19], $0x3E80  }
0xaf: {  	[sflag:s19] =	ssyncset.done $0x0  }
0xb0: {  	[sflag:s19] =	ssyncadd.s32 $0xFFFFC180  }
0xb1: {  	[spmem:s3] =	stream.indirect.scatter.add.f32 [tilespmem:s17], [sflag:$0x3], $0x80, s25, s15, $0xb8;
	[tilespmem:$0x1D800] =	vst v63  }
0xb2: {  	_ =	swait.ge [sflag:s13], $0x3E80  }
0xb3: {  	[sflag:s13] =	ssyncset.done $0x0  }
0xb4: {  	[sflag:s13] =	ssyncadd.s32 $0xFFFFC180  }
0xb5: {  	[tilespmem:s17], [sflag:$0x2] =	stream.indirect.gather [hbm4b:s1+s15], $0x80, s26, s15, $0xb8;
	[tilespmem:$0x1D800] =	vst v63  }
0xb6: {  	_ =	swait.ge [sflag:s18], $0x3E80  }
0xb7: {  	[sflag:s18] =	ssyncset.done $0x0  }
0xb8: {  	[sflag:s18] =	ssyncadd.s32 $0xFFFFC180  }
0xb9: {  	[spmem:s3] =	stream.indirect.scatter.add.f32 [tilespmem:s16], [sflag:$0x3], $0x80, s28, s15, $0xb8;
	[tilespmem:$0x1D800] =	vst v63  }
0xba: {  	_ =	swait.ge [sflag:s13], $0x3E80  }
0xbb: {  	[sflag:s13] =	ssyncset.done $0x0  }
0xbc: {  	[sflag:s13] =	ssyncadd.s32 $0xFFFFC180  }
0xbd: {  	[tilespmem:s16], [sflag:$0x1] =	stream.indirect.gather [hbm4b:s1+s15], $0x80, s29, s15, $0xb8;
	[tilespmem:$0x1D800] =	vst v63  }
0xbe: {  	_ =	swait.ge [sflag:s19], $0x3E80  }
0xbf: {  	[sflag:s19] =	ssyncset.done $0x0  }
0xc0: {  	[sflag:s19] =	ssyncadd.s32 $0xFFFFC180  }
0xc1: {  	[spmem:s3] =	stream.indirect.scatter.add.f32 [tilespmem:s17], [sflag:$0x3], $0x80, s30, s15, $0xb8;
	[tilespmem:$0x1D800] =	vst v63  }
0xc2: {  	_ =	swait.ge [sflag:s13], $0x3E80  }
0xc3: {  	[sflag:s13] =	ssyncset.done $0x0  }
0xc4: {  	[sflag:s13] =	ssyncadd.s32 $0xFFFFC180  }
0xc5: {  	[tilespmem:s17], [sflag:$0x2] =	stream.indirect.gather [hbm4b:s1+s15], $0x80, s31, s15, $0xb8;
	[tilespmem:$0x1D800] =	vst v63  }
0xc6: {  	_ =	swait.ge [sflag:s18], $0x3E80  }
0xc7: {  	[sflag:s18] =	ssyncset.done $0x0  }
0xc8: {  	[sflag:s18] =	ssyncadd.s32 $0xFFFFC180  }
0xc9: {  	[spmem:s3] =	stream.indirect.scatter.add.f32 [tilespmem:s16], [sflag:$0x3], $0x80, s2, s15, $0xb8;
	[tilespmem:$0x1D800] =	vst v63  }
0xca: {  	_ =	swait.ge [sflag:s13], $0x3E80  }
0xcb: {  	[sflag:s13] =	ssyncset.done $0x0  }
0xcc: {  	[sflag:s13] =	ssyncadd.s32 $0xFFFFC180  }
0xcd: {  	[tilespmem:s16], [sflag:$0x1] =	stream.indirect.gather [hbm4b:s1+s15], $0x80, s0, s15, $0xb8;
	[tilespmem:$0x1D800] =	vst v63  }
0xce: {  	_ =	swait.ge [sflag:s19], $0x3E80  }
0xcf: {  	[sflag:s19] =	ssyncset.done $0x0  }
0xd0: {  	[sflag:s19] =	ssyncadd.s32 $0xFFFFC180  }
0xd1: {  	[spmem:s3] =	stream.indirect.scatter.add.f32 [tilespmem:s17], [sflag:$0x3], $0x80, s6, s15, $0xb8;
	[tilespmem:$0x1D800] =	vst v63  }
0xd2: {  	_ =	swait.ge [sflag:s13], $0x3E80  }
0xd3: {  	[sflag:s13] =	ssyncset.done $0x0  }
0xd4: {  	[sflag:s13] =	ssyncadd.s32 $0xFFFFC180  }
0xd5: {  	[tilespmem:s17], [sflag:$0x2] =	stream.indirect.gather [hbm4b:s1+s15], $0x80, s7, s15, $0xb8;
	[tilespmem:$0x1D800] =	vst v63  }
0xd6: {  	_ =	swait.ge [sflag:s18], $0x3E80  }
0xd7: {  	[sflag:s18] =	ssyncset.done $0x0  }
0xd8: {  	[sflag:s18] =	ssyncadd.s32 $0xFFFFC180  }
0xd9: {  	[spmem:s3] =	stream.indirect.scatter.add.f32 [tilespmem:s16], [sflag:$0x3], $0x80, s8, s15, $0xb8;
	[tilespmem:$0x1D800] =	vst v63  }
0xda: {  	_ =	swait.ge [sflag:s13], $0x3E80  }
0xdb: {  	[sflag:s13] =	ssyncset.done $0x0  }
0xdc: {  	[sflag:s13] =	ssyncadd.s32 $0xFFFFC180  }
0xdd: {  	_ =	swait.ge [sflag:s19], $0x3E80  }
0xde: {  	[sflag:s19] =	ssyncset.done $0x0  }
0xdf: {  	[sflag:s19] =	ssyncadd.s32 $0xFFFFC180  }
0xe0: {  	[spmem:s3] =	stream.indirect.scatter.add.f32 [tilespmem:s17], [sflag:$0x3], $0x80, s9, s15, $0xb8;
	[tilespmem:$0x1D800] =	vst v63  }
0xe1: {  	s5 =	simm.s32 $0x3000;
	_ =	swait.ge [sflag:s13], $0x3E80  }
0xe2: {  	s11 =	simm.s32 $0x6000;
	s12 =	rddreg [dreg:$0x5];
	[sflag:s13] =	ssyncset.done $0x0  }
.LBB2_2:
0xe3: {  	[sflag:s13] =	ssyncadd.s32 $0xFFFFC180;
	s12 =	sadd.s32 s5, s12  }
0xe4: {  	[tilespmem:s4], [sflag:$0x3] =	stream.linear.gather [hbm4b:s12+s4], $0xA00, $0x38;
	[tilespmem:$0x1D800] =	vst v63  }
0xe5: {  	_ =	swait.ge [sflag:s13], $0xA00  }
0xe6: {  	s12 =	rddreg [dreg:$0x4];
	[sflag:s13] =	ssyncset.done $0x0  }
0xe7: {  	[sflag:s13] =	ssyncadd.s32 $0xFFFFF600;
	s12 =	sadd.s32 s5, s12  }
0xe8: {  	[tilespmem:s14], [sflag:$0x3] =	stream.linear.gather [hbm4b:s12+s4], $0xA00, $0x38;
	[tilespmem:$0x1D800] =	vst v63  }
0xe9: {  	_ =	swait.ge [sflag:s13], $0xA00  }
0xea: {  	[sflag:s13] =	ssyncset.done $0x0  }
0xeb: {  	[sflag:s13] =	ssyncadd.s32 $0xFFFFF600  }
0xec: {  	[tilespmem:s16], [sflag:$0x1] =	stream.indirect.gather [hbm4b:s1+s15], $0x80, s4, s15, $0xb8;
	[tilespmem:$0x1D800] =	vst v63  }
0xed: {  	s12 =	rddreg [dreg:$0x6]  }
0xee: {  	[tilespmem:s17], [sflag:$0x2] =	stream.indirect.gather [hbm4b:s1+s15], $0x80, s12, s15, $0xb8;
	[tilespmem:$0x1D800] =	vst v63  }
0xef: {  	_ =	swait.ge [sflag:s18], $0x3E80  }
0xf0: {  	[sflag:s18] =	ssyncset.done $0x0  }
0xf1: {  	[sflag:s18] =	ssyncadd.s32 $0xFFFFC180  }
0xf2: {  	[spmem:s3] =	stream.indirect.scatter.add.f32 [tilespmem:s16], [sflag:$0x3], $0x80, s14, s15, $0xb8;
	[tilespmem:$0x1D800] =	vst v63  }
0xf3: {  	_ =	swait.ge [sflag:s13], $0x3E80  }
0xf4: {  	[sflag:s13] =	ssyncset.done $0x0  }
0xf5: {  	s12 =	rddreg [dreg:$0x7];
	[sflag:s13] =	ssyncadd.s32 $0xFFFFC180  }
0xf6: {  	[tilespmem:s16], [sflag:$0x1] =	stream.indirect.gather [hbm4b:s1+s15], $0x80, s12, s15, $0xb8;
	[tilespmem:$0x1D800] =	vst v63  }
0xf7: {  	_ =	swait.ge [sflag:s19], $0x3E80  }
0xf8: {  	[sflag:s19] =	ssyncset.done $0x0  }
0xf9: {  	s12 =	rddreg [dreg:$0x8];
	[sflag:s19] =	ssyncadd.s32 $0xFFFFC180  }
0xfa: {  	[spmem:s3] =	stream.indirect.scatter.add.f32 [tilespmem:s17], [sflag:$0x3], $0x80, s12, s15, $0xb8;
	[tilespmem:$0x1D800] =	vst v63  }
0xfb: {  	_ =	swait.ge [sflag:s13], $0x3E80  }
0xfc: {  	[sflag:s13] =	ssyncset.done $0x0  }
0xfd: {  	s12 =	rddreg [dreg:$0x9];
	[sflag:s13] =	ssyncadd.s32 $0xFFFFC180  }
0xfe: {  	[tilespmem:s17], [sflag:$0x2] =	stream.indirect.gather [hbm4b:s1+s15], $0x80, s12, s15, $0xb8;
	[tilespmem:$0x1D800] =	vst v63  }
0xff: {  	_ =	swait.ge [sflag:s18], $0x3E80  }
0x100: {  	[sflag:s18] =	ssyncset.done $0x0  }
0x101: {  	s12 =	rddreg [dreg:$0xa];
	[sflag:s18] =	ssyncadd.s32 $0xFFFFC180  }
0x102: {  	[spmem:s3] =	stream.indirect.scatter.add.f32 [tilespmem:s16], [sflag:$0x3], $0x80, s12, s15, $0xb8;
	[tilespmem:$0x1D800] =	vst v63  }
0x103: {  	_ =	swait.ge [sflag:s13], $0x3E80  }
0x104: {  	[sflag:s13] =	ssyncset.done $0x0  }
0x105: {  	s12 =	rddreg [dreg:$0xb];
	[sflag:s13] =	ssyncadd.s32 $0xFFFFC180  }
0x106: {  	[tilespmem:s16], [sflag:$0x1] =	stream.indirect.gather [hbm4b:s1+s15], $0x80, s12, s15, $0xb8;
	[tilespmem:$0x1D800] =	vst v63  }
0x107: {  	_ =	swait.ge [sflag:s19], $0x3E80  }
0x108: {  	[sflag:s19] =	ssyncset.done $0x0  }
0x109: {  	s12 =	rddreg [dreg:$0xc];
	[sflag:s19] =	ssyncadd.s32 $0xFFFFC180  }
0x10a: {  	[spmem:s3] =	stream.indirect.scatter.add.f32 [tilespmem:s17], [sflag:$0x3], $0x80, s12, s15, $0xb8;
	[tilespmem:$0x1D800] =	vst v63  }
0x10b: {  	_ =	swait.ge [sflag:s13], $0x3E80  }
0x10c: {  	[sflag:s13] =	ssyncset.done $0x0  }
0x10d: {  	s12 =	rddreg [dreg:$0xd];
	[sflag:s13] =	ssyncadd.s32 $0xFFFFC180  }
0x10e: {  	[tilespmem:s17], [sflag:$0x2] =	stream.indirect.gather [hbm4b:s1+s15], $0x80, s12, s15, $0xb8;
	[tilespmem:$0x1D800] =	vst v63  }
0x10f: {  	_ =	swait.ge [sflag:s18], $0x3E80  }
0x110: {  	[sflag:s18] =	ssyncset.done $0x0  }
0x111: {  	s12 =	rddreg [dreg:$0xe];
	[sflag:s18] =	ssyncadd.s32 $0xFFFFC180  }
0x112: {  	[spmem:s3] =	stream.indirect.scatter.add.f32 [tilespmem:s16], [sflag:$0x3], $0x80, s12, s15, $0xb8;
	[tilespmem:$0x1D800] =	vst v63  }
0x113: {  	_ =	swait.ge [sflag:s13], $0x3E80  }
0x114: {  	[sflag:s13] =	ssyncset.done $0x0  }
0x115: {  	s12 =	rddreg [dreg:$0xf];
	[sflag:s13] =	ssyncadd.s32 $0xFFFFC180  }
0x116: {  	[tilespmem:s16], [sflag:$0x1] =	stream.indirect.gather [hbm4b:s1+s15], $0x80, s12, s15, $0xb8;
	[tilespmem:$0x1D800] =	vst v63  }
0x117: {  	_ =	swait.ge [sflag:s19], $0x3E80  }
0x118: {  	[sflag:s19] =	ssyncset.done $0x0  }
0x119: {  	s12 =	rddreg [dreg:$0x10];
	[sflag:s19] =	ssyncadd.s32 $0xFFFFC180  }
0x11a: {  	[spmem:s3] =	stream.indirect.scatter.add.f32 [tilespmem:s17], [sflag:$0x3], $0x80, s12, s15, $0xb8;
	[tilespmem:$0x1D800] =	vst v63  }
0x11b: {  	_ =	swait.ge [sflag:s13], $0x3E80  }
0x11c: {  	[sflag:s13] =	ssyncset.done $0x0  }
0x11d: {  	s12 =	rddreg [dreg:$0x11];
	[sflag:s13] =	ssyncadd.s32 $0xFFFFC180  }
0x11e: {  	[tilespmem:s17], [sflag:$0x2] =	stream.indirect.gather [hbm4b:s1+s15], $0x80, s12, s15, $0xb8;
	[tilespmem:$0x1D800] =	vst v63  }
0x11f: {  	_ =	swait.ge [sflag:s18], $0x3E80  }
0x120: {  	[sflag:s18] =	ssyncset.done $0x0  }
0x121: {  	s12 =	rddreg [dreg:$0x12];
	[sflag:s18] =	ssyncadd.s32 $0xFFFFC180  }
0x122: {  	[spmem:s3] =	stream.indirect.scatter.add.f32 [tilespmem:s16], [sflag:$0x3], $0x80, s12, s15, $0xb8;
	[tilespmem:$0x1D800] =	vst v63  }
0x123: {  	_ =	swait.ge [sflag:s13], $0x3E80  }
0x124: {  	[sflag:s13] =	ssyncset.done $0x0  }
0x125: {  	s12 =	rddreg [dreg:$0x13];
	[sflag:s13] =	ssyncadd.s32 $0xFFFFC180  }
0x126: {  	[tilespmem:s16], [sflag:$0x1] =	stream.indirect.gather [hbm4b:s1+s15], $0x80, s12, s15, $0xb8;
	[tilespmem:$0x1D800] =	vst v63  }
0x127: {  	_ =	swait.ge [sflag:s19], $0x3E80  }
0x128: {  	[sflag:s19] =	ssyncset.done $0x0  }
0x129: {  	s12 =	rddreg [dreg:$0x14];
	[sflag:s19] =	ssyncadd.s32 $0xFFFFC180  }
0x12a: {  	[spmem:s3] =	stream.indirect.scatter.add.f32 [tilespmem:s17], [sflag:$0x3], $0x80, s12, s15, $0xb8;
	[tilespmem:$0x1D800] =	vst v63  }
0x12b: {  	_ =	swait.ge [sflag:s13], $0x3E80  }
0x12c: {  	[sflag:s13] =	ssyncset.done $0x0  }
0x12d: {  	s12 =	rddreg [dreg:$0x15];
	[sflag:s13] =	ssyncadd.s32 $0xFFFFC180  }
0x12e: {  	[tilespmem:s17], [sflag:$0x2] =	stream.indirect.gather [hbm4b:s1+s15], $0x80, s12, s15, $0xb8;
	[tilespmem:$0x1D800] =	vst v63  }
0x12f: {  	_ =	swait.ge [sflag:s18], $0x3E80  }
0x130: {  	[sflag:s18] =	ssyncset.done $0x0  }
0x131: {  	s12 =	rddreg [dreg:$0x16];
	[sflag:s18] =	ssyncadd.s32 $0xFFFFC180  }
0x132: {  	[spmem:s3] =	stream.indirect.scatter.add.f32 [tilespmem:s16], [sflag:$0x3], $0x80, s12, s15, $0xb8;
	[tilespmem:$0x1D800] =	vst v63  }
0x133: {  	_ =	swait.ge [sflag:s13], $0x3E80  }
0x134: {  	[sflag:s13] =	ssyncset.done $0x0  }
0x135: {  	s12 =	rddreg [dreg:$0x17];
	[sflag:s13] =	ssyncadd.s32 $0xFFFFC180  }
0x136: {  	[tilespmem:s16], [sflag:$0x1] =	stream.indirect.gather [hbm4b:s1+s15], $0x80, s12, s15, $0xb8;
	[tilespmem:$0x1D800] =	vst v63  }
0x137: {  	_ =	swait.ge [sflag:s19], $0x3E80  }
0x138: {  	[sflag:s19] =	ssyncset.done $0x0  }
0x139: {  	s12 =	rddreg [dreg:$0x18];
	[sflag:s19] =	ssyncadd.s32 $0xFFFFC180  }
0x13a: {  	[spmem:s3] =	stream.indirect.scatter.add.f32 [tilespmem:s17], [sflag:$0x3], $0x80, s12, s15, $0xb8;
	[tilespmem:$0x1D800] =	vst v63  }
0x13b: {  	_ =	swait.ge [sflag:s13], $0x3E80  }
0x13c: {  	[sflag:s13] =	ssyncset.done $0x0  }
0x13d: {  	s12 =	rddreg [dreg:$0x19];
	[sflag:s13] =	ssyncadd.s32 $0xFFFFC180  }
0x13e: {  	[tilespmem:s17], [sflag:$0x2] =	stream.indirect.gather [hbm4b:s1+s15], $0x80, s12, s15, $0xb8;
	[tilespmem:$0x1D800] =	vst v63  }
0x13f: {  	_ =	swait.ge [sflag:s18], $0x3E80  }
0x140: {  	[sflag:s18] =	ssyncset.done $0x0  }
0x141: {  	s12 =	rddreg [dreg:$0x1a];
	[sflag:s18] =	ssyncadd.s32 $0xFFFFC180  }
0x142: {  	[spmem:s3] =	stream.indirect.scatter.add.f32 [tilespmem:s16], [sflag:$0x3], $0x80, s12, s15, $0xb8;
	[tilespmem:$0x1D800] =	vst v63  }
0x143: {  	_ =	swait.ge [sflag:s13], $0x3E80  }
0x144: {  	[sflag:s13] =	ssyncset.done $0x0  }
0x145: {  	[sflag:s13] =	ssyncadd.s32 $0xFFFFC180  }
0x146: {  	[tilespmem:s16], [sflag:$0x1] =	stream.indirect.gather [hbm4b:s1+s15], $0x80, s20, s15, $0xb8;
	[tilespmem:$0x1D800] =	vst v63  }
0x147: {  	_ =	swait.ge [sflag:s19], $0x3E80  }
0x148: {  	[sflag:s19] =	ssyncset.done $0x0  }
0x149: {  	[sflag:s19] =	ssyncadd.s32 $0xFFFFC180  }
0x14a: {  	[spmem:s3] =	stream.indirect.scatter.add.f32 [tilespmem:s17], [sflag:$0x3], $0x80, s21, s15, $0xb8;
	[tilespmem:$0x1D800] =	vst v63  }
0x14b: {  	_ =	swait.ge [sflag:s13], $0x3E80  }
0x14c: {  	[sflag:s13] =	ssyncset.done $0x0  }
0x14d: {  	[sflag:s13] =	ssyncadd.s32 $0xFFFFC180  }
0x14e: {  	[tilespmem:s17], [sflag:$0x2] =	stream.indirect.gather [hbm4b:s1+s15], $0x80, s22, s15, $0xb8;
	[tilespmem:$0x1D800] =	vst v63  }
0x14f: {  	_ =	swait.ge [sflag:s18], $0x3E80  }
0x150: {  	[sflag:s18] =	ssyncset.done $0x0  }
0x151: {  	[sflag:s18] =	ssyncadd.s32 $0xFFFFC180  }
0x152: {  	[spmem:s3] =	stream.indirect.scatter.add.f32 [tilespmem:s16], [sflag:$0x3], $0x80, s23, s15, $0xb8;
	[tilespmem:$0x1D800] =	vst v63  }
0x153: {  	_ =	swait.ge [sflag:s13], $0x3E80  }
0x154: {  	[sflag:s13] =	ssyncset.done $0x0  }
0x155: {  	[sflag:s13] =	ssyncadd.s32 $0xFFFFC180  }
0x156: {  	[tilespmem:s16], [sflag:$0x1] =	stream.indirect.gather [hbm4b:s1+s15], $0x80, s24, s15, $0xb8;
	[tilespmem:$0x1D800] =	vst v63  }
0x157: {  	_ =	swait.ge [sflag:s19], $0x3E80  }
0x158: {  	[sflag:s19] =	ssyncset.done $0x0  }
0x159: {  	[sflag:s19] =	ssyncadd.s32 $0xFFFFC180  }
0x15a: {  	[spmem:s3] =	stream.indirect.scatter.add.f32 [tilespmem:s17], [sflag:$0x3], $0x80, s25, s15, $0xb8;
	[tilespmem:$0x1D800] =	vst v63  }
0x15b: {  	_ =	swait.ge [sflag:s13], $0x3E80  }
0x15c: {  	[sflag:s13] =	ssyncset.done $0x0  }
0x15d: {  	[sflag:s13] =	ssyncadd.s32 $0xFFFFC180  }
0x15e: {  	[tilespmem:s17], [sflag:$0x2] =	stream.indirect.gather [hbm4b:s1+s15], $0x80, s26, s15, $0xb8;
	[tilespmem:$0x1D800] =	vst v63  }
0x15f: {  	_ =	swait.ge [sflag:s18], $0x3E80  }
0x160: {  	[sflag:s18] =	ssyncset.done $0x0  }
0x161: {  	[sflag:s18] =	ssyncadd.s32 $0xFFFFC180  }
0x162: {  	[spmem:s3] =	stream.indirect.scatter.add.f32 [tilespmem:s16], [sflag:$0x3], $0x80, s28, s15, $0xb8;
	[tilespmem:$0x1D800] =	vst v63  }
0x163: {  	_ =	swait.ge [sflag:s13], $0x3E80  }
0x164: {  	[sflag:s13] =	ssyncset.done $0x0  }
0x165: {  	[sflag:s13] =	ssyncadd.s32 $0xFFFFC180  }
0x166: {  	[tilespmem:s16], [sflag:$0x1] =	stream.indirect.gather [hbm4b:s1+s15], $0x80, s29, s15, $0xb8;
	[tilespmem:$0x1D800] =	vst v63  }
0x167: {  	_ =	swait.ge [sflag:s19], $0x3E80  }
0x168: {  	[sflag:s19] =	ssyncset.done $0x0  }
0x169: {  	[sflag:s19] =	ssyncadd.s32 $0xFFFFC180  }
0x16a: {  	[spmem:s3] =	stream.indirect.scatter.add.f32 [tilespmem:s17], [sflag:$0x3], $0x80, s30, s15, $0xb8;
	[tilespmem:$0x1D800] =	vst v63  }
0x16b: {  	_ =	swait.ge [sflag:s13], $0x3E80  }
0x16c: {  	[sflag:s13] =	ssyncset.done $0x0  }
0x16d: {  	[sflag:s13] =	ssyncadd.s32 $0xFFFFC180  }
0x16e: {  	[tilespmem:s17], [sflag:$0x2] =	stream.indirect.gather [hbm4b:s1+s15], $0x80, s31, s15, $0xb8;
	[tilespmem:$0x1D800] =	vst v63  }
0x16f: {  	_ =	swait.ge [sflag:s18], $0x3E80  }
0x170: {  	[sflag:s18] =	ssyncset.done $0x0  }
0x171: {  	[sflag:s18] =	ssyncadd.s32 $0xFFFFC180  }
0x172: {  	[spmem:s3] =	stream.indirect.scatter.add.f32 [tilespmem:s16], [sflag:$0x3], $0x80, s2, s15, $0xb8;
	[tilespmem:$0x1D800] =	vst v63  }
0x173: {  	_ =	swait.ge [sflag:s13], $0x3E80  }
0x174: {  	[sflag:s13] =	ssyncset.done $0x0  }
0x175: {  	[sflag:s13] =	ssyncadd.s32 $0xFFFFC180  }
0x176: {  	[tilespmem:s16], [sflag:$0x1] =	stream.indirect.gather [hbm4b:s1+s15], $0x80, s0, s15, $0xb8;
	[tilespmem:$0x1D800] =	vst v63  }
0x177: {  	_ =	swait.ge [sflag:s19], $0x3E80  }
0x178: {  	[sflag:s19] =	ssyncset.done $0x0  }
0x179: {  	[sflag:s19] =	ssyncadd.s32 $0xFFFFC180  }
0x17a: {  	[spmem:s3] =	stream.indirect.scatter.add.f32 [tilespmem:s17], [sflag:$0x3], $0x80, s6, s15, $0xb8;
	[tilespmem:$0x1D800] =	vst v63  }
0x17b: {  	_ =	swait.ge [sflag:s13], $0x3E80  }
0x17c: {  	[sflag:s13] =	ssyncset.done $0x0  }
0x17d: {  	[sflag:s13] =	ssyncadd.s32 $0xFFFFC180  }
0x17e: {  	[tilespmem:s17], [sflag:$0x2] =	stream.indirect.gather [hbm4b:s1+s15], $0x80, s7, s15, $0xb8;
	[tilespmem:$0x1D800] =	vst v63  }
0x17f: {  	_ =	swait.ge [sflag:s18], $0x3E80  }
0x180: {  	[sflag:s18] =	ssyncset.done $0x0  }
0x181: {  	[sflag:s18] =	ssyncadd.s32 $0xFFFFC180  }
0x182: {  	[spmem:s3] =	stream.indirect.scatter.add.f32 [tilespmem:s16], [sflag:$0x3], $0x80, s8, s15, $0xb8;
	[tilespmem:$0x1D800] =	vst v63  }
0x183: {  	_ =	swait.ge [sflag:s13], $0x3E80  }
0x184: {  	[sflag:s13] =	ssyncset.done $0x0  }
0x185: {  	[sflag:s13] =	ssyncadd.s32 $0xFFFFC180  }
0x186: {  	p1 =	sne.s32 s11, $0x9000;
	_ =	swait.ge [sflag:s19], $0x3E80  }
.Ltmp0:
0x187: {  	[sflag:s19] =	ssyncset.done $0x0;
	(pc) =	sbr.rel @p1 .LBB2_2-.Ltmp0, $4  }
0x188: {  	[sflag:s19] =	ssyncadd.s32 $0xFFFFC180  }
0x189: {  	[spmem:s3] =	stream.indirect.scatter.add.f32 [tilespmem:s17], [sflag:$0x3], $0x80, s9, s15, $0xb8;
	[tilespmem:$0x1D800] =	vst v63  }
0x18a: {  	s10 =	smov.u32 s11;
	s11 =	sadd.s32 $0x3000, s11;
	_ =	swait.ge [sflag:s13], $0x3E80  }
0x18b: {  	s5 =	smov.u32 s10;
	s12 =	rddreg [dreg:$0x5];
	[sflag:s13] =	ssyncset.done $0x0  }
0x18c: {  	[sflag:s13] =	ssyncadd.s32 $0xFFFFC180;
	s10 =	sadd.s32 s5, s12  }
0x18d: {  	[tilespmem:s4], [sflag:$0x3] =	stream.linear.gather [hbm4b:s10+s4], $0xA00, $0x38;
	[tilespmem:$0x1D800] =	vst v63  }
0x18e: {  	_ =	swait.ge [sflag:s13], $0xA00  }
0x18f: {  	s12 =	rddreg [dreg:$0x4];
	[sflag:s13] =	ssyncset.done $0x0  }
0x190: {  	[sflag:s13] =	ssyncadd.s32 $0xFFFFF600;
	s10 =	sadd.s32 s5, s12  }
0x191: {  	[tilespmem:s14], [sflag:$0x3] =	stream.linear.gather [hbm4b:s10+s4], $0xA00, $0x38;
	[tilespmem:$0x1D800] =	vst v63  }
0x192: {  	_ =	swait.ge [sflag:s13], $0xA00  }
0x193: {  	[sflag:s13] =	ssyncset.done $0x0  }
0x194: {  	[sflag:s13] =	ssyncadd.s32 $0xFFFFF600  }
0x195: {  	[tilespmem:s16], [sflag:$0x1] =	stream.indirect.gather [hbm4b:s1+s15], $0x80, s4, s15, $0xb8;
	[tilespmem:$0x1D800] =	vst v63  }
0x196: {  	s11 =	rddreg [dreg:$0x6]  }
0x197: {  	[tilespmem:s17], [sflag:$0x2] =	stream.indirect.gather [hbm4b:s1+s15], $0x80, s11, s15, $0xb8;
	[tilespmem:$0x1D800] =	vst v63  }
0x198: {  	_ =	swait.ge [sflag:s18], $0x3E80  }
0x199: {  	[sflag:s18] =	ssyncset.done $0x0  }
0x19a: {  	[sflag:s18] =	ssyncadd.s32 $0xFFFFC180  }
0x19b: {  	[spmem:s3] =	stream.indirect.scatter.add.f32 [tilespmem:s16], [sflag:$0x3], $0x80, s14, s15, $0xb8;
	[tilespmem:$0x1D800] =	vst v63  }
0x19c: {  	_ =	swait.ge [sflag:s13], $0x3E80  }
0x19d: {  	[sflag:s13] =	ssyncset.done $0x0  }
0x19e: {  	s12 =	rddreg [dreg:$0x7];
	[sflag:s13] =	ssyncadd.s32 $0xFFFFC180  }
0x19f: {  	[tilespmem:s16], [sflag:$0x1] =	stream.indirect.gather [hbm4b:s1+s15], $0x80, s12, s15, $0xb8;
	[tilespmem:$0x1D800] =	vst v63  }
0x1a0: {  	_ =	swait.ge [sflag:s19], $0x3E80  }
0x1a1: {  	[sflag:s19] =	ssyncset.done $0x0  }
0x1a2: {  	s10 =	rddreg [dreg:$0x8];
	[sflag:s19] =	ssyncadd.s32 $0xFFFFC180  }
0x1a3: {  	[spmem:s3] =	stream.indirect.scatter.add.f32 [tilespmem:s17], [sflag:$0x3], $0x80, s10, s15, $0xb8;
	[tilespmem:$0x1D800] =	vst v63  }
0x1a4: {  	_ =	swait.ge [sflag:s13], $0x3E80  }
0x1a5: {  	[sflag:s13] =	ssyncset.done $0x0  }
0x1a6: {  	s11 =	rddreg [dreg:$0x9];
	[sflag:s13] =	ssyncadd.s32 $0xFFFFC180  }
0x1a7: {  	[tilespmem:s17], [sflag:$0x2] =	stream.indirect.gather [hbm4b:s1+s15], $0x80, s11, s15, $0xb8;
	[tilespmem:$0x1D800] =	vst v63  }
0x1a8: {  	_ =	swait.ge [sflag:s18], $0x3E80  }
0x1a9: {  	[sflag:s18] =	ssyncset.done $0x0  }
0x1aa: {  	s12 =	rddreg [dreg:$0xa];
	[sflag:s18] =	ssyncadd.s32 $0xFFFFC180  }
0x1ab: {  	[spmem:s3] =	stream.indirect.scatter.add.f32 [tilespmem:s16], [sflag:$0x3], $0x80, s12, s15, $0xb8;
	[tilespmem:$0x1D800] =	vst v63  }
0x1ac: {  	_ =	swait.ge [sflag:s13], $0x3E80  }
0x1ad: {  	[sflag:s13] =	ssyncset.done $0x0  }
0x1ae: {  	s10 =	rddreg [dreg:$0xb];
	[sflag:s13] =	ssyncadd.s32 $0xFFFFC180  }
0x1af: {  	[tilespmem:s16], [sflag:$0x1] =	stream.indirect.gather [hbm4b:s1+s15], $0x80, s10, s15, $0xb8;
	[tilespmem:$0x1D800] =	vst v63  }
0x1b0: {  	_ =	swait.ge [sflag:s19], $0x3E80  }
0x1b1: {  	[sflag:s19] =	ssyncset.done $0x0  }
0x1b2: {  	s11 =	rddreg [dreg:$0xc];
	[sflag:s19] =	ssyncadd.s32 $0xFFFFC180  }
0x1b3: {  	[spmem:s3] =	stream.indirect.scatter.add.f32 [tilespmem:s17], [sflag:$0x3], $0x80, s11, s15, $0xb8;
	[tilespmem:$0x1D800] =	vst v63  }
0x1b4: {  	_ =	swait.ge [sflag:s13], $0x3E80  }
0x1b5: {  	[sflag:s13] =	ssyncset.done $0x0  }
0x1b6: {  	s12 =	rddreg [dreg:$0xd];
	[sflag:s13] =	ssyncadd.s32 $0xFFFFC180  }
0x1b7: {  	[tilespmem:s17], [sflag:$0x2] =	stream.indirect.gather [hbm4b:s1+s15], $0x80, s12, s15, $0xb8;
	[tilespmem:$0x1D800] =	vst v63  }
0x1b8: {  	_ =	swait.ge [sflag:s18], $0x3E80  }
0x1b9: {  	[sflag:s18] =	ssyncset.done $0x0  }
0x1ba: {  	s10 =	rddreg [dreg:$0xe];
	[sflag:s18] =	ssyncadd.s32 $0xFFFFC180  }
0x1bb: {  	[spmem:s3] =	stream.indirect.scatter.add.f32 [tilespmem:s16], [sflag:$0x3], $0x80, s10, s15, $0xb8;
	[tilespmem:$0x1D800] =	vst v63  }
0x1bc: {  	_ =	swait.ge [sflag:s13], $0x3E80  }
0x1bd: {  	[sflag:s13] =	ssyncset.done $0x0  }
0x1be: {  	s11 =	rddreg [dreg:$0xf];
	[sflag:s13] =	ssyncadd.s32 $0xFFFFC180  }
0x1bf: {  	[tilespmem:s16], [sflag:$0x1] =	stream.indirect.gather [hbm4b:s1+s15], $0x80, s11, s15, $0xb8;
	[tilespmem:$0x1D800] =	vst v63  }
0x1c0: {  	_ =	swait.ge [sflag:s19], $0x3E80  }
0x1c1: {  	[sflag:s19] =	ssyncset.done $0x0  }
0x1c2: {  	s12 =	rddreg [dreg:$0x10];
	[sflag:s19] =	ssyncadd.s32 $0xFFFFC180  }
0x1c3: {  	[spmem:s3] =	stream.indirect.scatter.add.f32 [tilespmem:s17], [sflag:$0x3], $0x80, s12, s15, $0xb8;
	[tilespmem:$0x1D800] =	vst v63  }
0x1c4: {  	_ =	swait.ge [sflag:s13], $0x3E80  }
0x1c5: {  	[sflag:s13] =	ssyncset.done $0x0  }
0x1c6: {  	s10 =	rddreg [dreg:$0x11];
	[sflag:s13] =	ssyncadd.s32 $0xFFFFC180  }
0x1c7: {  	[tilespmem:s17], [sflag:$0x2] =	stream.indirect.gather [hbm4b:s1+s15], $0x80, s10, s15, $0xb8;
	[tilespmem:$0x1D800] =	vst v63  }
0x1c8: {  	_ =	swait.ge [sflag:s18], $0x3E80  }
0x1c9: {  	[sflag:s18] =	ssyncset.done $0x0  }
0x1ca: {  	s11 =	rddreg [dreg:$0x12];
	[sflag:s18] =	ssyncadd.s32 $0xFFFFC180  }
0x1cb: {  	[spmem:s3] =	stream.indirect.scatter.add.f32 [tilespmem:s16], [sflag:$0x3], $0x80, s11, s15, $0xb8;
	[tilespmem:$0x1D800] =	vst v63  }
0x1cc: {  	_ =	swait.ge [sflag:s13], $0x3E80  }
0x1cd: {  	[sflag:s13] =	ssyncset.done $0x0  }
0x1ce: {  	s12 =	rddreg [dreg:$0x13];
	[sflag:s13] =	ssyncadd.s32 $0xFFFFC180  }
0x1cf: {  	[tilespmem:s16], [sflag:$0x1] =	stream.indirect.gather [hbm4b:s1+s15], $0x80, s12, s15, $0xb8;
	[tilespmem:$0x1D800] =	vst v63  }
0x1d0: {  	_ =	swait.ge [sflag:s19], $0x3E80  }
0x1d1: {  	[sflag:s19] =	ssyncset.done $0x0  }
0x1d2: {  	s10 =	rddreg [dreg:$0x14];
	[sflag:s19] =	ssyncadd.s32 $0xFFFFC180  }
0x1d3: {  	[spmem:s3] =	stream.indirect.scatter.add.f32 [tilespmem:s17], [sflag:$0x3], $0x80, s10, s15, $0xb8;
	[tilespmem:$0x1D800] =	vst v63  }
0x1d4: {  	_ =	swait.ge [sflag:s13], $0x3E80  }
0x1d5: {  	[sflag:s13] =	ssyncset.done $0x0  }
0x1d6: {  	s11 =	rddreg [dreg:$0x15];
	[sflag:s13] =	ssyncadd.s32 $0xFFFFC180  }
0x1d7: {  	[tilespmem:s17], [sflag:$0x2] =	stream.indirect.gather [hbm4b:s1+s15], $0x80, s11, s15, $0xb8;
	[tilespmem:$0x1D800] =	vst v63  }
0x1d8: {  	_ =	swait.ge [sflag:s18], $0x3E80  }
0x1d9: {  	[sflag:s18] =	ssyncset.done $0x0  }
0x1da: {  	s12 =	rddreg [dreg:$0x16];
	[sflag:s18] =	ssyncadd.s32 $0xFFFFC180  }
0x1db: {  	[spmem:s3] =	stream.indirect.scatter.add.f32 [tilespmem:s16], [sflag:$0x3], $0x80, s12, s15, $0xb8;
	[tilespmem:$0x1D800] =	vst v63  }
0x1dc: {  	_ =	swait.ge [sflag:s13], $0x3E80  }
0x1dd: {  	[sflag:s13] =	ssyncset.done $0x0  }
0x1de: {  	s10 =	rddreg [dreg:$0x17];
	[sflag:s13] =	ssyncadd.s32 $0xFFFFC180  }
0x1df: {  	[tilespmem:s16], [sflag:$0x1] =	stream.indirect.gather [hbm4b:s1+s15], $0x80, s10, s15, $0xb8;
	[tilespmem:$0x1D800] =	vst v63  }
0x1e0: {  	_ =	swait.ge [sflag:s19], $0x3E80  }
0x1e1: {  	[sflag:s19] =	ssyncset.done $0x0  }
0x1e2: {  	s11 =	rddreg [dreg:$0x18];
	[sflag:s19] =	ssyncadd.s32 $0xFFFFC180  }
0x1e3: {  	[spmem:s3] =	stream.indirect.scatter.add.f32 [tilespmem:s17], [sflag:$0x3], $0x80, s11, s15, $0xb8;
	[tilespmem:$0x1D800] =	vst v63  }
0x1e4: {  	_ =	swait.ge [sflag:s13], $0x3E80  }
0x1e5: {  	[sflag:s13] =	ssyncset.done $0x0  }
0x1e6: {  	s12 =	rddreg [dreg:$0x19];
	[sflag:s13] =	ssyncadd.s32 $0xFFFFC180  }
0x1e7: {  	[tilespmem:s17], [sflag:$0x2] =	stream.indirect.gather [hbm4b:s1+s15], $0x80, s12, s15, $0xb8;
	[tilespmem:$0x1D800] =	vst v63  }
0x1e8: {  	_ =	swait.ge [sflag:s18], $0x3E80  }
0x1e9: {  	[sflag:s18] =	ssyncset.done $0x0  }
0x1ea: {  	s10 =	rddreg [dreg:$0x1a];
	[sflag:s18] =	ssyncadd.s32 $0xFFFFC180  }
0x1eb: {  	[spmem:s3] =	stream.indirect.scatter.add.f32 [tilespmem:s16], [sflag:$0x3], $0x80, s10, s15, $0xb8;
	[tilespmem:$0x1D800] =	vst v63  }
0x1ec: {  	_ =	swait.ge [sflag:s13], $0x3E80  }
0x1ed: {  	[sflag:s13] =	ssyncset.done $0x0  }
0x1ee: {  	[sflag:s13] =	ssyncadd.s32 $0xFFFFC180  }
0x1ef: {  	[tilespmem:s16], [sflag:$0x1] =	stream.indirect.gather [hbm4b:s1+s15], $0x80, s20, s15, $0xb8;
	[tilespmem:$0x1D800] =	vst v63  }
0x1f0: {  	_ =	swait.ge [sflag:s19], $0x3E80  }
0x1f1: {  	[sflag:s19] =	ssyncset.done $0x0  }
0x1f2: {  	[sflag:s19] =	ssyncadd.s32 $0xFFFFC180  }
0x1f3: {  	[spmem:s3] =	stream.indirect.scatter.add.f32 [tilespmem:s17], [sflag:$0x3], $0x80, s21, s15, $0xb8;
	[tilespmem:$0x1D800] =	vst v63  }
0x1f4: {  	_ =	swait.ge [sflag:s13], $0x3E80  }
0x1f5: {  	[sflag:s13] =	ssyncset.done $0x0  }
0x1f6: {  	[sflag:s13] =	ssyncadd.s32 $0xFFFFC180  }
0x1f7: {  	[tilespmem:s17], [sflag:$0x2] =	stream.indirect.gather [hbm4b:s1+s15], $0x80, s22, s15, $0xb8;
	[tilespmem:$0x1D800] =	vst v63  }
0x1f8: {  	_ =	swait.ge [sflag:s18], $0x3E80  }
0x1f9: {  	[sflag:s18] =	ssyncset.done $0x0  }
0x1fa: {  	[sflag:s18] =	ssyncadd.s32 $0xFFFFC180  }
0x1fb: {  	[spmem:s3] =	stream.indirect.scatter.add.f32 [tilespmem:s16], [sflag:$0x3], $0x80, s23, s15, $0xb8;
	[tilespmem:$0x1D800] =	vst v63  }
0x1fc: {  	_ =	swait.ge [sflag:s13], $0x3E80  }
0x1fd: {  	[sflag:s13] =	ssyncset.done $0x0  }
0x1fe: {  	[sflag:s13] =	ssyncadd.s32 $0xFFFFC180  }
0x1ff: {  	[tilespmem:s16], [sflag:$0x1] =	stream.indirect.gather [hbm4b:s1+s15], $0x80, s24, s15, $0xb8;
	[tilespmem:$0x1D800] =	vst v63  }
0x200: {  	_ =	swait.ge [sflag:s19], $0x3E80  }
0x201: {  	[sflag:s19] =	ssyncset.done $0x0  }
0x202: {  	[sflag:s19] =	ssyncadd.s32 $0xFFFFC180  }
0x203: {  	[spmem:s3] =	stream.indirect.scatter.add.f32 [tilespmem:s17], [sflag:$0x3], $0x80, s25, s15, $0xb8;
	[tilespmem:$0x1D800] =	vst v63  }
0x204: {  	_ =	swait.ge [sflag:s13], $0x3E80  }
0x205: {  	[sflag:s13] =	ssyncset.done $0x0  }
0x206: {  	[sflag:s13] =	ssyncadd.s32 $0xFFFFC180  }
0x207: {  	[tilespmem:s17], [sflag:$0x2] =	stream.indirect.gather [hbm4b:s1+s15], $0x80, s26, s15, $0xb8;
	[tilespmem:$0x1D800] =	vst v63  }
0x208: {  	_ =	swait.ge [sflag:s18], $0x3E80  }
0x209: {  	[sflag:s18] =	ssyncset.done $0x0  }
0x20a: {  	[sflag:s18] =	ssyncadd.s32 $0xFFFFC180  }
0x20b: {  	[spmem:s3] =	stream.indirect.scatter.add.f32 [tilespmem:s16], [sflag:$0x3], $0x80, s28, s15, $0xb8;
	[tilespmem:$0x1D800] =	vst v63  }
0x20c: {  	_ =	swait.ge [sflag:s13], $0x3E80  }
0x20d: {  	[sflag:s13] =	ssyncset.done $0x0  }
0x20e: {  	[sflag:s13] =	ssyncadd.s32 $0xFFFFC180  }
0x20f: {  	[tilespmem:s16], [sflag:$0x1] =	stream.indirect.gather [hbm4b:s1+s15], $0x80, s29, s15, $0xb8;
	[tilespmem:$0x1D800] =	vst v63  }
0x210: {  	_ =	swait.ge [sflag:s19], $0x3E80  }
0x211: {  	[sflag:s19] =	ssyncset.done $0x0  }
0x212: {  	[sflag:s19] =	ssyncadd.s32 $0xFFFFC180  }
0x213: {  	[spmem:s3] =	stream.indirect.scatter.add.f32 [tilespmem:s17], [sflag:$0x3], $0x80, s30, s15, $0xb8;
	[tilespmem:$0x1D800] =	vst v63  }
0x214: {  	_ =	swait.ge [sflag:s13], $0x3E80  }
0x215: {  	[sflag:s13] =	ssyncset.done $0x0  }
0x216: {  	[sflag:s13] =	ssyncadd.s32 $0xFFFFC180  }
0x217: {  	[tilespmem:s17], [sflag:$0x2] =	stream.indirect.gather [hbm4b:s1+s15], $0x80, s31, s15, $0xb8;
	[tilespmem:$0x1D800] =	vst v63  }
0x218: {  	_ =	swait.ge [sflag:s18], $0x3E80  }
0x219: {  	[sflag:s18] =	ssyncset.done $0x0  }
0x21a: {  	[sflag:s18] =	ssyncadd.s32 $0xFFFFC180  }
0x21b: {  	[spmem:s3] =	stream.indirect.scatter.add.f32 [tilespmem:s16], [sflag:$0x3], $0x80, s2, s15, $0xb8;
	[tilespmem:$0x1D800] =	vst v63  }
0x21c: {  	_ =	swait.ge [sflag:s13], $0x3E80  }
0x21d: {  	[sflag:s13] =	ssyncset.done $0x0  }
0x21e: {  	[sflag:s13] =	ssyncadd.s32 $0xFFFFC180  }
0x21f: {  	[tilespmem:s16], [sflag:$0x1] =	stream.indirect.gather [hbm4b:s1+s15], $0x80, s0, s15, $0xb8;
	[tilespmem:$0x1D800] =	vst v63  }
0x220: {  	_ =	swait.ge [sflag:s19], $0x3E80  }
0x221: {  	[sflag:s19] =	ssyncset.done $0x0  }
0x222: {  	[sflag:s19] =	ssyncadd.s32 $0xFFFFC180  }
0x223: {  	[spmem:s3] =	stream.indirect.scatter.add.f32 [tilespmem:s17], [sflag:$0x3], $0x80, s6, s15, $0xb8;
	[tilespmem:$0x1D800] =	vst v63  }
0x224: {  	_ =	swait.ge [sflag:s13], $0x3E80  }
0x225: {  	[sflag:s13] =	ssyncset.done $0x0  }
0x226: {  	[sflag:s13] =	ssyncadd.s32 $0xFFFFC180  }
0x227: {  	[tilespmem:s17], [sflag:$0x2] =	stream.indirect.gather [hbm4b:s1+s15], $0x80, s7, s15, $0xb8;
	[tilespmem:$0x1D800] =	vst v63  }
0x228: {  	_ =	swait.ge [sflag:s18], $0x3E80  }
0x229: {  	[sflag:s18] =	ssyncset.done $0x0  }
0x22a: {  	[sflag:s18] =	ssyncadd.s32 $0xFFFFC180  }
0x22b: {  	[spmem:s3] =	stream.indirect.scatter.add.f32 [tilespmem:s16], [sflag:$0x3], $0x80, s8, s15, $0xb8;
	[tilespmem:$0x1D800] =	vst v63  }
0x22c: {  	_ =	swait.ge [sflag:s13], $0x3E80  }
0x22d: {  	[sflag:s13] =	ssyncset.done $0x0  }
0x22e: {  	[sflag:s13] =	ssyncadd.s32 $0xFFFFC180  }
0x22f: {  	_ =	swait.ge [sflag:s19], $0x3E80  }
0x230: {  	[sflag:s19] =	ssyncset.done $0x0  }
0x231: {  	[sflag:s19] =	ssyncadd.s32 $0xFFFFC180  }
0x232: {  	[spmem:s3] =	stream.indirect.scatter.add.f32 [tilespmem:s17], [sflag:$0x3], $0x80, s9, s15, $0xb8;
	[tilespmem:$0x1D800] =	vst v63  }
0x233: {  	_ =	swait.ge [sflag:s13], $0x3E80  }
0x234: {  	[sflag:s13] =	ssyncset.done $0x0  }
0x235: {  	[sflag:s13] =	ssyncadd.s32 $0xFFFFC180  }
0x236: {  	s11 =	stileid.u32;
	[bflag:$0x0] =	sbarrier.arrive $0xFFFF  }
0x237: {  	s5 =	sshll.u32 s11, $0x6;
	s12 =	rddreg [dreg:$0x1b]  }
0x238: {  	s5 =	sor.u32 $0x1C03, s5;
	s11 =	rddreg [dreg:$0x1e];
	s10 =	sshrl.u32 s12, $0x3  }
0x239: {  	[hbm:s11], [sflag:s5] =	dma.local [spmem:s10], $0x2800  }
0x23a: {  	_ =	swait.ge [sflag:s13], $0x2800  }
0x23b: {  	s11 =	sld [smem:$0x7FA];
	_ =	sdelay $0x2  }
0x23c: {  	s12 =	rddreg [dreg:$0x1f];
	s10 =	sadd.s32 $0x1, s11  }
0x23d: {  	p1 =	sne.s32 s10, s12  }
.Ltmp1:
0x23e: {  	_ = 	snop;
	(pc) =	sbr.rel @p1 .LBB2_1-.Ltmp1, $3  }
0x23f: {  	_ =	sdelay $0x1  }
0x240: {  	[sflag:s13] =	ssyncset.done $0x0  }
0x241: {  	[sflag:s13] =	ssyncadd.s32 $0xFFFFD800  }
0x242: {  	_ =	sfence.sel $0x180000  }
0x243: {  	[bflag:$0x0] =	sbarrier.arrive $0xFFFF  }
0x244: {  	_ =	strace $0x9000004A  }
0x245: {  	s0 =	stileid.u32;
	[bflag:$0x2] =	sbarrier.arrive $0xFFFF  }
0x246: {  	p0 =	sne.s32 s0, $0x0;
	s0 =	rddreg [dreg:$0x3]  }
0x247: {  	s0 =	sadd.s32 @!p0 $0x100000, s0  }
0x248: {  	[sflag:s0] =	ssyncadd.tile.s32 @!p0 $0x1;
	_ =	shalt  }
.Lfunc_end2:
_tile_overlayer_lowered:
.L_overlay_start_2:
0x249: {  	(tag) =	ssettag $0x2  }
0x24a: {  	s0 =	rddreg [dreg:$0x0];
	s2 =	stileid.u32  }
0x24b: {  	s1 =	rddreg [dreg:$0x1];
	p0 =	sne.s32 s2, $0x0  }
0x24c: {  	s3 =	rddreg [dreg:$0x2];
	[bflag:$0x3] =	sbarrier.arrive $0xFFFF;
	s2 =	simm.s32 @!p0 $0x1C03  }
0x24d: {  	[timem:s3], [sflag:s2] =	dma.local @!p0 [hbm:s0], s1  }
0x24e: {  	s0 =	simm.s32 @!p0 $0x3  }
0x24f: {  	_ =	swait.ge @!p0 [sflag:s0], s1  }
0x250: {  	s1 =	ssub.s32 @!p0 $0x0, s1;
	[sflag:s0] =	ssyncset.done @!p0 $0x0  }
0x251: {  	[sflag:s0] =	ssyncadd.s32 @!p0 s1  }
0x252: {  	[bflag:$0x3] =	sbarrier.arrive $0xFFFF  }
0x253: {  	_ =	shalt  }

// kernel: kernel.15.cloned.1.call-start
scs
__scs_entry_jumppad:
0x0: {  	(pc) =	sbr.rel $0x88, $3  }
0x1: {  	(tag) =	ssettag $0x0;
	lr =	simm.s32 $0x1  }
0x2: {  	[smem:$0x3F9B] =	sst lr;
	_ =	strace $0xD0000000  }
0x3: {  	_ = 	snop  }
0x4: {  	_ = 	snop  }
0x5: {  	_ = 	snop  }
0x6: {  	_ = 	snop  }
0x7: {  	_ = 	snop  }
__scs_overlays_trampoline_lowered:
0x8: {  	[smem:$0x3FAA] =	sst s0  }
0x9: {  	[smem:$0x3FAB] =	sst s1  }
0xa: {  	[smem:$0x3FAC] =	sst s2  }
0xb: {  	[smem:$0x3FAD] =	sst s3  }
0xc: {  	[smem:$0x3FAE] =	sst s4  }
0xd: {  	[smem:$0x3FAF] =	sst s5  }
0xe: {  	[smem:$0x3FB0] =	sst s6  }
0xf: {  	[smem:$0x3FB1] =	sst s7  }
0x10: {  	[smem:$0x3FB2] =	sst s8  }
0x11: {  	[smem:$0x3FB3] =	sst s9;
	s0 =	simm.s32 @!p0 $0x0  }
0x12: {  	s1 =	sld [smem:$0x3F99];
	s0 =	simm.s32 @p0 $0x1  }
0x13: {  	[smem:$0x3FB4] =	sst s0;
	s0 =	simm.s32 @!p1 $0x0  }
0x14: {  	s2 =	sld [smem:$0x3F98];
	s0 =	simm.s32 @p1 $0x1  }
0x15: {  	[smem:$0x3FB5] =	sst s0;
	s0 =	simm.s32 @!p2 $0x0  }
0x16: {  	s3 =	sld [smem:$0x3FDB];
	s0 =	simm.s32 @p2 $0x1  }
0x17: {  	s4 =	simm.s32 $0x1BF5;
	[smem:$0x3FB7] =	sst s0  }
0x18: {  	s0 =	sld [smem:$0x3F9A];
	_ =	swait.ge [sflag:s4], $0x0  }
0x19: {  	s7 =	sld [smem:$0x3F9B]  }
0x1a: {  	s8 =	sadd.s32 $0xFFFFE003, lr  }
0x1b: {  	s9 =	sadd.s32 $0xFFFFFEF7, lr;
	s5 =	simm.s32 $0xFFFFFFFF;
	p2 =	slt.u32 s8, $0xFFFFF086  }
0x1c: {  	p1 =	slt.u32 s9, $0xF7A;
	s5 =	simm.s32 @!p2 $0x0  }
0x1d: {  	s5 =	simm.s32 @p1 $0x1;
	p0 =	seq.s32 s7, s2  }
0x1e: {  	s7 =	smul.u32 @!p0 $0xF7A, s2;
	p2 =	seq.s32 @!p0 s5, $0x0  }
0x1f: {  	s9 =	smul.u32 $0xF7A, s1;
	s8 =	simm.s32 @!p0 $0x1BF5;
	p2 =	por !p2, p0  }
0x20: {  	[sflag:s8] =	ssyncset.s32 @!p0 $0xFFFFF086;
	s6 =	sadd.s32 @!p0 s3, s7;
	s7 =	simm.s32 @!p0 $0x108  }
0x21: {  	s3 =	sadd.s32 s3, s9;
	s6 =	sadd.s32 @!p0 $0x88, s6;
	s7 =	simm.s32 @p2 $0x1082  }
0x22: {  	[simem:s7], [sflag:s8] =	dma.local @!p0 [hbm:s6], $0xF7A  }
0x23: {  	s9 =	sor.u32 $0xD0000000, s2;
	s6 =	simm.s32 $0x108;
	_ =	swait.ge @!p0 [sflag:s8], $0x0  }
0x24: {  	s3 =	sadd.s32 $0x88, s3;
	s6 =	simm.s32 @!p1 $0x1082;
	[sflag:s4] =	ssyncset.s32 $0xFFFFF086  }
0x25: {  	[simem:s6], [sflag:s4] =	dma.local [hbm:s3], $0xF7A  }
0x26: {  	[smem:$0x3F9B] =	sst s1;
	(tag) =	ssettag s2;
	_ =	strace s9  }
0x27: {  	s1 =	sld [smem:$0x3FAB]  }
0x28: {  	s2 =	sld [smem:$0x3FAC]  }
0x29: {  	s4 =	sld [smem:$0x3FAE]  }
0x2a: {  	p0 =	seq.s32 s5, $0x0;
	s5 =	sld [smem:$0x3FAF]  }
0x2b: {  	s6 =	sld [smem:$0x3FB0]  }
0x2c: {  	s7 =	sld [smem:$0x3FB1]  }
0x2d: {  	s3 =	simm.s32 $0x108;
	s8 =	sld [smem:$0x3FB2]  }
0x2e: {  	s3 =	simm.s32 @!p0 $0x1082;
	s9 =	sld [smem:$0x3FB3]  }
0x2f: {  	lr =	sadd.s32 s0, s3;
	s0 =	sld [smem:$0x3FAA]  }
0x30: {  	s3 =	sld [smem:$0x3FAD]  }
0x31: {  	[smem:$0x3FB6] =	sst s10  }
0x32: {  	s10 =	sld [smem:$0x3FB4];
	_ =	sdelay $0x3  }
0x33: {  	p0 =	seq.s32 s10, $0x1;
	s10 =	sld [smem:$0x3FB6];
	_ =	sdelay $0x3  }
0x34: {  	[smem:$0x3FB6] =	sst s10  }
0x35: {  	s10 =	sld [smem:$0x3FB5];
	_ =	sdelay $0x3  }
0x36: {  	p1 =	seq.s32 s10, $0x1;
	s10 =	sld [smem:$0x3FB6];
	_ =	sdelay $0x3  }
0x37: {  	[smem:$0x3FB6] =	sst s10  }
0x38: {  	s10 =	sld [smem:$0x3FB7]  }
0x39: {  	_ = 	snop;
	(pc) =	sbr.ind lr, $3  }
0x3a: {  	_ = 	snop  }
0x3b: {  	_ = 	snop  }
0x3c: {  	p2 =	seq.s32 s10, $0x1;
	s10 =	sld [smem:$0x3FB6]  }
0x3d: {  	_ =	shalt  }
0x3e: {  	_ =	shalt  }
0x3f: {  	_ =	shalt  }
0x40: {  	_ =	shalt  }
0x41: {  	_ =	shalt  }
0x42: {  	_ =	shalt  }
0x43: {  	_ =	shalt  }
0x44: {  	_ =	shalt  }
0x45: {  	_ =	shalt  }
0x46: {  	_ =	shalt  }
0x47: {  	_ =	shalt  }
0x48: {  	_ =	shalt  }
0x49: {  	_ =	shalt  }
0x4a: {  	_ =	shalt  }
0x4b: {  	_ =	shalt  }
0x4c: {  	_ =	shalt  }
0x4d: {  	_ =	shalt  }
0x4e: {  	_ =	shalt  }
0x4f: {  	_ =	shalt  }
0x50: {  	_ =	shalt  }
0x51: {  	_ =	shalt  }
0x52: {  	_ =	shalt  }
0x53: {  	_ =	shalt  }
0x54: {  	_ =	shalt  }
0x55: {  	_ =	shalt  }
0x56: {  	_ =	shalt  }
0x57: {  	_ =	shalt  }
0x58: {  	_ =	shalt  }
0x59: {  	_ =	shalt  }
0x5a: {  	_ =	shalt  }
0x5b: {  	_ =	shalt  }
0x5c: {  	_ =	shalt  }
0x5d: {  	_ =	shalt  }
0x5e: {  	_ =	shalt  }
0x5f: {  	_ =	shalt  }
0x60: {  	_ =	shalt  }
0x61: {  	_ =	shalt  }
0x62: {  	_ =	shalt  }
0x63: {  	_ =	shalt  }
0x64: {  	_ =	shalt  }
0x65: {  	_ =	shalt  }
0x66: {  	_ =	shalt  }
0x67: {  	_ =	shalt  }
0x68: {  	_ =	shalt  }
0x69: {  	_ =	shalt  }
0x6a: {  	_ =	shalt  }
0x6b: {  	_ =	shalt  }
0x6c: {  	_ =	shalt  }
0x6d: {  	_ =	shalt  }
0x6e: {  	_ =	shalt  }
0x6f: {  	_ =	shalt  }
0x70: {  	_ =	shalt  }
0x71: {  	_ =	shalt  }
0x72: {  	_ =	shalt  }
0x73: {  	_ =	shalt  }
0x74: {  	_ =	shalt  }
0x75: {  	_ =	shalt  }
0x76: {  	_ =	shalt  }
0x77: {  	_ =	shalt  }
0x78: {  	_ =	shalt  }
0x79: {  	_ =	shalt  }
0x7a: {  	_ =	shalt  }
0x7b: {  	_ =	shalt  }
0x7c: {  	_ =	shalt  }
0x7d: {  	_ =	shalt  }
0x7e: {  	_ =	shalt  }
0x7f: {  	_ =	shalt  }
0x80: {  	_ =	shalt  }
0x81: {  	_ =	shalt  }
0x82: {  	_ =	shalt  }
0x83: {  	_ =	shalt  }
0x84: {  	_ =	shalt  }
0x85: {  	_ =	shalt  }
0x86: {  	_ =	shalt  }
0x87: {  	_ =	shalt  }
.Lfunc_end0:
.L_simem_size_0:
called_computation.2_lowered:
.L_overlay_start_0:
0x88: {  	s2 =	sld [smem:$0x3FD9]  }
0x89: {  	s3 =	sld [smem:$0x3FFE];
	_ =	sdelay $0x1  }
0x8a: {  	s1 =	srdreg.scid  }
0x8b: {  	s0 =	sand.u32 $0x1, s1  }
0x8c: {  	s17 =	sshll.u32 s0, $0xA;
	s2 =	sadd.s32 s3, s2  }
0x8d: {  	s2 =	sadd.s32 s2, s17  }
0x8e: {  	[smem:$0x3FC2] =	sst s2  }
0x8f: {  	_ = 	snop  }
0x90: {  	s2 =	sld [smem:$0x3FD0];
	(tm) =	ssettm $0x1  }
0x91: {  	s18 =	sld [smem:$0x3FFB];
	_ =	sdelay $0x3  }
0x92: {  	_ =	strace s18  }
0x93: {  	s3 =	sld [smem:$0x3FFC];
	_ =	sdelay $0x3  }
0x94: {  	_ =	strace s3  }
0x95: {  	s3 =	sld [smem:$0x3FFD];
	_ =	sdelay $0x3  }
0x96: {  	_ =	strace s3  }
0x97: {  	_ =	strace $0x8FFFFFFF  }
0x98: {  	s19 =	sld [smem:$0x3FDB];
	_ =	sdelay $0x1  }
0x99: {  	s4 =	simm.s32 $_scs_section_size  }
0x9a: {  	s5 =	simm.s32 $_size__tile_overlayer_lowered;
	s6 =	simm.s32 $_tile_overlayer_lowered  }
0x9b: {  	s22 =	simm.s32 $0x1BFF;
	s21 =	sshll.u32 s6, $0x1;
	s3 =	sadd.s32 s4, s19  }
0x9c: {  	s7 =	simm.s32 $0x0;
	s20 =	sshll.u32 s5, $0x1;
	s5 =	sadd.s32 s21, s3  }
0x9d: {  	[timem:s7], [sflag:s22] =	dma.local [hbm:s5], s20  }
0x9e: {  	_ =	swait.ge [sflag:s22], s20  }
0x9f: {  	s4 =	ssub.s32 $0x0, s20;
	[sflag:s22] =	ssyncset.done $0x0  }
0xa0: {  	[sflag:s22] =	ssyncadd.s32 s4;
	_ =	sdelay $0x1  }
0xa1: {  	s23 =	simm.s32 $0x1B8B  }
0xa2: {  	_ =	swait.ge [sflag:s23], $0x1  }
0xa3: {  	[sflag:s23] =	ssyncset.done $0x0  }
0xa4: {  	s25 =	simm.s32 $0x1B8E;
	s24 =	sld [smem:$0x3FFE];
	[sflag:s23] =	ssyncadd.s32 $0xFFFFFFFF  }
0xa5: {  	s26 =	simm.s32 $execute0_lowered;
	[smem:$0x3FD2] =	sst s25  }
0xa6: {  	s5 =	sshll.u32 s26, $0x1;
	_ =	strace $0x8000004C;
	[dreg:$0x1] =	wrdreg $0xFFFFFFFF  }
0xa7: {  	s28 =	simm.s32 $_size_execute0_lowered;
	s3 =	sadd.s32 s3, s5;
	[dreg:$0x0] =	wrdreg $0x0  }
0xa8: {  	s5 =	sshll.u32 s28, $0x1;
	[dreg:$0x2] =	wrdreg s3  }
0xa9: {  	[dreg:$0x3] =	wrdreg s5  }
0xaa: {  	[dreg:$0x4] =	wrdreg $0xC0  }
0xab: {  	_ =	task [dreg:s7], $0x5FFFF  }
0xac: {  	[dreg:$0x1] =	wrdreg $0xFFFFFFFF  }
0xad: {  	[dreg:$0x0] =	wrdreg $0x60  }
0xae: {  	[dreg:$0x2] =	wrdreg s2  }
0xaf: {  	[dreg:$0x3] =	wrdreg s24  }
0xb0: {  	[dreg:$0x4] =	wrdreg $0x98000  }
0xb1: {  	[dreg:$0x5] =	wrdreg $0x9  }
0xb2: {  	_ =	task.clear_ibuf [dreg:s7], $0x6FFFF;
	_ =	strace $0x9000004C  }
0xb3: {  	s29 =	simm.s32 $0x9;
	_ =	strace $0x8000004E  }
0xb4: {  	_ =	swait.ge [sflag:s29], $0x1  }
0xb5: {  	[sflag:s29] =	ssyncadd.s32 $0xFFFFFFFF  }
0xb6: {  	_ =	strace $0x9000004E  }
0xb7: {  	_ =	sfence  }
0xb8: {  	s30 =	sld [smem:$0x0];
	_ =	sdelay $0x2  }
0xb9: {  	s31 =	sshll.u32 s1, $0xD;
	s1 =	sshrl.u32 s1, $0x2  }
0xba: {  	s3 =	sand.u32 $0x4000, s31;
	s1 =	sadd.s32 s1, s30  }
0xbb: {  	s0 =	sor.u32 s3, s0;
	s1 =	sshll.u32 s1, $0x11  }
0xbc: {  	s0 =	sor.u32 s1, s0  }
0xbd: {  	s0 =	sadd.s32 $0x8F2B, s0  }
0xbe: {  	[sflag:s0] =	ssyncadd.remote.s32 $0x1  }
0xbf: {  	_ =	sfence.sel $0xFFFF  }
0xc0: {  	[dreg:$0x0] =	wrdreg $0xFFFFFFFF;
	(pc) =	sbr.abs _section_cstart, $3  }
0xc1: {  	[dreg:$0x1] =	wrdreg $0xFFFFFFFF  }
0xc2: {  	_ =	task.clear_ibuf [dreg:s7], $0x2FFFF;
	_ =	strace $0x9FFFFFFF  }
0xc3: {  	(tm) =	ssettm $0x7FFFFFFF  }
tec
execute0_lowered:
.L_overlay_start_1:
0x0: {  	(tag) =	ssettag $0x1  }
0x1: {  	s1 =	rddreg [dreg:$0x0]  }
0x2: {  	s0 =	srdreg.scid;
	s2 =	rddreg [dreg:$0x1]  }
0x3: {  	s9 =	stileid.u32;
	s3 =	rddreg [dreg:$0x2];
	s4 =	simm.s32 $0x0  }
0x4: {  	s18 =	simm.s32 $0x80;
	s20 =	simm.s32 $0x100;
	s21 =	simm.s32 $0xC80  }
0x5: {  	s23 =	simm.s32 $0x180;
	s25 =	simm.s32 $0xD00;
	s26 =	simm.s32 $0x200  }
0x6: {  	s11 =	simm.s32 $0xD80;
	s12 =	simm.s32 $0x280;
	[smem:$0x7FF] =	sst s4  }
0x7: {  	s28 =	simm.s32 $0x1300;
	_ =	strace $0x8000004D;
	[dreg:$0x6] =	wrdreg s18  }
0x8: {  	s29 =	simm.s32 $0x800;
	s30 =	simm.s32 $0x1380;
	[dreg:$0x7] =	wrdreg s20  }
0x9: {  	s31 =	simm.s32 $0x880;
	s7 =	smul.u32 $0xC00, s9;
	[dreg:$0x8] =	wrdreg s21  }
0xa: {  	s0 =	sand.u32 $0x1, s0;
	s8 =	smul.u32 $0x14000, s9;
	[dreg:$0x9] =	wrdreg s23  }
0xb: {  	s14 =	sadd.s32 $0x2AA00, s2;
	s19 =	smul.u32 $0x50000, s9;
	[dreg:$0xa] =	wrdreg s25  }
0xc: {  	s24 =	smul.u32 $0x2800, s9;
	s13 =	sadd.s32 $0x25800, s1;
	[dreg:$0xb] =	wrdreg s26  }
0xd: {  	p0 =	seq.s32 s9, $0xF;
	s5 =	smul.u32 $0x140000, s0;
	[dreg:$0xc] =	wrdreg s11  }
0xe: {  	s6 =	smul.u32 $0xC000, s0;
	s0 =	ssub.s32 $0x2, s0;
	[dreg:$0x1d] =	wrdreg s13  }
0xf: {  	[dreg:$0xd] =	wrdreg s12;
	s18 =	simm.s32 $0xF00;
	s20 =	simm.s32 $0xF80  }
0x10: {  	s21 =	simm.s32 $0x480;
	s13 =	simm.s32 $0x3;
	[dreg:$0x12] =	wrdreg s18  }
0x11: {  	s23 =	simm.s32 $0x500;
	s25 =	simm.s32 $0x580;
	[dreg:$0x14] =	wrdreg s20  }
0x12: {  	s26 =	simm.s32 $0x1100;
	s17 =	sshrl.u32 s0, $0x1;
	[dreg:$0x15] =	wrdreg s21  }
0x13: {  	s22 =	sshrl.u32 s19, $0x2;
	s10 =	sadd.s32 s1, s24;
	[dreg:$0x17] =	wrdreg s23  }
0x14: {  	s19 =	simm.s32 $0x400;
	s24 =	simm.s32 $0x1080;
	[dreg:$0x19] =	wrdreg s25  }
0x15: {  	s18 =	simm.s32 $0x1;
	[dreg:$0x1a] =	wrdreg s26;
	s20 =	simm.s32 $0x600  }
0x16: {  	s21 =	simm.s32 $0x1180;
	s23 =	simm.s32 $0x1200;
	s25 =	simm.s32 $0x1280  }
0x17: {  	s26 =	simm.s32 $0x780;
	s6 =	sadd.s32 s7, s6;
	s5 =	sadd.s32 s8, s5  }
0x18: {  	s0 =	ssub.s32 s0, s17;
	s8 =	sadd.s32 s22, s3;
	[dreg:$0x1c] =	wrdreg s10  }
0x19: {  	s17 =	simm.s32 $0x380;
	[dreg:$0x13] =	wrdreg s19;
	s22 =	simm.s32 $0x1000  }
0x1a: {  	[dreg:$0x18] =	wrdreg s24;
	s19 =	simm.s32 $0x2;
	s24 =	simm.s32 $0x700  }
0x1b: {  	s10 =	simm.s32 $0x0;
	s7 =	sor.u32 $0x60000, s6;
	[dreg:$0x11] =	wrdreg s17  }
0x1c: {  	s5 =	sshrl.u32 s5, $0x3;
	s6 =	sshrl.u32 s6, $0x3;
	[dreg:$0x1b] =	wrdreg s8  }
0x1d: {  	s0 =	smax.u32 s0, $0x1;
	[dreg:$0x16] =	wrdreg s22;
	s17 =	simm.s32 $0x5800  }
0x1e: {  	s7 =	sshrl.u32 s7, $0x3;
	s16 =	sadd.s32 s6, s14;
	[dreg:$0x1f] =	wrdreg s0  }
0x1f: {  	s2 =	sadd.s32 s5, s2;
	s15 =	sadd.s32 s7, s14;
	[dreg:$0x5] =	wrdreg s16  }
0x20: {  	s22 =	simm.s32 $0x680;
	s2 =	sadd.s32 $0x42A00, s2;
	[dreg:$0x4] =	wrdreg s15  }
0x21: {  	s6 =	sadd.s32 $0x12C000, s3;
	s14 =	simm.s32 $0xE00;
	[dreg:$0x1e] =	wrdreg s2  }
0x22: {  	s0 =	simm.s32 $0x900;
	s16 =	simm.s32 $0xE80;
	[dreg:$0xe] =	wrdreg s14  }
0x23: {  	s7 =	simm.s32 $0x980;
	s15 =	simm.s32 $0x300;
	[dreg:$0x10] =	wrdreg s16  }
0x24: {  	s2 =	sshrl.u32 @p0 s6, $0x3;
	s14 =	simm.s32 $0xC00;
	s16 =	simm.s32 $0x1800  }
0x25: {  	s6 =	simm.s32 $0x1480;
	[smem:$0x7FB] =	sst s2;
	s2 =	sshll.u32 @!p0 s9, $0x6  }
0x26: {  	[dreg:$0xf] =	wrdreg s15;
	s15 =	simm.s32 $0x7D;
	s2 =	sor.u32 @!p0 $0x1C03, s2  }
0x27: {  	s9 =	simm.s32 $0x1580;
	[smem:$0x7FC] =	sst s2;
	s2 =	sshrl.u32 @!p0 s8, $0x3  }
0x28: {  	s8 =	simm.s32 $0x1500;
	[smem:$0x7FD] =	sst s2;
	s2 =	simm.s32 $0x1400  }
.LBB2_1:
0x29: {  	s11 =	sld [smem:$0x7FB]  }
0x2a: {  	[smem:$0x7FA] =	sst s10  }
0x2b: {  	s5 =	simm.s32 @p0 $0x1FC3;
	s10 =	rddreg [dreg:$0x1d]  }
0x2c: {  	[spmem:s11], [sflag:s5] =	dma.local @p0 [hbm:s10], $0x1900  }
0x2d: {  	s5 =	simm.s32 @p0 $0x3  }
0x2e: {  	_ =	swait.ge @p0 [sflag:s5], $0x1900  }
0x2f: {  	s10 =	sld [smem:$0x7FC]  }
0x30: {  	s11 =	sld [smem:$0x7FD]  }
0x31: {  	[sflag:s5] =	ssyncset.done @p0 $0x0  }
0x32: {  	[sflag:s5] =	ssyncadd.s32 @p0 $0xFFFFE700;
	s5 =	rddreg [dreg:$0x1c]  }
0x33: {  	[spmem:s11], [sflag:s10] =	dma.local @!p0 [hbm:s5], $0x2800  }
0x34: {  	s5 =	simm.s32 @!p0 $0x3  }
0x35: {  	_ =	swait.ge @!p0 [sflag:s5], $0x2800  }
0x36: {  	[sflag:s5] =	ssyncset.done @!p0 $0x0  }
0x37: {  	[sflag:s5] =	ssyncadd.s32 @!p0 $0xFFFFD800  }
0x38: {  	[bflag:$0x0] =	sbarrier.arrive $0xFFFF  }
0x39: {  	s11 =	rddreg [dreg:$0x5]  }
0x3a: {  	s5 =	sadd.s32 $0x0, s11  }
0x3b: {  	[tilespmem:s4], [sflag:$0x3] =	stream.linear.gather [hbm4b:s5+s4], $0xA00, $0x38;
	[tilespmem:$0x1D800] =	vst v63  }
0x3c: {  	_ =	swait.ge [sflag:s13], $0xA00  }
0x3d: {  	s12 =	rddreg [dreg:$0x4];
	[sflag:s13] =	ssyncset.done $0x0  }
0x3e: {  	[sflag:s13] =	ssyncadd.s32 $0xFFFFF600;
	s5 =	sadd.s32 $0x0, s12  }
0x3f: {  	[tilespmem:s14], [sflag:$0x3] =	stream.linear.gather [hbm4b:s5+s4], $0xA00, $0x38;
	[tilespmem:$0x1D800] =	vst v63  }
0x40: {  	_ =	swait.ge [sflag:s13], $0xA00  }
0x41: {  	[sflag:s13] =	ssyncset.done $0x0  }
0x42: {  	[sflag:s13] =	ssyncadd.s32 $0xFFFFF600  }
0x43: {  	[tilespmem:s16], [sflag:$0x1] =	stream.indirect.gather [hbm4b:s1+s15], $0x80, s4, s15, $0xb8;
	[tilespmem:$0x1D800] =	vst v63  }
0x44: {  	s10 =	rddreg [dreg:$0x6]  }
0x45: {  	[tilespmem:s17], [sflag:$0x2] =	stream.indirect.gather [hbm4b:s1+s15], $0x80, s10, s15, $0xb8;
	[tilespmem:$0x1D800] =	vst v63  }
0x46: {  	_ =	swait.ge [sflag:s18], $0x3E80  }
0x47: {  	[sflag:s18] =	ssyncset.done $0x0  }
0x48: {  	[sflag:s18] =	ssyncadd.s32 $0xFFFFC180  }
0x49: {  	[spmem:s3] =	stream.indirect.scatter.add.f32 [tilespmem:s16], [sflag:$0x3], $0x80, s14, s15, $0xb8;
	[tilespmem:$0x1D800] =	vst v63  }
0x4a: {  	_ =	swait.ge [sflag:s13], $0x3E80  }
0x4b: {  	[sflag:s13] =	ssyncset.done $0x0  }
0x4c: {  	s11 =	rddreg [dreg:$0x7];
	[sflag:s13] =	ssyncadd.s32 $0xFFFFC180  }
0x4d: {  	[tilespmem:s16], [sflag:$0x1] =	stream.indirect.gather [hbm4b:s1+s15], $0x80, s11, s15, $0xb8;
	[tilespmem:$0x1D800] =	vst v63  }
0x4e: {  	_ =	swait.ge [sflag:s19], $0x3E80  }
0x4f: {  	[sflag:s19] =	ssyncset.done $0x0  }
0x50: {  	s12 =	rddreg [dreg:$0x8];
	[sflag:s19] =	ssyncadd.s32 $0xFFFFC180  }
0x51: {  	[spmem:s3] =	stream.indirect.scatter.add.f32 [tilespmem:s17], [sflag:$0x3], $0x80, s12, s15, $0xb8;
	[tilespmem:$0x1D800] =	vst v63  }
0x52: {  	_ =	swait.ge [sflag:s13], $0x3E80  }
0x53: {  	[sflag:s13] =	ssyncset.done $0x0  }
0x54: {  	s10 =	rddreg [dreg:$0x9];
	[sflag:s13] =	ssyncadd.s32 $0xFFFFC180  }
0x55: {  	[tilespmem:s17], [sflag:$0x2] =	stream.indirect.gather [hbm4b:s1+s15], $0x80, s10, s15, $0xb8;
	[tilespmem:$0x1D800] =	vst v63  }
0x56: {  	_ =	swait.ge [sflag:s18], $0x3E80  }
0x57: {  	[sflag:s18] =	ssyncset.done $0x0  }
0x58: {  	s11 =	rddreg [dreg:$0xa];
	[sflag:s18] =	ssyncadd.s32 $0xFFFFC180  }
0x59: {  	[spmem:s3] =	stream.indirect.scatter.add.f32 [tilespmem:s16], [sflag:$0x3], $0x80, s11, s15, $0xb8;
	[tilespmem:$0x1D800] =	vst v63  }
0x5a: {  	_ =	swait.ge [sflag:s13], $0x3E80  }
0x5b: {  	[sflag:s13] =	ssyncset.done $0x0  }
0x5c: {  	s12 =	rddreg [dreg:$0xb];
	[sflag:s13] =	ssyncadd.s32 $0xFFFFC180  }
0x5d: {  	[tilespmem:s16], [sflag:$0x1] =	stream.indirect.gather [hbm4b:s1+s15], $0x80, s12, s15, $0xb8;
	[tilespmem:$0x1D800] =	vst v63  }
0x5e: {  	_ =	swait.ge [sflag:s19], $0x3E80  }
0x5f: {  	[sflag:s19] =	ssyncset.done $0x0  }
0x60: {  	s10 =	rddreg [dreg:$0xc];
	[sflag:s19] =	ssyncadd.s32 $0xFFFFC180  }
0x61: {  	[spmem:s3] =	stream.indirect.scatter.add.f32 [tilespmem:s17], [sflag:$0x3], $0x80, s10, s15, $0xb8;
	[tilespmem:$0x1D800] =	vst v63  }
0x62: {  	_ =	swait.ge [sflag:s13], $0x3E80  }
0x63: {  	[sflag:s13] =	ssyncset.done $0x0  }
0x64: {  	s11 =	rddreg [dreg:$0xd];
	[sflag:s13] =	ssyncadd.s32 $0xFFFFC180  }
0x65: {  	[tilespmem:s17], [sflag:$0x2] =	stream.indirect.gather [hbm4b:s1+s15], $0x80, s11, s15, $0xb8;
	[tilespmem:$0x1D800] =	vst v63  }
0x66: {  	_ =	swait.ge [sflag:s18], $0x3E80  }
0x67: {  	[sflag:s18] =	ssyncset.done $0x0  }
0x68: {  	s12 =	rddreg [dreg:$0xe];
	[sflag:s18] =	ssyncadd.s32 $0xFFFFC180  }
0x69: {  	[spmem:s3] =	stream.indirect.scatter.add.f32 [tilespmem:s16], [sflag:$0x3], $0x80, s12, s15, $0xb8;
	[tilespmem:$0x1D800] =	vst v63  }
0x6a: {  	_ =	swait.ge [sflag:s13], $0x3E80  }
0x6b: {  	[sflag:s13] =	ssyncset.done $0x0  }
0x6c: {  	s10 =	rddreg [dreg:$0xf];
	[sflag:s13] =	ssyncadd.s32 $0xFFFFC180  }
0x6d: {  	[tilespmem:s16], [sflag:$0x1] =	stream.indirect.gather [hbm4b:s1+s15], $0x80, s10, s15, $0xb8;
	[tilespmem:$0x1D800] =	vst v63  }
0x6e: {  	_ =	swait.ge [sflag:s19], $0x3E80  }
0x6f: {  	[sflag:s19] =	ssyncset.done $0x0  }
0x70: {  	s11 =	rddreg [dreg:$0x10];
	[sflag:s19] =	ssyncadd.s32 $0xFFFFC180  }
0x71: {  	[spmem:s3] =	stream.indirect.scatter.add.f32 [tilespmem:s17], [sflag:$0x3], $0x80, s11, s15, $0xb8;
	[tilespmem:$0x1D800] =	vst v63  }
0x72: {  	_ =	swait.ge [sflag:s13], $0x3E80  }
0x73: {  	[sflag:s13] =	ssyncset.done $0x0  }
0x74: {  	s12 =	rddreg [dreg:$0x11];
	[sflag:s13] =	ssyncadd.s32 $0xFFFFC180  }
0x75: {  	[tilespmem:s17], [sflag:$0x2] =	stream.indirect.gather [hbm4b:s1+s15], $0x80, s12, s15, $0xb8;
	[tilespmem:$0x1D800] =	vst v63  }
0x76: {  	_ =	swait.ge [sflag:s18], $0x3E80  }
0x77: {  	[sflag:s18] =	ssyncset.done $0x0  }
0x78: {  	s10 =	rddreg [dreg:$0x12];
	[sflag:s18] =	ssyncadd.s32 $0xFFFFC180  }
0x79: {  	[spmem:s3] =	stream.indirect.scatter.add.f32 [tilespmem:s16], [sflag:$0x3], $0x80, s10, s15, $0xb8;
	[tilespmem:$0x1D800] =	vst v63  }
0x7a: {  	_ =	swait.ge [sflag:s13], $0x3E80  }
0x7b: {  	[sflag:s13] =	ssyncset.done $0x0  }
0x7c: {  	s11 =	rddreg [dreg:$0x13];
	[sflag:s13] =	ssyncadd.s32 $0xFFFFC180  }
0x7d: {  	[tilespmem:s16], [sflag:$0x1] =	stream.indirect.gather [hbm4b:s1+s15], $0x80, s11, s15, $0xb8;
	[tilespmem:$0x1D800] =	vst v63  }
0x7e: {  	_ =	swait.ge [sflag:s19], $0x3E80  }
0x7f: {  	[sflag:s19] =	ssyncset.done $0x0  }
0x80: {  	s12 =	rddreg [dreg:$0x14];
	[sflag:s19] =	ssyncadd.s32 $0xFFFFC180  }
0x81: {  	[spmem:s3] =	stream.indirect.scatter.add.f32 [tilespmem:s17], [sflag:$0x3], $0x80, s12, s15, $0xb8;
	[tilespmem:$0x1D800] =	vst v63  }
0x82: {  	_ =	swait.ge [sflag:s13], $0x3E80  }
0x83: {  	[sflag:s13] =	ssyncset.done $0x0  }
0x84: {  	s10 =	rddreg [dreg:$0x15];
	[sflag:s13] =	ssyncadd.s32 $0xFFFFC180  }
0x85: {  	[tilespmem:s17], [sflag:$0x2] =	stream.indirect.gather [hbm4b:s1+s15], $0x80, s10, s15, $0xb8;
	[tilespmem:$0x1D800] =	vst v63  }
0x86: {  	_ =	swait.ge [sflag:s18], $0x3E80  }
0x87: {  	[sflag:s18] =	ssyncset.done $0x0  }
0x88: {  	s11 =	rddreg [dreg:$0x16];
	[sflag:s18] =	ssyncadd.s32 $0xFFFFC180  }
0x89: {  	[spmem:s3] =	stream.indirect.scatter.add.f32 [tilespmem:s16], [sflag:$0x3], $0x80, s11, s15, $0xb8;
	[tilespmem:$0x1D800] =	vst v63  }
0x8a: {  	_ =	swait.ge [sflag:s13], $0x3E80  }
0x8b: {  	[sflag:s13] =	ssyncset.done $0x0  }
0x8c: {  	s12 =	rddreg [dreg:$0x17];
	[sflag:s13] =	ssyncadd.s32 $0xFFFFC180  }
0x8d: {  	[tilespmem:s16], [sflag:$0x1] =	stream.indirect.gather [hbm4b:s1+s15], $0x80, s12, s15, $0xb8;
	[tilespmem:$0x1D800] =	vst v63  }
0x8e: {  	_ =	swait.ge [sflag:s19], $0x3E80  }
0x8f: {  	[sflag:s19] =	ssyncset.done $0x0  }
0x90: {  	s10 =	rddreg [dreg:$0x18];
	[sflag:s19] =	ssyncadd.s32 $0xFFFFC180  }
0x91: {  	[spmem:s3] =	stream.indirect.scatter.add.f32 [tilespmem:s17], [sflag:$0x3], $0x80, s10, s15, $0xb8;
	[tilespmem:$0x1D800] =	vst v63  }
0x92: {  	_ =	swait.ge [sflag:s13], $0x3E80  }
0x93: {  	[sflag:s13] =	ssyncset.done $0x0  }
0x94: {  	s11 =	rddreg [dreg:$0x19];
	[sflag:s13] =	ssyncadd.s32 $0xFFFFC180  }
0x95: {  	[tilespmem:s17], [sflag:$0x2] =	stream.indirect.gather [hbm4b:s1+s15], $0x80, s11, s15, $0xb8;
	[tilespmem:$0x1D800] =	vst v63  }
0x96: {  	_ =	swait.ge [sflag:s18], $0x3E80  }
0x97: {  	[sflag:s18] =	ssyncset.done $0x0  }
0x98: {  	s12 =	rddreg [dreg:$0x1a];
	[sflag:s18] =	ssyncadd.s32 $0xFFFFC180  }
0x99: {  	[spmem:s3] =	stream.indirect.scatter.add.f32 [tilespmem:s16], [sflag:$0x3], $0x80, s12, s15, $0xb8;
	[tilespmem:$0x1D800] =	vst v63  }
0x9a: {  	_ =	swait.ge [sflag:s13], $0x3E80  }
0x9b: {  	[sflag:s13] =	ssyncset.done $0x0  }
0x9c: {  	[sflag:s13] =	ssyncadd.s32 $0xFFFFC180  }
0x9d: {  	[tilespmem:s16], [sflag:$0x1] =	stream.indirect.gather [hbm4b:s1+s15], $0x80, s20, s15, $0xb8;
	[tilespmem:$0x1D800] =	vst v63  }
0x9e: {  	_ =	swait.ge [sflag:s19], $0x3E80  }
0x9f: {  	[sflag:s19] =	ssyncset.done $0x0  }
0xa0: {  	[sflag:s19] =	ssyncadd.s32 $0xFFFFC180  }
0xa1: {  	[spmem:s3] =	stream.indirect.scatter.add.f32 [tilespmem:s17], [sflag:$0x3], $0x80, s21, s15, $0xb8;
	[tilespmem:$0x1D800] =	vst v63  }
0xa2: {  	_ =	swait.ge [sflag:s13], $0x3E80  }
0xa3: {  	[sflag:s13] =	ssyncset.done $0x0  }
0xa4: {  	[sflag:s13] =	ssyncadd.s32 $0xFFFFC180  }
0xa5: {  	[tilespmem:s17], [sflag:$0x2] =	stream.indirect.gather [hbm4b:s1+s15], $0x80, s22, s15, $0xb8;
	[tilespmem:$0x1D800] =	vst v63  }
0xa6: {  	_ =	swait.ge [sflag:s18], $0x3E80  }
0xa7: {  	[sflag:s18] =	ssyncset.done $0x0  }
0xa8: {  	[sflag:s18] =	ssyncadd.s32 $0xFFFFC180  }
0xa9: {  	[spmem:s3] =	stream.indirect.scatter.add.f32 [tilespmem:s16], [sflag:$0x3], $0x80, s23, s15, $0xb8;
	[tilespmem:$0x1D800] =	vst v63  }
0xaa: {  	_ =	swait.ge [sflag:s13], $0x3E80  }
0xab: {  	[sflag:s13] =	ssyncset.done $0x0  }
0xac: {  	[sflag:s13] =	ssyncadd.s32 $0xFFFFC180  }
0xad: {  	[tilespmem:s16], [sflag:$0x1] =	stream.indirect.gather [hbm4b:s1+s15], $0x80, s24, s15, $0xb8;
	[tilespmem:$0x1D800] =	vst v63  }
0xae: {  	_ =	swait.ge [sflag:s19], $0x3E80  }
0xaf: {  	[sflag:s19] =	ssyncset.done $0x0  }
0xb0: {  	[sflag:s19] =	ssyncadd.s32 $0xFFFFC180  }
0xb1: {  	[spmem:s3] =	stream.indirect.scatter.add.f32 [tilespmem:s17], [sflag:$0x3], $0x80, s25, s15, $0xb8;
	[tilespmem:$0x1D800] =	vst v63  }
0xb2: {  	_ =	swait.ge [sflag:s13], $0x3E80  }
0xb3: {  	[sflag:s13] =	ssyncset.done $0x0  }
0xb4: {  	[sflag:s13] =	ssyncadd.s32 $0xFFFFC180  }
0xb5: {  	[tilespmem:s17], [sflag:$0x2] =	stream.indirect.gather [hbm4b:s1+s15], $0x80, s26, s15, $0xb8;
	[tilespmem:$0x1D800] =	vst v63  }
0xb6: {  	_ =	swait.ge [sflag:s18], $0x3E80  }
0xb7: {  	[sflag:s18] =	ssyncset.done $0x0  }
0xb8: {  	[sflag:s18] =	ssyncadd.s32 $0xFFFFC180  }
0xb9: {  	[spmem:s3] =	stream.indirect.scatter.add.f32 [tilespmem:s16], [sflag:$0x3], $0x80, s28, s15, $0xb8;
	[tilespmem:$0x1D800] =	vst v63  }
0xba: {  	_ =	swait.ge [sflag:s13], $0x3E80  }
0xbb: {  	[sflag:s13] =	ssyncset.done $0x0  }
0xbc: {  	[sflag:s13] =	ssyncadd.s32 $0xFFFFC180  }
0xbd: {  	[tilespmem:s16], [sflag:$0x1] =	stream.indirect.gather [hbm4b:s1+s15], $0x80, s29, s15, $0xb8;
	[tilespmem:$0x1D800] =	vst v63  }
0xbe: {  	_ =	swait.ge [sflag:s19], $0x3E80  }
0xbf: {  	[sflag:s19] =	ssyncset.done $0x0  }
0xc0: {  	[sflag:s19] =	ssyncadd.s32 $0xFFFFC180  }
0xc1: {  	[spmem:s3] =	stream.indirect.scatter.add.f32 [tilespmem:s17], [sflag:$0x3], $0x80, s30, s15, $0xb8;
	[tilespmem:$0x1D800] =	vst v63  }
0xc2: {  	_ =	swait.ge [sflag:s13], $0x3E80  }
0xc3: {  	[sflag:s13] =	ssyncset.done $0x0  }
0xc4: {  	[sflag:s13] =	ssyncadd.s32 $0xFFFFC180  }
0xc5: {  	[tilespmem:s17], [sflag:$0x2] =	stream.indirect.gather [hbm4b:s1+s15], $0x80, s31, s15, $0xb8;
	[tilespmem:$0x1D800] =	vst v63  }
0xc6: {  	_ =	swait.ge [sflag:s18], $0x3E80  }
0xc7: {  	[sflag:s18] =	ssyncset.done $0x0  }
0xc8: {  	[sflag:s18] =	ssyncadd.s32 $0xFFFFC180  }
0xc9: {  	[spmem:s3] =	stream.indirect.scatter.add.f32 [tilespmem:s16], [sflag:$0x3], $0x80, s2, s15, $0xb8;
	[tilespmem:$0x1D800] =	vst v63  }
0xca: {  	_ =	swait.ge [sflag:s13], $0x3E80  }
0xcb: {  	[sflag:s13] =	ssyncset.done $0x0  }
0xcc: {  	[sflag:s13] =	ssyncadd.s32 $0xFFFFC180  }
0xcd: {  	[tilespmem:s16], [sflag:$0x1] =	stream.indirect.gather [hbm4b:s1+s15], $0x80, s0, s15, $0xb8;
	[tilespmem:$0x1D800] =	vst v63  }
0xce: {  	_ =	swait.ge [sflag:s19], $0x3E80  }
0xcf: {  	[sflag:s19] =	ssyncset.done $0x0  }
0xd0: {  	[sflag:s19] =	ssyncadd.s32 $0xFFFFC180  }
0xd1: {  	[spmem:s3] =	stream.indirect.scatter.add.f32 [tilespmem:s17], [sflag:$0x3], $0x80, s6, s15, $0xb8;
	[tilespmem:$0x1D800] =	vst v63  }
0xd2: {  	_ =	swait.ge [sflag:s13], $0x3E80  }
0xd3: {  	[sflag:s13] =	ssyncset.done $0x0  }
0xd4: {  	[sflag:s13] =	ssyncadd.s32 $0xFFFFC180  }
0xd5: {  	[tilespmem:s17], [sflag:$0x2] =	stream.indirect.gather [hbm4b:s1+s15], $0x80, s7, s15, $0xb8;
	[tilespmem:$0x1D800] =	vst v63  }
0xd6: {  	_ =	swait.ge [sflag:s18], $0x3E80  }
0xd7: {  	[sflag:s18] =	ssyncset.done $0x0  }
0xd8: {  	[sflag:s18] =	ssyncadd.s32 $0xFFFFC180  }
0xd9: {  	[spmem:s3] =	stream.indirect.scatter.add.f32 [tilespmem:s16], [sflag:$0x3], $0x80, s8, s15, $0xb8;
	[tilespmem:$0x1D800] =	vst v63  }
0xda: {  	_ =	swait.ge [sflag:s13], $0x3E80  }
0xdb: {  	[sflag:s13] =	ssyncset.done $0x0  }
0xdc: {  	[sflag:s13] =	ssyncadd.s32 $0xFFFFC180  }
0xdd: {  	_ =	swait.ge [sflag:s19], $0x3E80  }
0xde: {  	[sflag:s19] =	ssyncset.done $0x0  }
0xdf: {  	[sflag:s19] =	ssyncadd.s32 $0xFFFFC180  }
0xe0: {  	[spmem:s3] =	stream.indirect.scatter.add.f32 [tilespmem:s17], [sflag:$0x3], $0x80, s9, s15, $0xb8;
	[tilespmem:$0x1D800] =	vst v63  }
0xe1: {  	s5 =	simm.s32 $0x3000;
	_ =	swait.ge [sflag:s13], $0x3E80  }
0xe2: {  	s11 =	simm.s32 $0x6000;
	s12 =	rddreg [dreg:$0x5];
	[sflag:s13] =	ssyncset.done $0x0  }
.LBB2_2:
0xe3: {  	[sflag:s13] =	ssyncadd.s32 $0xFFFFC180;
	s12 =	sadd.s32 s5, s12  }
0xe4: {  	[tilespmem:s4], [sflag:$0x3] =	stream.linear.gather [hbm4b:s12+s4], $0xA00, $0x38;
	[tilespmem:$0x1D800] =	vst v63  }
0xe5: {  	_ =	swait.ge [sflag:s13], $0xA00  }
0xe6: {  	s12 =	rddreg [dreg:$0x4];
	[sflag:s13] =	ssyncset.done $0x0  }
0xe7: {  	[sflag:s13] =	ssyncadd.s32 $0xFFFFF600;
	s12 =	sadd.s32 s5, s12  }
0xe8: {  	[tilespmem:s14], [sflag:$0x3] =	stream.linear.gather [hbm4b:s12+s4], $0xA00, $0x38;
	[tilespmem:$0x1D800] =	vst v63  }
0xe9: {  	_ =	swait.ge [sflag:s13], $0xA00  }
0xea: {  	[sflag:s13] =	ssyncset.done $0x0  }
0xeb: {  	[sflag:s13] =	ssyncadd.s32 $0xFFFFF600  }
0xec: {  	[tilespmem:s16], [sflag:$0x1] =	stream.indirect.gather [hbm4b:s1+s15], $0x80, s4, s15, $0xb8;
	[tilespmem:$0x1D800] =	vst v63  }
0xed: {  	s12 =	rddreg [dreg:$0x6]  }
0xee: {  	[tilespmem:s17], [sflag:$0x2] =	stream.indirect.gather [hbm4b:s1+s15], $0x80, s12, s15, $0xb8;
	[tilespmem:$0x1D800] =	vst v63  }
0xef: {  	_ =	swait.ge [sflag:s18], $0x3E80  }
0xf0: {  	[sflag:s18] =	ssyncset.done $0x0  }
0xf1: {  	[sflag:s18] =	ssyncadd.s32 $0xFFFFC180  }
0xf2: {  	[spmem:s3] =	stream.indirect.scatter.add.f32 [tilespmem:s16], [sflag:$0x3], $0x80, s14, s15, $0xb8;
	[tilespmem:$0x1D800] =	vst v63  }
0xf3: {  	_ =	swait.ge [sflag:s13], $0x3E80  }
0xf4: {  	[sflag:s13] =	ssyncset.done $0x0  }
0xf5: {  	s12 =	rddreg [dreg:$0x7];
	[sflag:s13] =	ssyncadd.s32 $0xFFFFC180  }
0xf6: {  	[tilespmem:s16], [sflag:$0x1] =	stream.indirect.gather [hbm4b:s1+s15], $0x80, s12, s15, $0xb8;
	[tilespmem:$0x1D800] =	vst v63  }
0xf7: {  	_ =	swait.ge [sflag:s19], $0x3E80  }
0xf8: {  	[sflag:s19] =	ssyncset.done $0x0  }
0xf9: {  	s12 =	rddreg [dreg:$0x8];
	[sflag:s19] =	ssyncadd.s32 $0xFFFFC180  }
0xfa: {  	[spmem:s3] =	stream.indirect.scatter.add.f32 [tilespmem:s17], [sflag:$0x3], $0x80, s12, s15, $0xb8;
	[tilespmem:$0x1D800] =	vst v63  }
0xfb: {  	_ =	swait.ge [sflag:s13], $0x3E80  }
0xfc: {  	[sflag:s13] =	ssyncset.done $0x0  }
0xfd: {  	s12 =	rddreg [dreg:$0x9];
	[sflag:s13] =	ssyncadd.s32 $0xFFFFC180  }
0xfe: {  	[tilespmem:s17], [sflag:$0x2] =	stream.indirect.gather [hbm4b:s1+s15], $0x80, s12, s15, $0xb8;
	[tilespmem:$0x1D800] =	vst v63  }
0xff: {  	_ =	swait.ge [sflag:s18], $0x3E80  }
0x100: {  	[sflag:s18] =	ssyncset.done $0x0  }
0x101: {  	s12 =	rddreg [dreg:$0xa];
	[sflag:s18] =	ssyncadd.s32 $0xFFFFC180  }
0x102: {  	[spmem:s3] =	stream.indirect.scatter.add.f32 [tilespmem:s16], [sflag:$0x3], $0x80, s12, s15, $0xb8;
	[tilespmem:$0x1D800] =	vst v63  }
0x103: {  	_ =	swait.ge [sflag:s13], $0x3E80  }
0x104: {  	[sflag:s13] =	ssyncset.done $0x0  }
0x105: {  	s12 =	rddreg [dreg:$0xb];
	[sflag:s13] =	ssyncadd.s32 $0xFFFFC180  }
0x106: {  	[tilespmem:s16], [sflag:$0x1] =	stream.indirect.gather [hbm4b:s1+s15], $0x80, s12, s15, $0xb8;
	[tilespmem:$0x1D800] =	vst v63  }
0x107: {  	_ =	swait.ge [sflag:s19], $0x3E80  }
0x108: {  	[sflag:s19] =	ssyncset.done $0x0  }
0x109: {  	s12 =	rddreg [dreg:$0xc];
	[sflag:s19] =	ssyncadd.s32 $0xFFFFC180  }
0x10a: {  	[spmem:s3] =	stream.indirect.scatter.add.f32 [tilespmem:s17], [sflag:$0x3], $0x80, s12, s15, $0xb8;
	[tilespmem:$0x1D800] =	vst v63  }
0x10b: {  	_ =	swait.ge [sflag:s13], $0x3E80  }
0x10c: {  	[sflag:s13] =	ssyncset.done $0x0  }
0x10d: {  	s12 =	rddreg [dreg:$0xd];
	[sflag:s13] =	ssyncadd.s32 $0xFFFFC180  }
0x10e: {  	[tilespmem:s17], [sflag:$0x2] =	stream.indirect.gather [hbm4b:s1+s15], $0x80, s12, s15, $0xb8;
	[tilespmem:$0x1D800] =	vst v63  }
0x10f: {  	_ =	swait.ge [sflag:s18], $0x3E80  }
0x110: {  	[sflag:s18] =	ssyncset.done $0x0  }
0x111: {  	s12 =	rddreg [dreg:$0xe];
	[sflag:s18] =	ssyncadd.s32 $0xFFFFC180  }
0x112: {  	[spmem:s3] =	stream.indirect.scatter.add.f32 [tilespmem:s16], [sflag:$0x3], $0x80, s12, s15, $0xb8;
	[tilespmem:$0x1D800] =	vst v63  }
0x113: {  	_ =	swait.ge [sflag:s13], $0x3E80  }
0x114: {  	[sflag:s13] =	ssyncset.done $0x0  }
0x115: {  	s12 =	rddreg [dreg:$0xf];
	[sflag:s13] =	ssyncadd.s32 $0xFFFFC180  }
0x116: {  	[tilespmem:s16], [sflag:$0x1] =	stream.indirect.gather [hbm4b:s1+s15], $0x80, s12, s15, $0xb8;
	[tilespmem:$0x1D800] =	vst v63  }
0x117: {  	_ =	swait.ge [sflag:s19], $0x3E80  }
0x118: {  	[sflag:s19] =	ssyncset.done $0x0  }
0x119: {  	s12 =	rddreg [dreg:$0x10];
	[sflag:s19] =	ssyncadd.s32 $0xFFFFC180  }
0x11a: {  	[spmem:s3] =	stream.indirect.scatter.add.f32 [tilespmem:s17], [sflag:$0x3], $0x80, s12, s15, $0xb8;
	[tilespmem:$0x1D800] =	vst v63  }
0x11b: {  	_ =	swait.ge [sflag:s13], $0x3E80  }
0x11c: {  	[sflag:s13] =	ssyncset.done $0x0  }
0x11d: {  	s12 =	rddreg [dreg:$0x11];
	[sflag:s13] =	ssyncadd.s32 $0xFFFFC180  }
0x11e: {  	[tilespmem:s17], [sflag:$0x2] =	stream.indirect.gather [hbm4b:s1+s15], $0x80, s12, s15, $0xb8;
	[tilespmem:$0x1D800] =	vst v63  }
0x11f: {  	_ =	swait.ge [sflag:s18], $0x3E80  }
0x120: {  	[sflag:s18] =	ssyncset.done $0x0  }
0x121: {  	s12 =	rddreg [dreg:$0x12];
	[sflag:s18] =	ssyncadd.s32 $0xFFFFC180  }
0x122: {  	[spmem:s3] =	stream.indirect.scatter.add.f32 [tilespmem:s16], [sflag:$0x3], $0x80, s12, s15, $0xb8;
	[tilespmem:$0x1D800] =	vst v63  }
0x123: {  	_ =	swait.ge [sflag:s13], $0x3E80  }
0x124: {  	[sflag:s13] =	ssyncset.done $0x0  }
0x125: {  	s12 =	rddreg [dreg:$0x13];
	[sflag:s13] =	ssyncadd.s32 $0xFFFFC180  }
0x126: {  	[tilespmem:s16], [sflag:$0x1] =	stream.indirect.gather [hbm4b:s1+s15], $0x80, s12, s15, $0xb8;
	[tilespmem:$0x1D800] =	vst v63  }
0x127: {  	_ =	swait.ge [sflag:s19], $0x3E80  }
0x128: {  	[sflag:s19] =	ssyncset.done $0x0  }
0x129: {  	s12 =	rddreg [dreg:$0x14];
	[sflag:s19] =	ssyncadd.s32 $0xFFFFC180  }
0x12a: {  	[spmem:s3] =	stream.indirect.scatter.add.f32 [tilespmem:s17], [sflag:$0x3], $0x80, s12, s15, $0xb8;
	[tilespmem:$0x1D800] =	vst v63  }
0x12b: {  	_ =	swait.ge [sflag:s13], $0x3E80  }
0x12c: {  	[sflag:s13] =	ssyncset.done $0x0  }
0x12d: {  	s12 =	rddreg [dreg:$0x15];
	[sflag:s13] =	ssyncadd.s32 $0xFFFFC180  }
0x12e: {  	[tilespmem:s17], [sflag:$0x2] =	stream.indirect.gather [hbm4b:s1+s15], $0x80, s12, s15, $0xb8;
	[tilespmem:$0x1D800] =	vst v63  }
0x12f: {  	_ =	swait.ge [sflag:s18], $0x3E80  }
0x130: {  	[sflag:s18] =	ssyncset.done $0x0  }
0x131: {  	s12 =	rddreg [dreg:$0x16];
	[sflag:s18] =	ssyncadd.s32 $0xFFFFC180  }
0x132: {  	[spmem:s3] =	stream.indirect.scatter.add.f32 [tilespmem:s16], [sflag:$0x3], $0x80, s12, s15, $0xb8;
	[tilespmem:$0x1D800] =	vst v63  }
0x133: {  	_ =	swait.ge [sflag:s13], $0x3E80  }
0x134: {  	[sflag:s13] =	ssyncset.done $0x0  }
0x135: {  	s12 =	rddreg [dreg:$0x17];
	[sflag:s13] =	ssyncadd.s32 $0xFFFFC180  }
0x136: {  	[tilespmem:s16], [sflag:$0x1] =	stream.indirect.gather [hbm4b:s1+s15], $0x80, s12, s15, $0xb8;
	[tilespmem:$0x1D800] =	vst v63  }
0x137: {  	_ =	swait.ge [sflag:s19], $0x3E80  }
0x138: {  	[sflag:s19] =	ssyncset.done $0x0  }
0x139: {  	s12 =	rddreg [dreg:$0x18];
	[sflag:s19] =	ssyncadd.s32 $0xFFFFC180  }
0x13a: {  	[spmem:s3] =	stream.indirect.scatter.add.f32 [tilespmem:s17], [sflag:$0x3], $0x80, s12, s15, $0xb8;
	[tilespmem:$0x1D800] =	vst v63  }
0x13b: {  	_ =	swait.ge [sflag:s13], $0x3E80  }
0x13c: {  	[sflag:s13] =	ssyncset.done $0x0  }
0x13d: {  	s12 =	rddreg [dreg:$0x19];
	[sflag:s13] =	ssyncadd.s32 $0xFFFFC180  }
0x13e: {  	[tilespmem:s17], [sflag:$0x2] =	stream.indirect.gather [hbm4b:s1+s15], $0x80, s12, s15, $0xb8;
	[tilespmem:$0x1D800] =	vst v63  }
0x13f: {  	_ =	swait.ge [sflag:s18], $0x3E80  }
0x140: {  	[sflag:s18] =	ssyncset.done $0x0  }
0x141: {  	s12 =	rddreg [dreg:$0x1a];
	[sflag:s18] =	ssyncadd.s32 $0xFFFFC180  }
0x142: {  	[spmem:s3] =	stream.indirect.scatter.add.f32 [tilespmem:s16], [sflag:$0x3], $0x80, s12, s15, $0xb8;
	[tilespmem:$0x1D800] =	vst v63  }
0x143: {  	_ =	swait.ge [sflag:s13], $0x3E80  }
0x144: {  	[sflag:s13] =	ssyncset.done $0x0  }
0x145: {  	[sflag:s13] =	ssyncadd.s32 $0xFFFFC180  }
0x146: {  	[tilespmem:s16], [sflag:$0x1] =	stream.indirect.gather [hbm4b:s1+s15], $0x80, s20, s15, $0xb8;
	[tilespmem:$0x1D800] =	vst v63  }
0x147: {  	_ =	swait.ge [sflag:s19], $0x3E80  }
0x148: {  	[sflag:s19] =	ssyncset.done $0x0  }
0x149: {  	[sflag:s19] =	ssyncadd.s32 $0xFFFFC180  }
0x14a: {  	[spmem:s3] =	stream.indirect.scatter.add.f32 [tilespmem:s17], [sflag:$0x3], $0x80, s21, s15, $0xb8;
	[tilespmem:$0x1D800] =	vst v63  }
0x14b: {  	_ =	swait.ge [sflag:s13], $0x3E80  }
0x14c: {  	[sflag:s13] =	ssyncset.done $0x0  }
0x14d: {  	[sflag:s13] =	ssyncadd.s32 $0xFFFFC180  }
0x14e: {  	[tilespmem:s17], [sflag:$0x2] =	stream.indirect.gather [hbm4b:s1+s15], $0x80, s22, s15, $0xb8;
	[tilespmem:$0x1D800] =	vst v63  }
0x14f: {  	_ =	swait.ge [sflag:s18], $0x3E80  }
0x150: {  	[sflag:s18] =	ssyncset.done $0x0  }
0x151: {  	[sflag:s18] =	ssyncadd.s32 $0xFFFFC180  }
0x152: {  	[spmem:s3] =	stream.indirect.scatter.add.f32 [tilespmem:s16], [sflag:$0x3], $0x80, s23, s15, $0xb8;
	[tilespmem:$0x1D800] =	vst v63  }
0x153: {  	_ =	swait.ge [sflag:s13], $0x3E80  }
0x154: {  	[sflag:s13] =	ssyncset.done $0x0  }
0x155: {  	[sflag:s13] =	ssyncadd.s32 $0xFFFFC180  }
0x156: {  	[tilespmem:s16], [sflag:$0x1] =	stream.indirect.gather [hbm4b:s1+s15], $0x80, s24, s15, $0xb8;
	[tilespmem:$0x1D800] =	vst v63  }
0x157: {  	_ =	swait.ge [sflag:s19], $0x3E80  }
0x158: {  	[sflag:s19] =	ssyncset.done $0x0  }
0x159: {  	[sflag:s19] =	ssyncadd.s32 $0xFFFFC180  }
0x15a: {  	[spmem:s3] =	stream.indirect.scatter.add.f32 [tilespmem:s17], [sflag:$0x3], $0x80, s25, s15, $0xb8;
	[tilespmem:$0x1D800] =	vst v63  }
0x15b: {  	_ =	swait.ge [sflag:s13], $0x3E80  }
0x15c: {  	[sflag:s13] =	ssyncset.done $0x0  }
0x15d: {  	[sflag:s13] =	ssyncadd.s32 $0xFFFFC180  }
0x15e: {  	[tilespmem:s17], [sflag:$0x2] =	stream.indirect.gather [hbm4b:s1+s15], $0x80, s26, s15, $0xb8;
	[tilespmem:$0x1D800] =	vst v63  }
0x15f: {  	_ =	swait.ge [sflag:s18], $0x3E80  }
0x160: {  	[sflag:s18] =	ssyncset.done $0x0  }
0x161: {  	[sflag:s18] =	ssyncadd.s32 $0xFFFFC180  }
0x162: {  	[spmem:s3] =	stream.indirect.scatter.add.f32 [tilespmem:s16], [sflag:$0x3], $0x80, s28, s15, $0xb8;
	[tilespmem:$0x1D800] =	vst v63  }
0x163: {  	_ =	swait.ge [sflag:s13], $0x3E80  }
0x164: {  	[sflag:s13] =	ssyncset.done $0x0  }
0x165: {  	[sflag:s13] =	ssyncadd.s32 $0xFFFFC180  }
0x166: {  	[tilespmem:s16], [sflag:$0x1] =	stream.indirect.gather [hbm4b:s1+s15], $0x80, s29, s15, $0xb8;
	[tilespmem:$0x1D800] =	vst v63  }
0x167: {  	_ =	swait.ge [sflag:s19], $0x3E80  }
0x168: {  	[sflag:s19] =	ssyncset.done $0x0  }
0x169: {  	[sflag:s19] =	ssyncadd.s32 $0xFFFFC180  }
0x16a: {  	[spmem:s3] =	stream.indirect.scatter.add.f32 [tilespmem:s17], [sflag:$0x3], $0x80, s30, s15, $0xb8;
	[tilespmem:$0x1D800] =	vst v63  }
0x16b: {  	_ =	swait.ge [sflag:s13], $0x3E80  }
0x16c: {  	[sflag:s13] =	ssyncset.done $0x0  }
0x16d: {  	[sflag:s13] =	ssyncadd.s32 $0xFFFFC180  }
0x16e: {  	[tilespmem:s17], [sflag:$0x2] =	stream.indirect.gather [hbm4b:s1+s15], $0x80, s31, s15, $0xb8;
	[tilespmem:$0x1D800] =	vst v63  }
0x16f: {  	_ =	swait.ge [sflag:s18], $0x3E80  }
0x170: {  	[sflag:s18] =	ssyncset.done $0x0  }
0x171: {  	[sflag:s18] =	ssyncadd.s32 $0xFFFFC180  }
0x172: {  	[spmem:s3] =	stream.indirect.scatter.add.f32 [tilespmem:s16], [sflag:$0x3], $0x80, s2, s15, $0xb8;
	[tilespmem:$0x1D800] =	vst v63  }
0x173: {  	_ =	swait.ge [sflag:s13], $0x3E80  }
0x174: {  	[sflag:s13] =	ssyncset.done $0x0  }
0x175: {  	[sflag:s13] =	ssyncadd.s32 $0xFFFFC180  }
0x176: {  	[tilespmem:s16], [sflag:$0x1] =	stream.indirect.gather [hbm4b:s1+s15], $0x80, s0, s15, $0xb8;
	[tilespmem:$0x1D800] =	vst v63  }
0x177: {  	_ =	swait.ge [sflag:s19], $0x3E80  }
0x178: {  	[sflag:s19] =	ssyncset.done $0x0  }
0x179: {  	[sflag:s19] =	ssyncadd.s32 $0xFFFFC180  }
0x17a: {  	[spmem:s3] =	stream.indirect.scatter.add.f32 [tilespmem:s17], [sflag:$0x3], $0x80, s6, s15, $0xb8;
	[tilespmem:$0x1D800] =	vst v63  }
0x17b: {  	_ =	swait.ge [sflag:s13], $0x3E80  }
0x17c: {  	[sflag:s13] =	ssyncset.done $0x0  }
0x17d: {  	[sflag:s13] =	ssyncadd.s32 $0xFFFFC180  }
0x17e: {  	[tilespmem:s17], [sflag:$0x2] =	stream.indirect.gather [hbm4b:s1+s15], $0x80, s7, s15, $0xb8;
	[tilespmem:$0x1D800] =	vst v63  }
0x17f: {  	_ =	swait.ge [sflag:s18], $0x3E80  }
0x180: {  	[sflag:s18] =	ssyncset.done $0x0  }
0x181: {  	[sflag:s18] =	ssyncadd.s32 $0xFFFFC180  }
0x182: {  	[spmem:s3] =	stream.indirect.scatter.add.f32 [tilespmem:s16], [sflag:$0x3], $0x80, s8, s15, $0xb8;
	[tilespmem:$0x1D800] =	vst v63  }
0x183: {  	_ =	swait.ge [sflag:s13], $0x3E80  }
0x184: {  	[sflag:s13] =	ssyncset.done $0x0  }
0x185: {  	[sflag:s13] =	ssyncadd.s32 $0xFFFFC180  }
0x186: {  	p1 =	sne.s32 s11, $0x9000;
	_ =	swait.ge [sflag:s19], $0x3E80  }
.Ltmp0:
0x187: {  	[sflag:s19] =	ssyncset.done $0x0;
	(pc) =	sbr.rel @p1 .LBB2_2-.Ltmp0, $4  }
0x188: {  	[sflag:s19] =	ssyncadd.s32 $0xFFFFC180  }
0x189: {  	[spmem:s3] =	stream.indirect.scatter.add.f32 [tilespmem:s17], [sflag:$0x3], $0x80, s9, s15, $0xb8;
	[tilespmem:$0x1D800] =	vst v63  }
0x18a: {  	s10 =	smov.u32 s11;
	s11 =	sadd.s32 $0x3000, s11;
	_ =	swait.ge [sflag:s13], $0x3E80  }
0x18b: {  	s5 =	smov.u32 s10;
	s12 =	rddreg [dreg:$0x5];
	[sflag:s13] =	ssyncset.done $0x0  }
0x18c: {  	[sflag:s13] =	ssyncadd.s32 $0xFFFFC180;
	s10 =	sadd.s32 s5, s12  }
0x18d: {  	[tilespmem:s4], [sflag:$0x3] =	stream.linear.gather [hbm4b:s10+s4], $0xA00, $0x38;
	[tilespmem:$0x1D800] =	vst v63  }
0x18e: {  	_ =	swait.ge [sflag:s13], $0xA00  }
0x18f: {  	s12 =	rddreg [dreg:$0x4];
	[sflag:s13] =	ssyncset.done $0x0  }
0x190: {  	[sflag:s13] =	ssyncadd.s32 $0xFFFFF600;
	s10 =	sadd.s32 s5, s12  }
0x191: {  	[tilespmem:s14], [sflag:$0x3] =	stream.linear.gather [hbm4b:s10+s4], $0xA00, $0x38;
	[tilespmem:$0x1D800] =	vst v63  }
0x192: {  	_ =	swait.ge [sflag:s13], $0xA00  }
0x193: {  	[sflag:s13] =	ssyncset.done $0x0  }
0x194: {  	[sflag:s13] =	ssyncadd.s32 $0xFFFFF600  }
0x195: {  	[tilespmem:s16], [sflag:$0x1] =	stream.indirect.gather [hbm4b:s1+s15], $0x80, s4, s15, $0xb8;
	[tilespmem:$0x1D800] =	vst v63  }
0x196: {  	s11 =	rddreg [dreg:$0x6]  }
0x197: {  	[tilespmem:s17], [sflag:$0x2] =	stream.indirect.gather [hbm4b:s1+s15], $0x80, s11, s15, $0xb8;
	[tilespmem:$0x1D800] =	vst v63  }
0x198: {  	_ =	swait.ge [sflag:s18], $0x3E80  }
0x199: {  	[sflag:s18] =	ssyncset.done $0x0  }
0x19a: {  	[sflag:s18] =	ssyncadd.s32 $0xFFFFC180  }
0x19b: {  	[spmem:s3] =	stream.indirect.scatter.add.f32 [tilespmem:s16], [sflag:$0x3], $0x80, s14, s15, $0xb8;
	[tilespmem:$0x1D800] =	vst v63  }
0x19c: {  	_ =	swait.ge [sflag:s13], $0x3E80  }
0x19d: {  	[sflag:s13] =	ssyncset.done $0x0  }
0x19e: {  	s12 =	rddreg [dreg:$0x7];
	[sflag:s13] =	ssyncadd.s32 $0xFFFFC180  }
0x19f: {  	[tilespmem:s16], [sflag:$0x1] =	stream.indirect.gather [hbm4b:s1+s15], $0x80, s12, s15, $0xb8;
	[tilespmem:$0x1D800] =	vst v63  }
0x1a0: {  	_ =	swait.ge [sflag:s19], $0x3E80  }
0x1a1: {  	[sflag:s19] =	ssyncset.done $0x0  }
0x1a2: {  	s10 =	rddreg [dreg:$0x8];
	[sflag:s19] =	ssyncadd.s32 $0xFFFFC180  }
0x1a3: {  	[spmem:s3] =	stream.indirect.scatter.add.f32 [tilespmem:s17], [sflag:$0x3], $0x80, s10, s15, $0xb8;
	[tilespmem:$0x1D800] =	vst v63  }
0x1a4: {  	_ =	swait.ge [sflag:s13], $0x3E80  }
0x1a5: {  	[sflag:s13] =	ssyncset.done $0x0  }
0x1a6: {  	s11 =	rddreg [dreg:$0x9];
	[sflag:s13] =	ssyncadd.s32 $0xFFFFC180  }
0x1a7: {  	[tilespmem:s17], [sflag:$0x2] =	stream.indirect.gather [hbm4b:s1+s15], $0x80, s11, s15, $0xb8;
	[tilespmem:$0x1D800] =	vst v63  }
0x1a8: {  	_ =	swait.ge [sflag:s18], $0x3E80  }
0x1a9: {  	[sflag:s18] =	ssyncset.done $0x0  }
0x1aa: {  	s12 =	rddreg [dreg:$0xa];
	[sflag:s18] =	ssyncadd.s32 $0xFFFFC180  }
0x1ab: {  	[spmem:s3] =	stream.indirect.scatter.add.f32 [tilespmem:s16], [sflag:$0x3], $0x80, s12, s15, $0xb8;
	[tilespmem:$0x1D800] =	vst v63  }
0x1ac: {  	_ =	swait.ge [sflag:s13], $0x3E80  }
0x1ad: {  	[sflag:s13] =	ssyncset.done $0x0  }
0x1ae: {  	s10 =	rddreg [dreg:$0xb];
	[sflag:s13] =	ssyncadd.s32 $0xFFFFC180  }
0x1af: {  	[tilespmem:s16], [sflag:$0x1] =	stream.indirect.gather [hbm4b:s1+s15], $0x80, s10, s15, $0xb8;
	[tilespmem:$0x1D800] =	vst v63  }
0x1b0: {  	_ =	swait.ge [sflag:s19], $0x3E80  }
0x1b1: {  	[sflag:s19] =	ssyncset.done $0x0  }
0x1b2: {  	s11 =	rddreg [dreg:$0xc];
	[sflag:s19] =	ssyncadd.s32 $0xFFFFC180  }
0x1b3: {  	[spmem:s3] =	stream.indirect.scatter.add.f32 [tilespmem:s17], [sflag:$0x3], $0x80, s11, s15, $0xb8;
	[tilespmem:$0x1D800] =	vst v63  }
0x1b4: {  	_ =	swait.ge [sflag:s13], $0x3E80  }
0x1b5: {  	[sflag:s13] =	ssyncset.done $0x0  }
0x1b6: {  	s12 =	rddreg [dreg:$0xd];
	[sflag:s13] =	ssyncadd.s32 $0xFFFFC180  }
0x1b7: {  	[tilespmem:s17], [sflag:$0x2] =	stream.indirect.gather [hbm4b:s1+s15], $0x80, s12, s15, $0xb8;
	[tilespmem:$0x1D800] =	vst v63  }
0x1b8: {  	_ =	swait.ge [sflag:s18], $0x3E80  }
0x1b9: {  	[sflag:s18] =	ssyncset.done $0x0  }
0x1ba: {  	s10 =	rddreg [dreg:$0xe];
	[sflag:s18] =	ssyncadd.s32 $0xFFFFC180  }
0x1bb: {  	[spmem:s3] =	stream.indirect.scatter.add.f32 [tilespmem:s16], [sflag:$0x3], $0x80, s10, s15, $0xb8;
	[tilespmem:$0x1D800] =	vst v63  }
0x1bc: {  	_ =	swait.ge [sflag:s13], $0x3E80  }
0x1bd: {  	[sflag:s13] =	ssyncset.done $0x0  }
0x1be: {  	s11 =	rddreg [dreg:$0xf];
	[sflag:s13] =	ssyncadd.s32 $0xFFFFC180  }
0x1bf: {  	[tilespmem:s16], [sflag:$0x1] =	stream.indirect.gather [hbm4b:s1+s15], $0x80, s11, s15, $0xb8;
	[tilespmem:$0x1D800] =	vst v63  }
0x1c0: {  	_ =	swait.ge [sflag:s19], $0x3E80  }
0x1c1: {  	[sflag:s19] =	ssyncset.done $0x0  }
0x1c2: {  	s12 =	rddreg [dreg:$0x10];
	[sflag:s19] =	ssyncadd.s32 $0xFFFFC180  }
0x1c3: {  	[spmem:s3] =	stream.indirect.scatter.add.f32 [tilespmem:s17], [sflag:$0x3], $0x80, s12, s15, $0xb8;
	[tilespmem:$0x1D800] =	vst v63  }
0x1c4: {  	_ =	swait.ge [sflag:s13], $0x3E80  }
0x1c5: {  	[sflag:s13] =	ssyncset.done $0x0  }
0x1c6: {  	s10 =	rddreg [dreg:$0x11];
	[sflag:s13] =	ssyncadd.s32 $0xFFFFC180  }
0x1c7: {  	[tilespmem:s17], [sflag:$0x2] =	stream.indirect.gather [hbm4b:s1+s15], $0x80, s10, s15, $0xb8;
	[tilespmem:$0x1D800] =	vst v63  }
0x1c8: {  	_ =	swait.ge [sflag:s18], $0x3E80  }
0x1c9: {  	[sflag:s18] =	ssyncset.done $0x0  }
0x1ca: {  	s11 =	rddreg [dreg:$0x12];
	[sflag:s18] =	ssyncadd.s32 $0xFFFFC180  }
0x1cb: {  	[spmem:s3] =	stream.indirect.scatter.add.f32 [tilespmem:s16], [sflag:$0x3], $0x80, s11, s15, $0xb8;
	[tilespmem:$0x1D800] =	vst v63  }
0x1cc: {  	_ =	swait.ge [sflag:s13], $0x3E80  }
0x1cd: {  	[sflag:s13] =	ssyncset.done $0x0  }
0x1ce: {  	s12 =	rddreg [dreg:$0x13];
	[sflag:s13] =	ssyncadd.s32 $0xFFFFC180  }
0x1cf: {  	[tilespmem:s16], [sflag:$0x1] =	stream.indirect.gather [hbm4b:s1+s15], $0x80, s12, s15, $0xb8;
	[tilespmem:$0x1D800] =	vst v63  }
0x1d0: {  	_ =	swait.ge [sflag:s19], $0x3E80  }
0x1d1: {  	[sflag:s19] =	ssyncset.done $0x0  }
0x1d2: {  	s10 =	rddreg [dreg:$0x14];
	[sflag:s19] =	ssyncadd.s32 $0xFFFFC180  }
0x1d3: {  	[spmem:s3] =	stream.indirect.scatter.add.f32 [tilespmem:s17], [sflag:$0x3], $0x80, s10, s15, $0xb8;
	[tilespmem:$0x1D800] =	vst v63  }
0x1d4: {  	_ =	swait.ge [sflag:s13], $0x3E80  }
0x1d5: {  	[sflag:s13] =	ssyncset.done $0x0  }
0x1d6: {  	s11 =	rddreg [dreg:$0x15];
	[sflag:s13] =	ssyncadd.s32 $0xFFFFC180  }
0x1d7: {  	[tilespmem:s17], [sflag:$0x2] =	stream.indirect.gather [hbm4b:s1+s15], $0x80, s11, s15, $0xb8;
	[tilespmem:$0x1D800] =	vst v63  }
0x1d8: {  	_ =	swait.ge [sflag:s18], $0x3E80  }
0x1d9: {  	[sflag:s18] =	ssyncset.done $0x0  }
0x1da: {  	s12 =	rddreg [dreg:$0x16];
	[sflag:s18] =	ssyncadd.s32 $0xFFFFC180  }
0x1db: {  	[spmem:s3] =	stream.indirect.scatter.add.f32 [tilespmem:s16], [sflag:$0x3], $0x80, s12, s15, $0xb8;
	[tilespmem:$0x1D800] =	vst v63  }
0x1dc: {  	_ =	swait.ge [sflag:s13], $0x3E80  }
0x1dd: {  	[sflag:s13] =	ssyncset.done $0x0  }
0x1de: {  	s10 =	rddreg [dreg:$0x17];
	[sflag:s13] =	ssyncadd.s32 $0xFFFFC180  }
0x1df: {  	[tilespmem:s16], [sflag:$0x1] =	stream.indirect.gather [hbm4b:s1+s15], $0x80, s10, s15, $0xb8;
	[tilespmem:$0x1D800] =	vst v63  }
0x1e0: {  	_ =	swait.ge [sflag:s19], $0x3E80  }
0x1e1: {  	[sflag:s19] =	ssyncset.done $0x0  }
0x1e2: {  	s11 =	rddreg [dreg:$0x18];
	[sflag:s19] =	ssyncadd.s32 $0xFFFFC180  }
0x1e3: {  	[spmem:s3] =	stream.indirect.scatter.add.f32 [tilespmem:s17], [sflag:$0x3], $0x80, s11, s15, $0xb8;
	[tilespmem:$0x1D800] =	vst v63  }
0x1e4: {  	_ =	swait.ge [sflag:s13], $0x3E80  }
0x1e5: {  	[sflag:s13] =	ssyncset.done $0x0  }
0x1e6: {  	s12 =	rddreg [dreg:$0x19];
	[sflag:s13] =	ssyncadd.s32 $0xFFFFC180  }
0x1e7: {  	[tilespmem:s17], [sflag:$0x2] =	stream.indirect.gather [hbm4b:s1+s15], $0x80, s12, s15, $0xb8;
	[tilespmem:$0x1D800] =	vst v63  }
0x1e8: {  	_ =	swait.ge [sflag:s18], $0x3E80  }
0x1e9: {  	[sflag:s18] =	ssyncset.done $0x0  }
0x1ea: {  	s10 =	rddreg [dreg:$0x1a];
	[sflag:s18] =	ssyncadd.s32 $0xFFFFC180  }
0x1eb: {  	[spmem:s3] =	stream.indirect.scatter.add.f32 [tilespmem:s16], [sflag:$0x3], $0x80, s10, s15, $0xb8;
	[tilespmem:$0x1D800] =	vst v63  }
0x1ec: {  	_ =	swait.ge [sflag:s13], $0x3E80  }
0x1ed: {  	[sflag:s13] =	ssyncset.done $0x0  }
0x1ee: {  	[sflag:s13] =	ssyncadd.s32 $0xFFFFC180  }
0x1ef: {  	[tilespmem:s16], [sflag:$0x1] =	stream.indirect.gather [hbm4b:s1+s15], $0x80, s20, s15, $0xb8;
	[tilespmem:$0x1D800] =	vst v63  }
0x1f0: {  	_ =	swait.ge [sflag:s19], $0x3E80  }
0x1f1: {  	[sflag:s19] =	ssyncset.done $0x0  }
0x1f2: {  	[sflag:s19] =	ssyncadd.s32 $0xFFFFC180  }
0x1f3: {  	[spmem:s3] =	stream.indirect.scatter.add.f32 [tilespmem:s17], [sflag:$0x3], $0x80, s21, s15, $0xb8;
	[tilespmem:$0x1D800] =	vst v63  }
0x1f4: {  	_ =	swait.ge [sflag:s13], $0x3E80  }
0x1f5: {  	[sflag:s13] =	ssyncset.done $0x0  }
0x1f6: {  	[sflag:s13] =	ssyncadd.s32 $0xFFFFC180  }
0x1f7: {  	[tilespmem:s17], [sflag:$0x2] =	stream.indirect.gather [hbm4b:s1+s15], $0x80, s22, s15, $0xb8;
	[tilespmem:$0x1D800] =	vst v63  }
0x1f8: {  	_ =	swait.ge [sflag:s18], $0x3E80  }
0x1f9: {  	[sflag:s18] =	ssyncset.done $0x0  }
0x1fa: {  	[sflag:s18] =	ssyncadd.s32 $0xFFFFC180  }
0x1fb: {  	[spmem:s3] =	stream.indirect.scatter.add.f32 [tilespmem:s16], [sflag:$0x3], $0x80, s23, s15, $0xb8;
	[tilespmem:$0x1D800] =	vst v63  }
0x1fc: {  	_ =	swait.ge [sflag:s13], $0x3E80  }
0x1fd: {  	[sflag:s13] =	ssyncset.done $0x0  }
0x1fe: {  	[sflag:s13] =	ssyncadd.s32 $0xFFFFC180  }
0x1ff: {  	[tilespmem:s16], [sflag:$0x1] =	stream.indirect.gather [hbm4b:s1+s15], $0x80, s24, s15, $0xb8;
	[tilespmem:$0x1D800] =	vst v63  }
0x200: {  	_ =	swait.ge [sflag:s19], $0x3E80  }
0x201: {  	[sflag:s19] =	ssyncset.done $0x0  }
0x202: {  	[sflag:s19] =	ssyncadd.s32 $0xFFFFC180  }
0x203: {  	[spmem:s3] =	stream.indirect.scatter.add.f32 [tilespmem:s17], [sflag:$0x3], $0x80, s25, s15, $0xb8;
	[tilespmem:$0x1D800] =	vst v63  }
0x204: {  	_ =	swait.ge [sflag:s13], $0x3E80  }
0x205: {  	[sflag:s13] =	ssyncset.done $0x0  }
0x206: {  	[sflag:s13] =	ssyncadd.s32 $0xFFFFC180  }
0x207: {  	[tilespmem:s17], [sflag:$0x2] =	stream.indirect.gather [hbm4b:s1+s15], $0x80, s26, s15, $0xb8;
	[tilespmem:$0x1D800] =	vst v63  }
0x208: {  	_ =	swait.ge [sflag:s18], $0x3E80  }
0x209: {  	[sflag:s18] =	ssyncset.done $0x0  }
0x20a: {  	[sflag:s18] =	ssyncadd.s32 $0xFFFFC180  }
0x20b: {  	[spmem:s3] =	stream.indirect.scatter.add.f32 [tilespmem:s16], [sflag:$0x3], $0x80, s28, s15, $0xb8;
	[tilespmem:$0x1D800] =	vst v63  }
0x20c: {  	_ =	swait.ge [sflag:s13], $0x3E80  }
0x20d: {  	[sflag:s13] =	ssyncset.done $0x0  }
0x20e: {  	[sflag:s13] =	ssyncadd.s32 $0xFFFFC180  }
0x20f: {  	[tilespmem:s16], [sflag:$0x1] =	stream.indirect.gather [hbm4b:s1+s15], $0x80, s29, s15, $0xb8;
	[tilespmem:$0x1D800] =	vst v63  }
0x210: {  	_ =	swait.ge [sflag:s19], $0x3E80  }
0x211: {  	[sflag:s19] =	ssyncset.done $0x0  }
0x212: {  	[sflag:s19] =	ssyncadd.s32 $0xFFFFC180  }
0x213: {  	[spmem:s3] =	stream.indirect.scatter.add.f32 [tilespmem:s17], [sflag:$0x3], $0x80, s30, s15, $0xb8;
	[tilespmem:$0x1D800] =	vst v63  }
0x214: {  	_ =	swait.ge [sflag:s13], $0x3E80  }
0x215: {  	[sflag:s13] =	ssyncset.done $0x0  }
0x216: {  	[sflag:s13] =	ssyncadd.s32 $0xFFFFC180  }
0x217: {  	[tilespmem:s17], [sflag:$0x2] =	stream.indirect.gather [hbm4b:s1+s15], $0x80, s31, s15, $0xb8;
	[tilespmem:$0x1D800] =	vst v63  }
0x218: {  	_ =	swait.ge [sflag:s18], $0x3E80  }
0x219: {  	[sflag:s18] =	ssyncset.done $0x0  }
0x21a: {  	[sflag:s18] =	ssyncadd.s32 $0xFFFFC180  }
0x21b: {  	[spmem:s3] =	stream.indirect.scatter.add.f32 [tilespmem:s16], [sflag:$0x3], $0x80, s2, s15, $0xb8;
	[tilespmem:$0x1D800] =	vst v63  }
0x21c: {  	_ =	swait.ge [sflag:s13], $0x3E80  }
0x21d: {  	[sflag:s13] =	ssyncset.done $0x0  }
0x21e: {  	[sflag:s13] =	ssyncadd.s32 $0xFFFFC180  }
0x21f: {  	[tilespmem:s16], [sflag:$0x1] =	stream.indirect.gather [hbm4b:s1+s15], $0x80, s0, s15, $0xb8;
	[tilespmem:$0x1D800] =	vst v63  }
0x220: {  	_ =	swait.ge [sflag:s19], $0x3E80  }
0x221: {  	[sflag:s19] =	ssyncset.done $0x0  }
0x222: {  	[sflag:s19] =	ssyncadd.s32 $0xFFFFC180  }
0x223: {  	[spmem:s3] =	stream.indirect.scatter.add.f32 [tilespmem:s17], [sflag:$0x3], $0x80, s6, s15, $0xb8;
	[tilespmem:$0x1D800] =	vst v63  }
0x224: {  	_ =	swait.ge [sflag:s13], $0x3E80  }
0x225: {  	[sflag:s13] =	ssyncset.done $0x0  }
0x226: {  	[sflag:s13] =	ssyncadd.s32 $0xFFFFC180  }
0x227: {  	[tilespmem:s17], [sflag:$0x2] =	stream.indirect.gather [hbm4b:s1+s15], $0x80, s7, s15, $0xb8;
	[tilespmem:$0x1D800] =	vst v63  }
0x228: {  	_ =	swait.ge [sflag:s18], $0x3E80  }
0x229: {  	[sflag:s18] =	ssyncset.done $0x0  }
0x22a: {  	[sflag:s18] =	ssyncadd.s32 $0xFFFFC180  }
0x22b: {  	[spmem:s3] =	stream.indirect.scatter.add.f32 [tilespmem:s16], [sflag:$0x3], $0x80, s8, s15, $0xb8;
	[tilespmem:$0x1D800] =	vst v63  }
0x22c: {  	_ =	swait.ge [sflag:s13], $0x3E80  }
0x22d: {  	[sflag:s13] =	ssyncset.done $0x0  }
0x22e: {  	[sflag:s13] =	ssyncadd.s32 $0xFFFFC180  }
0x22f: {  	_ =	swait.ge [sflag:s19], $0x3E80  }
0x230: {  	[sflag:s19] =	ssyncset.done $0x0  }
0x231: {  	[sflag:s19] =	ssyncadd.s32 $0xFFFFC180  }
0x232: {  	[spmem:s3] =	stream.indirect.scatter.add.f32 [tilespmem:s17], [sflag:$0x3], $0x80, s9, s15, $0xb8;
	[tilespmem:$0x1D800] =	vst v63  }
0x233: {  	_ =	swait.ge [sflag:s13], $0x3E80  }
0x234: {  	[sflag:s13] =	ssyncset.done $0x0  }
0x235: {  	[sflag:s13] =	ssyncadd.s32 $0xFFFFC180  }
0x236: {  	s11 =	stileid.u32;
	[bflag:$0x0] =	sbarrier.arrive $0xFFFF  }
0x237: {  	s5 =	sshll.u32 s11, $0x6;
	s12 =	rddreg [dreg:$0x1b]  }
0x238: {  	s5 =	sor.u32 $0x1C03, s5;
	s11 =	rddreg [dreg:$0x1e];
	s10 =	sshrl.u32 s12, $0x3  }
0x239: {  	[hbm:s11], [sflag:s5] =	dma.local [spmem:s10], $0x2800  }
0x23a: {  	_ =	swait.ge [sflag:s13], $0x2800  }
0x23b: {  	s11 =	sld [smem:$0x7FA];
	_ =	sdelay $0x2  }
0x23c: {  	s12 =	rddreg [dreg:$0x1f];
	s10 =	sadd.s32 $0x1, s11  }
0x23d: {  	p1 =	sne.s32 s10, s12  }
.Ltmp1:
0x23e: {  	_ = 	snop;
	(pc) =	sbr.rel @p1 .LBB2_1-.Ltmp1, $3  }
0x23f: {  	_ =	sdelay $0x1  }
0x240: {  	[sflag:s13] =	ssyncset.done $0x0  }
0x241: {  	[sflag:s13] =	ssyncadd.s32 $0xFFFFD800  }
0x242: {  	_ =	sfence.sel $0x180000  }
0x243: {  	[bflag:$0x0] =	sbarrier.arrive $0xFFFF  }
0x244: {  	_ =	strace $0x9000004D  }
0x245: {  	s0 =	stileid.u32;
	[bflag:$0x2] =	sbarrier.arrive $0xFFFF  }
0x246: {  	p0 =	sne.s32 s0, $0x0;
	s0 =	rddreg [dreg:$0x3]  }
0x247: {  	s0 =	sadd.s32 @!p0 $0x100000, s0  }
0x248: {  	[sflag:s0] =	ssyncadd.tile.s32 @!p0 $0x1;
	_ =	shalt  }
.Lfunc_end2:
_tile_overlayer_lowered:
.L_overlay_start_2:
0x249: {  	(tag) =	ssettag $0x2  }
0x24a: {  	s0 =	rddreg [dreg:$0x0];
	s2 =	stileid.u32  }
0x24b: {  	s1 =	rddreg [dreg:$0x1];
	p0 =	sne.s32 s2, $0x0  }
0x24c: {  	s3 =	rddreg [dreg:$0x2];
	[bflag:$0x3] =	sbarrier.arrive $0xFFFF;
	s2 =	simm.s32 @!p0 $0x1C03  }
0x24d: {  	[timem:s3], [sflag:s2] =	dma.local @!p0 [hbm:s0], s1  }
0x24e: {  	s0 =	simm.s32 @!p0 $0x3  }
0x24f: {  	_ =	swait.ge @!p0 [sflag:s0], s1  }
0x250: {  	s1 =	ssub.s32 @!p0 $0x0, s1;
	[sflag:s0] =	ssyncset.done @!p0 $0x0  }
0x251: {  	[sflag:s0] =	ssyncadd.s32 @!p0 s1  }
0x252: {  	[bflag:$0x3] =	sbarrier.arrive $0xFFFF  }
0x253: {  	_ =	shalt  }

// kernel: kernel.9.cloned.1.call-start
scs
__scs_entry_jumppad:
0x0: {  	(pc) =	sbr.rel $0x88, $3  }
0x1: {  	(tag) =	ssettag $0x0;
	lr =	simm.s32 $0x1  }
0x2: {  	[smem:$0x3F9B] =	sst lr;
	_ =	strace $0xD0000000  }
0x3: {  	_ = 	snop  }
0x4: {  	_ = 	snop  }
0x5: {  	_ = 	snop  }
0x6: {  	_ = 	snop  }
0x7: {  	_ = 	snop  }
__scs_overlays_trampoline_lowered:
0x8: {  	[smem:$0x3FAA] =	sst s0  }
0x9: {  	[smem:$0x3FAB] =	sst s1  }
0xa: {  	[smem:$0x3FAC] =	sst s2  }
0xb: {  	[smem:$0x3FAD] =	sst s3  }
0xc: {  	[smem:$0x3FAE] =	sst s4  }
0xd: {  	[smem:$0x3FAF] =	sst s5  }
0xe: {  	[smem:$0x3FB0] =	sst s6  }
0xf: {  	[smem:$0x3FB1] =	sst s7  }
0x10: {  	[smem:$0x3FB2] =	sst s8  }
0x11: {  	[smem:$0x3FB3] =	sst s9;
	s0 =	simm.s32 @!p0 $0x0  }
0x12: {  	s1 =	sld [smem:$0x3F99];
	s0 =	simm.s32 @p0 $0x1  }
0x13: {  	[smem:$0x3FB4] =	sst s0;
	s0 =	simm.s32 @!p1 $0x0  }
0x14: {  	s2 =	sld [smem:$0x3F98];
	s0 =	simm.s32 @p1 $0x1  }
0x15: {  	[smem:$0x3FB5] =	sst s0;
	s0 =	simm.s32 @!p2 $0x0  }
0x16: {  	s3 =	sld [smem:$0x3FDB];
	s0 =	simm.s32 @p2 $0x1  }
0x17: {  	s4 =	simm.s32 $0x1BF5;
	[smem:$0x3FB7] =	sst s0  }
0x18: {  	s0 =	sld [smem:$0x3F9A];
	_ =	swait.ge [sflag:s4], $0x0  }
0x19: {  	s7 =	sld [smem:$0x3F9B]  }
0x1a: {  	s8 =	sadd.s32 $0xFFFFE003, lr  }
0x1b: {  	s9 =	sadd.s32 $0xFFFFFEF7, lr;
	s5 =	simm.s32 $0xFFFFFFFF;
	p2 =	slt.u32 s8, $0xFFFFF086  }
0x1c: {  	p1 =	slt.u32 s9, $0xF7A;
	s5 =	simm.s32 @!p2 $0x0  }
0x1d: {  	s5 =	simm.s32 @p1 $0x1;
	p0 =	seq.s32 s7, s2  }
0x1e: {  	s7 =	smul.u32 @!p0 $0xF7A, s2;
	p2 =	seq.s32 @!p0 s5, $0x0  }
0x1f: {  	s9 =	smul.u32 $0xF7A, s1;
	s8 =	simm.s32 @!p0 $0x1BF5;
	p2 =	por !p2, p0  }
0x20: {  	[sflag:s8] =	ssyncset.s32 @!p0 $0xFFFFF086;
	s6 =	sadd.s32 @!p0 s3, s7;
	s7 =	simm.s32 @!p0 $0x108  }
0x21: {  	s3 =	sadd.s32 s3, s9;
	s6 =	sadd.s32 @!p0 $0x88, s6;
	s7 =	simm.s32 @p2 $0x1082  }
0x22: {  	[simem:s7], [sflag:s8] =	dma.local @!p0 [hbm:s6], $0xF7A  }
0x23: {  	s9 =	sor.u32 $0xD0000000, s2;
	s6 =	simm.s32 $0x108;
	_ =	swait.ge @!p0 [sflag:s8], $0x0  }
0x24: {  	s3 =	sadd.s32 $0x88, s3;
	s6 =	simm.s32 @!p1 $0x1082;
	[sflag:s4] =	ssyncset.s32 $0xFFFFF086  }
0x25: {  	[simem:s6], [sflag:s4] =	dma.local [hbm:s3], $0xF7A  }
0x26: {  	[smem:$0x3F9B] =	sst s1;
	(tag) =	ssettag s2;
	_ =	strace s9  }
0x27: {  	s1 =	sld [smem:$0x3FAB]  }
0x28: {  	s2 =	sld [smem:$0x3FAC]  }
0x29: {  	s4 =	sld [smem:$0x3FAE]  }
0x2a: {  	p0 =	seq.s32 s5, $0x0;
	s5 =	sld [smem:$0x3FAF]  }
0x2b: {  	s6 =	sld [smem:$0x3FB0]  }
0x2c: {  	s7 =	sld [smem:$0x3FB1]  }
0x2d: {  	s3 =	simm.s32 $0x108;
	s8 =	sld [smem:$0x3FB2]  }
0x2e: {  	s3 =	simm.s32 @!p0 $0x1082;
	s9 =	sld [smem:$0x3FB3]  }
0x2f: {  	lr =	sadd.s32 s0, s3;
	s0 =	sld [smem:$0x3FAA]  }
0x30: {  	s3 =	sld [smem:$0x3FAD]  }
0x31: {  	[smem:$0x3FB6] =	sst s10  }
0x32: {  	s10 =	sld [smem:$0x3FB4];
	_ =	sdelay $0x3  }
0x33: {  	p0 =	seq.s32 s10, $0x1;
	s10 =	sld [smem:$0x3FB6];
	_ =	sdelay $0x3  }
0x34: {  	[smem:$0x3FB6] =	sst s10  }
0x35: {  	s10 =	sld [smem:$0x3FB5];
	_ =	sdelay $0x3  }
0x36: {  	p1 =	seq.s32 s10, $0x1;
	s10 =	sld [smem:$0x3FB6];
	_ =	sdelay $0x3  }
0x37: {  	[smem:$0x3FB6] =	sst s10  }
0x38: {  	s10 =	sld [smem:$0x3FB7]  }
0x39: {  	_ = 	snop;
	(pc) =	sbr.ind lr, $3  }
0x3a: {  	_ = 	snop  }
0x3b: {  	_ = 	snop  }
0x3c: {  	p2 =	seq.s32 s10, $0x1;
	s10 =	sld [smem:$0x3FB6]  }
0x3d: {  	_ =	shalt  }
0x3e: {  	_ =	shalt  }
0x3f: {  	_ =	shalt  }
0x40: {  	_ =	shalt  }
0x41: {  	_ =	shalt  }
0x42: {  	_ =	shalt  }
0x43: {  	_ =	shalt  }
0x44: {  	_ =	shalt  }
0x45: {  	_ =	shalt  }
0x46: {  	_ =	shalt  }
0x47: {  	_ =	shalt  }
0x48: {  	_ =	shalt  }
0x49: {  	_ =	shalt  }
0x4a: {  	_ =	shalt  }
0x4b: {  	_ =	shalt  }
0x4c: {  	_ =	shalt  }
0x4d: {  	_ =	shalt  }
0x4e: {  	_ =	shalt  }
0x4f: {  	_ =	shalt  }
0x50: {  	_ =	shalt  }
0x51: {  	_ =	shalt  }
0x52: {  	_ =	shalt  }
0x53: {  	_ =	shalt  }
0x54: {  	_ =	shalt  }
0x55: {  	_ =	shalt  }
0x56: {  	_ =	shalt  }
0x57: {  	_ =	shalt  }
0x58: {  	_ =	shalt  }
0x59: {  	_ =	shalt  }
0x5a: {  	_ =	shalt  }
0x5b: {  	_ =	shalt  }
0x5c: {  	_ =	shalt  }
0x5d: {  	_ =	shalt  }
0x5e: {  	_ =	shalt  }
0x5f: {  	_ =	shalt  }
0x60: {  	_ =	shalt  }
0x61: {  	_ =	shalt  }
0x62: {  	_ =	shalt  }
0x63: {  	_ =	shalt  }
0x64: {  	_ =	shalt  }
0x65: {  	_ =	shalt  }
0x66: {  	_ =	shalt  }
0x67: {  	_ =	shalt  }
0x68: {  	_ =	shalt  }
0x69: {  	_ =	shalt  }
0x6a: {  	_ =	shalt  }
0x6b: {  	_ =	shalt  }
0x6c: {  	_ =	shalt  }
0x6d: {  	_ =	shalt  }
0x6e: {  	_ =	shalt  }
0x6f: {  	_ =	shalt  }
0x70: {  	_ =	shalt  }
0x71: {  	_ =	shalt  }
0x72: {  	_ =	shalt  }
0x73: {  	_ =	shalt  }
0x74: {  	_ =	shalt  }
0x75: {  	_ =	shalt  }
0x76: {  	_ =	shalt  }
0x77: {  	_ =	shalt  }
0x78: {  	_ =	shalt  }
0x79: {  	_ =	shalt  }
0x7a: {  	_ =	shalt  }
0x7b: {  	_ =	shalt  }
0x7c: {  	_ =	shalt  }
0x7d: {  	_ =	shalt  }
0x7e: {  	_ =	shalt  }
0x7f: {  	_ =	shalt  }
0x80: {  	_ =	shalt  }
0x81: {  	_ =	shalt  }
0x82: {  	_ =	shalt  }
0x83: {  	_ =	shalt  }
0x84: {  	_ =	shalt  }
0x85: {  	_ =	shalt  }
0x86: {  	_ =	shalt  }
0x87: {  	_ =	shalt  }
.Lfunc_end0:
.L_simem_size_0:
called_computation_lowered:
.L_overlay_start_0:
0x88: {  	s2 =	sld [smem:$0x3FD9]  }
0x89: {  	s3 =	sld [smem:$0x3FFE];
	_ =	sdelay $0x1  }
0x8a: {  	s1 =	srdreg.scid  }
0x8b: {  	s0 =	sand.u32 $0x1, s1  }
0x8c: {  	s17 =	sshll.u32 s0, $0xA;
	s2 =	sadd.s32 s3, s2  }
0x8d: {  	s2 =	sadd.s32 s2, s17  }
0x8e: {  	[smem:$0x3FC2] =	sst s2  }
0x8f: {  	_ = 	snop  }
0x90: {  	s2 =	sld [smem:$0x3FD0];
	(tm) =	ssettm $0x1  }
0x91: {  	s18 =	sld [smem:$0x3FFB];
	_ =	sdelay $0x3  }
0x92: {  	_ =	strace s18  }
0x93: {  	s3 =	sld [smem:$0x3FFC];
	_ =	sdelay $0x3  }
0x94: {  	_ =	strace s3  }
0x95: {  	s3 =	sld [smem:$0x3FFD];
	_ =	sdelay $0x3  }
0x96: {  	_ =	strace s3  }
0x97: {  	_ =	strace $0x8FFFFFFF  }
0x98: {  	s19 =	sld [smem:$0x3FDB];
	_ =	sdelay $0x1  }
0x99: {  	s4 =	simm.s32 $_scs_section_size  }
0x9a: {  	s5 =	simm.s32 $_size__tile_overlayer_lowered;
	s6 =	simm.s32 $_tile_overlayer_lowered  }
0x9b: {  	s22 =	simm.s32 $0x1BFF;
	s21 =	sshll.u32 s6, $0x1;
	s3 =	sadd.s32 s4, s19  }
0x9c: {  	s7 =	simm.s32 $0x0;
	s20 =	sshll.u32 s5, $0x1;
	s5 =	sadd.s32 s21, s3  }
0x9d: {  	[timem:s7], [sflag:s22] =	dma.local [hbm:s5], s20  }
0x9e: {  	_ =	swait.ge [sflag:s22], s20  }
0x9f: {  	s4 =	ssub.s32 $0x0, s20;
	[sflag:s22] =	ssyncset.done $0x0  }
0xa0: {  	[sflag:s22] =	ssyncadd.s32 s4;
	_ =	sdelay $0x1  }
0xa1: {  	s23 =	simm.s32 $0x1B8B  }
0xa2: {  	_ =	swait.ge [sflag:s23], $0x1  }
0xa3: {  	[sflag:s23] =	ssyncset.done $0x0  }
0xa4: {  	s25 =	simm.s32 $0x1B8E;
	s24 =	sld [smem:$0x3FFE];
	[sflag:s23] =	ssyncadd.s32 $0xFFFFFFFF  }
0xa5: {  	s26 =	simm.s32 $execute0_lowered;
	[smem:$0x3FD2] =	sst s25  }
0xa6: {  	s5 =	sshll.u32 s26, $0x1;
	_ =	strace $0x80000046;
	[dreg:$0x1] =	wrdreg $0xFFFFFFFF  }
0xa7: {  	s28 =	simm.s32 $_size_execute0_lowered;
	s3 =	sadd.s32 s3, s5;
	[dreg:$0x0] =	wrdreg $0x0  }
0xa8: {  	s5 =	sshll.u32 s28, $0x1;
	[dreg:$0x2] =	wrdreg s3  }
0xa9: {  	[dreg:$0x3] =	wrdreg s5  }
0xaa: {  	[dreg:$0x4] =	wrdreg $0xC0  }
0xab: {  	_ =	task [dreg:s7], $0x5FFFF  }
0xac: {  	[dreg:$0x1] =	wrdreg $0xFFFFFFFF  }
0xad: {  	[dreg:$0x0] =	wrdreg $0x60  }
0xae: {  	[dreg:$0x2] =	wrdreg s24  }
0xaf: {  	[dreg:$0x3] =	wrdreg s2  }
0xb0: {  	[dreg:$0x4] =	wrdreg $0x9  }
0xb1: {  	_ =	task.clear_ibuf [dreg:s7], $0x5FFFF;
	_ =	strace $0x90000046  }
0xb2: {  	s29 =	simm.s32 $0x9;
	_ =	strace $0x80000048  }
0xb3: {  	_ =	swait.ge [sflag:s29], $0x1  }
0xb4: {  	[sflag:s29] =	ssyncadd.s32 $0xFFFFFFFF  }
0xb5: {  	_ =	strace $0x90000048  }
0xb6: {  	_ =	sfence  }
0xb7: {  	s30 =	sld [smem:$0x0];
	_ =	sdelay $0x2  }
0xb8: {  	s31 =	sshll.u32 s1, $0xD;
	s1 =	sshrl.u32 s1, $0x2  }
0xb9: {  	s3 =	sand.u32 $0x4000, s31;
	s1 =	sadd.s32 s1, s30  }
0xba: {  	s0 =	sor.u32 s3, s0;
	s1 =	sshll.u32 s1, $0x11  }
0xbb: {  	s0 =	sor.u32 s1, s0  }
0xbc: {  	s0 =	sadd.s32 $0x8F2B, s0  }
0xbd: {  	[sflag:s0] =	ssyncadd.remote.s32 $0x1  }
0xbe: {  	_ =	sfence.sel $0xFFFF  }
0xbf: {  	[dreg:$0x0] =	wrdreg $0xFFFFFFFF;
	(pc) =	sbr.abs _section_cstart, $3  }
0xc0: {  	[dreg:$0x1] =	wrdreg $0xFFFFFFFF  }
0xc1: {  	_ =	task.clear_ibuf [dreg:s7], $0x2FFFF;
	_ =	strace $0x9FFFFFFF  }
0xc2: {  	(tm) =	ssettm $0x7FFFFFFF  }
0xc3: {  	_ =	shalt  }
tec
execute0_lowered:
.L_overlay_start_1:
0x0: {  	(tag) =	ssettag $0x1  }
0x1: {  	s3 =	rddreg [dreg:$0x0]  }
0x2: {  	s8 =	rddreg [dreg:$0x1]  }
0x3: {  	s1 =	srdreg.scid;
	s0 =	rddreg [dreg:$0x2]  }
0x4: {  	s2 =	simm.s32 $0x0;
	s12 =	simm.s32 $0x2000;
	s13 =	simm.s32 $0x2  }
0x5: {  	s14 =	simm.s32 $0x80;
	s15 =	simm.s32 $0x400;
	s16 =	simm.s32 $0x3  }
0x6: {  	s17 =	simm.s32 $0x0;
	s4 =	sand.u32 $0x1, s1;
	[smem:$0x7FF] =	sst s2  }
0x7: {  	s1 =	stileid.u32;
	s5 =	sshll.u32 s4, $0x4;
	_ =	strace $0x80000047  }
0x8: {  	s4 =	ssub.s32 $0x2, s4;
	s7 =	sshll.u32 s1, $0x7;
	s5 =	sor.u32 s1, s5  }
0x9: {  	s30 =	sshrl.u32 s4, $0x1;
	s6 =	sshll.u32 s5, $0x9;
	s5 =	sshrl.u32 s5, $0x3  }
0xa: {  	s31 =	sand.u32 $0x380, s7;
	s5 =	smul.u32 $0x13C00, s5;
	s9 =	sadd.s32 s6, s3  }
0xb: {  	s10 =	ssub.s32 s4, s30;
	s3 =	sadd.s32 $0x16A00, s9;
	s4 =	sadd.s32 $0x1AA00, s9  }
0xc: {  	s7 =	sadd.s32 $0x26A00, s9;
	s6 =	sor.u32 s31, s5;
	s5 =	sadd.s32 $0x1EA00, s9  }
0xd: {  	s11 =	sshrl.u32 s6, $0x3;
	s6 =	sadd.s32 $0x22A00, s9;
	s9 =	smax.u32 s10, $0x1  }
0xe: {  	v0 =	vimm.f32 $0.0e+00;
	v1 =	vimm.f32 $1.000000000e+00;
	s10 =	simm.s32 $0x1000;
	s8 =	sadd.s32 s8, s11;
	s11 =	simm.s32 $0x1  }
.LBB2_1:
0xf: {  	[tilespmem:s2], [sflag:$0x1] =	stream.linear.gather [hbm4b:s3+s2], $0xC80, $0x38;
	[tilespmem:$0x4780] =	vst v63  }
0x10: {  	s18 =	simm.s32 $0x40;
	s19 =	simm.s32 $0x0  }
.LBB2_2:
0x11: {  	p0 =	sne.s32 s18, $0x9DC0;
	[tilespmem:s19+$0x2000] =	vst v0;
	s19 =	smov.u32 s18;
	s18 =	sadd.s32 $0x40, s18  }
.Ltmp0:
0x12: {  	(pc) =	sbr.rel @p0 .LBB2_2-.Ltmp0, $2  }
0x13: {  	_ =	sdelay $0x2  }
0x14: {  	s19 =	sshra.s32 s19, $0x2  }
0x15: {  	[tilespmem:s19+$0x2000] =	vst v0  }
0x16: {  	[tilespmem:s10], [sflag:$0x2] =	stream.linear.gather [hbm4b:s4+s2], $0xC80, $0x38;
	[tilespmem:$0x4780] =	vst v63  }
0x17: {  	_ =	swait.ge [sflag:s11], $0xC80  }
0x18: {  	[sflag:s11] =	ssyncset.done $0x0  }
0x19: {  	s18 =	simm.s32 $0x100;
	[sflag:s11] =	ssyncadd.s32 $0xFFFFF380  }
.LBB2_4:
0x1a: {  	s19 =	sshra.s32 s18, $0x2  }
0x1b: {  	v2 =	vld [tilespmem:s19+$0xFFFFFFC0];
	_ =	sdelay $0x7  }
0x1c: {  	[tilespmem:v2+s12+$0x0] =	vst.idx.add.f32.msk $0xffff, v1  }
0x1d: {  	v2 =	vld [tilespmem:s19+$0xFFFFFFD0];
	_ =	sdelay $0x7  }
0x1e: {  	[tilespmem:v2+s12+$0x0] =	vst.idx.add.f32.msk $0xffff, v1  }
0x1f: {  	v2 =	vld [tilespmem:s19+$0xFFFFFFE0];
	_ =	sdelay $0x7  }
0x20: {  	[tilespmem:v2+s12+$0x0] =	vst.idx.add.f32.msk $0xffff, v1  }
0x21: {  	v2 =	vld [tilespmem:s19+$0xFFFFFFF0];
	_ =	sdelay $0x7  }
0x22: {  	[tilespmem:v2+s12+$0x0] =	vst.idx.add.f32.msk $0xffff, v1  }
0x23: {  	v2 =	vld [tilespmem:s19+$0x0];
	_ =	sdelay $0x2  }
0x24: {  	p0 =	sne.s32 s18, $0x3100  }
.Ltmp1:
0x25: {  	_ = 	snop;
	(pc) =	sbr.rel @p0 .LBB2_4-.Ltmp1, $2  }
0x26: {  	_ =	sdelay $0x2  }
0x27: {  	s18 =	sadd.s32 $0x200, s18;
	[tilespmem:v2+s12+$0x0] =	vst.idx.add.f32.msk $0xffff, v1  }
0x28: {  	[tilespmem:s2], [sflag:$0x1] =	stream.linear.gather [hbm4b:s5+s2], $0xC80, $0x38;
	[tilespmem:$0x4780] =	vst v63  }
0x29: {  	_ =	swait.ge [sflag:s13], $0xC80  }
0x2a: {  	[sflag:s13] =	ssyncset.done $0x0  }
0x2b: {  	s18 =	simm.s32 $0x100;
	[sflag:s13] =	ssyncadd.s32 $0xFFFFF380  }
.LBB2_6:
0x2c: {  	s19 =	sshra.s32 s18, $0x2  }
0x2d: {  	v2 =	vld [tilespmem:s19+$0xFC0];
	_ =	sdelay $0x7  }
0x2e: {  	[tilespmem:v2+s12+$0x0] =	vst.idx.add.f32.msk $0xffff, v1  }
0x2f: {  	v2 =	vld [tilespmem:s19+$0xFD0];
	_ =	sdelay $0x7  }
0x30: {  	[tilespmem:v2+s12+$0x0] =	vst.idx.add.f32.msk $0xffff, v1  }
0x31: {  	v2 =	vld [tilespmem:s19+$0xFE0];
	_ =	sdelay $0x7  }
0x32: {  	[tilespmem:v2+s12+$0x0] =	vst.idx.add.f32.msk $0xffff, v1  }
0x33: {  	v2 =	vld [tilespmem:s19+$0xFF0];
	_ =	sdelay $0x7  }
0x34: {  	[tilespmem:v2+s12+$0x0] =	vst.idx.add.f32.msk $0xffff, v1  }
0x35: {  	v2 =	vld [tilespmem:s19+$0x1000];
	_ =	sdelay $0x2  }
0x36: {  	p0 =	sne.s32 s18, $0x3100  }
.Ltmp2:
0x37: {  	_ = 	snop;
	(pc) =	sbr.rel @p0 .LBB2_6-.Ltmp2, $2  }
0x38: {  	_ =	sdelay $0x2  }
0x39: {  	s18 =	sadd.s32 $0x200, s18;
	[tilespmem:v2+s12+$0x0] =	vst.idx.add.f32.msk $0xffff, v1  }
0x3a: {  	[tilespmem:s10], [sflag:$0x2] =	stream.linear.gather [hbm4b:s6+s2], $0xC80, $0x38;
	[tilespmem:$0x4780] =	vst v63  }
0x3b: {  	_ =	swait.ge [sflag:s11], $0xC80  }
0x3c: {  	[sflag:s11] =	ssyncset.done $0x0  }
0x3d: {  	s18 =	simm.s32 $0x100;
	[sflag:s11] =	ssyncadd.s32 $0xFFFFF380  }
.LBB2_8:
0x3e: {  	s19 =	sshra.s32 s18, $0x2  }
0x3f: {  	v2 =	vld [tilespmem:s19+$0xFFFFFFC0];
	_ =	sdelay $0x7  }
0x40: {  	[tilespmem:v2+s12+$0x0] =	vst.idx.add.f32.msk $0xffff, v1  }
0x41: {  	v2 =	vld [tilespmem:s19+$0xFFFFFFD0];
	_ =	sdelay $0x7  }
0x42: {  	[tilespmem:v2+s12+$0x0] =	vst.idx.add.f32.msk $0xffff, v1  }
0x43: {  	v2 =	vld [tilespmem:s19+$0xFFFFFFE0];
	_ =	sdelay $0x7  }
0x44: {  	[tilespmem:v2+s12+$0x0] =	vst.idx.add.f32.msk $0xffff, v1  }
0x45: {  	v2 =	vld [tilespmem:s19+$0xFFFFFFF0];
	_ =	sdelay $0x7  }
0x46: {  	[tilespmem:v2+s12+$0x0] =	vst.idx.add.f32.msk $0xffff, v1  }
0x47: {  	v2 =	vld [tilespmem:s19+$0x0];
	_ =	sdelay $0x2  }
0x48: {  	p0 =	sne.s32 s18, $0x3100  }
.Ltmp3:
0x49: {  	_ = 	snop;
	(pc) =	sbr.rel @p0 .LBB2_8-.Ltmp3, $2  }
0x4a: {  	_ =	sdelay $0x2  }
0x4b: {  	s18 =	sadd.s32 $0x200, s18;
	[tilespmem:v2+s12+$0x0] =	vst.idx.add.f32.msk $0xffff, v1  }
0x4c: {  	[tilespmem:s2], [sflag:$0x1] =	stream.linear.gather [hbm4b:s7+s2], $0xC80, $0x38;
	[tilespmem:$0x4780] =	vst v63  }
0x4d: {  	_ =	swait.ge [sflag:s13], $0xC80  }
0x4e: {  	[sflag:s13] =	ssyncset.done $0x0  }
0x4f: {  	s18 =	simm.s32 $0x100;
	[sflag:s13] =	ssyncadd.s32 $0xFFFFF380  }
.LBB2_10:
0x50: {  	s19 =	sshra.s32 s18, $0x2  }
0x51: {  	v2 =	vld [tilespmem:s19+$0xFC0];
	_ =	sdelay $0x7  }
0x52: {  	[tilespmem:v2+s12+$0x0] =	vst.idx.add.f32.msk $0xffff, v1  }
0x53: {  	v2 =	vld [tilespmem:s19+$0xFD0];
	_ =	sdelay $0x7  }
0x54: {  	[tilespmem:v2+s12+$0x0] =	vst.idx.add.f32.msk $0xffff, v1  }
0x55: {  	v2 =	vld [tilespmem:s19+$0xFE0];
	_ =	sdelay $0x7  }
0x56: {  	[tilespmem:v2+s12+$0x0] =	vst.idx.add.f32.msk $0xffff, v1  }
0x57: {  	v2 =	vld [tilespmem:s19+$0xFF0];
	_ =	sdelay $0x7  }
0x58: {  	[tilespmem:v2+s12+$0x0] =	vst.idx.add.f32.msk $0xffff, v1  }
0x59: {  	v2 =	vld [tilespmem:s19+$0x1000];
	_ =	sdelay $0x2  }
0x5a: {  	p0 =	sne.s32 s18, $0x3100  }
.Ltmp4:
0x5b: {  	_ = 	snop;
	(pc) =	sbr.rel @p0 .LBB2_10-.Ltmp4, $2  }
0x5c: {  	_ =	sdelay $0x2  }
0x5d: {  	s18 =	sadd.s32 $0x200, s18;
	[tilespmem:v2+s12+$0x0] =	vst.idx.add.f32.msk $0xffff, v1  }
0x5e: {  	_ =	swait.ge [sflag:s11], $0xC80  }
0x5f: {  	[sflag:s11] =	ssyncset.done $0x0  }
0x60: {  	s18 =	simm.s32 $0x100;
	[sflag:s11] =	ssyncadd.s32 $0xFFFFF380  }
.LBB2_12:
0x61: {  	s19 =	sshra.s32 s18, $0x2  }
0x62: {  	v2 =	vld [tilespmem:s19+$0xFFFFFFC0];
	_ =	sdelay $0x7  }
0x63: {  	[tilespmem:v2+s12+$0x0] =	vst.idx.add.f32.msk $0xffff, v1  }
0x64: {  	v2 =	vld [tilespmem:s19+$0xFFFFFFD0];
	_ =	sdelay $0x7  }
0x65: {  	[tilespmem:v2+s12+$0x0] =	vst.idx.add.f32.msk $0xffff, v1  }
0x66: {  	v2 =	vld [tilespmem:s19+$0xFFFFFFE0];
	_ =	sdelay $0x7  }
0x67: {  	[tilespmem:v2+s12+$0x0] =	vst.idx.add.f32.msk $0xffff, v1  }
0x68: {  	v2 =	vld [tilespmem:s19+$0xFFFFFFF0];
	_ =	sdelay $0x7  }
0x69: {  	[tilespmem:v2+s12+$0x0] =	vst.idx.add.f32.msk $0xffff, v1  }
0x6a: {  	v2 =	vld [tilespmem:s19+$0x0];
	_ =	sdelay $0x2  }
0x6b: {  	p0 =	sne.s32 s18, $0x3100  }
.Ltmp5:
0x6c: {  	_ = 	snop;
	(pc) =	sbr.rel @p0 .LBB2_12-.Ltmp5, $2  }
0x6d: {  	_ =	sdelay $0x2  }
0x6e: {  	s18 =	sadd.s32 $0x200, s18;
	[tilespmem:v2+s12+$0x0] =	vst.idx.add.f32.msk $0xffff, v1  }
0x6f: {  	s17 =	sadd.s32 $0x1, s17  }
0x70: {  	p0 =	sne.s32 s17, s9  }
.Ltmp6:
0x71: {  	_ = 	snop;
	(pc) =	sbr.rel @p0 .LBB2_1-.Ltmp6, $4  }
0x72: {  	[hbm4b:s8+s14] =	stream.strided.scatter [tilespmem:s12], [sflag:$0x3], $0x2780, s15, s14, $0x38;
	[tilespmem:$0x4780] =	vst v63  }
0x73: {  	_ =	swait.ge [sflag:s16], $0x2780  }
0x74: {  	[sflag:s16] =	ssyncset.done $0x0  }
0x75: {  	[sflag:s16] =	ssyncadd.s32 $0xFFFFD880  }
0x76: {  	_ =	sfence.sel $0x180000  }
0x77: {  	[bflag:$0x0] =	sbarrier.arrive $0xFFFF  }
0x78: {  	p0 =	sne.s32 s1, $0x0;
	_ =	strace $0x90000047  }
0x79: {  	s0 =	sadd.s32 @!p0 $0x100000, s0;
	[bflag:$0x2] =	sbarrier.arrive $0xFFFF  }
0x7a: {  	[sflag:s0] =	ssyncadd.tile.s32 @!p0 $0x1;
	_ =	shalt  }
.Lfunc_end2:
_tile_overlayer_lowered:
.L_overlay_start_2:
0x7b: {  	(tag) =	ssettag $0x2  }
0x7c: {  	s0 =	rddreg [dreg:$0x0];
	s2 =	stileid.u32  }
0x7d: {  	s1 =	rddreg [dreg:$0x1];
	p0 =	sne.s32 s2, $0x0  }
0x7e: {  	s3 =	rddreg [dreg:$0x2];
	[bflag:$0x3] =	sbarrier.arrive $0xFFFF;
	s2 =	simm.s32 @!p0 $0x1C03  }
0x7f: {  	[timem:s3], [sflag:s2] =	dma.local @!p0 [hbm:s0], s1  }
0x80: {  	s0 =	simm.s32 @!p0 $0x3  }
0x81: {  	_ =	swait.ge @!p0 [sflag:s0], s1  }
0x82: {  	s1 =	ssub.s32 @!p0 $0x0, s1;
	[sflag:s0] =	ssyncset.done @!p0 $0x0  }
0x83: {  	[sflag:s0] =	ssyncadd.s32 @!p0 s1  }
0x84: {  	[bflag:$0x3] =	sbarrier.arrive $0xFFFF  }
0x85: {  	_ =	shalt  }

</sc_bundles>
